<compile_context>
chip_gen: v7x
topology: tpu7x:2x2x1
jax: 0.10.2.dev20260603
libtpu: 0.0.44.dev20260713+nightly
codegen_flags: <defaults>
</compile_context>

<pallas_src>
import jax
import jax.numpy as jnp
from jax import lax
from jax.experimental import pallas as pl
from jax.experimental.pallas import tpu as pltpu
from jax.experimental.pallas import tpu_sc as plsc

N = 10000
E = 320000
D_IN = 128
C = 128

NC = 2
NS = 16
NW = NC * NS
EPT = E // NW
K = 80
NCHUNK = EPT // K
L = 16
NF = C // L
N_PAD = 10240
ROWS_PT = N_PAD // NS
DEN_W = 16

_SC_PARAMS = pltpu.CompilerParams(use_tc_tiling_on_sc=False)


def _matmul_body(x_ref, w_ref, o_ref):
    o_ref[...] = jnp.dot(x_ref[...], w_ref[...],
                         preferred_element_type=jnp.float32)


def _project(x, W):
    return pl.pallas_call(
        _matmul_body,
        out_shape=jax.ShapeDtypeStruct((N, C), jnp.float32),
    )(x, W)


def _edge_body(xproj_hbm, row_hbm, col3_hbm, att_hbm, out_den_hbm,
               row_all, col_all, xr_v, xc_v, ex_v, att_v, zden_v,
               acc_den_s, semg0, semg1, sems0, sems1):
    cid = lax.axis_index("c")
    sid = lax.axis_index("s")
    wid = sid * NC + cid
    ebase = wid * EPT
    semg = [semg0, semg1]
    sems = [sems0, sems1]

    zeros16 = jnp.zeros((L,), jnp.float32)

    def zdrow(i, _):
        zden_v[i, :] = zeros16
        return 0
    lax.fori_loop(0, ROWS_PT, zdrow, 0)
    pltpu.sync_copy(zden_v, acc_den_s.at[pl.ds(sid * ROWS_PT, ROWS_PT)])
    plsc.subcore_barrier()

    pltpu.sync_copy(att_hbm, att_v)
    att_chunks = [att_v[pl.ds(f * L, L)] for f in range(NF)]
    pltpu.sync_copy(row_hbm.at[pl.ds(ebase, EPT)], row_all)
    pltpu.sync_copy(col3_hbm.at[wid], col_all)
    ex_v[0, 0, :] = jnp.full((L,), 1.0, jnp.float32)
    ones = ex_v[0, 0, :]

    def start_gathers(ci, slot):
        pltpu.async_copy(xproj_hbm.at[row_all.at[pl.ds(ci * K, K)]],
                         xr_v.at[slot], semg[slot])
        pltpu.async_copy(xproj_hbm.at[col_all.at[ci]],
                         xc_v.at[slot], semg[slot])

    def wait_gathers(ci, slot):
        pltpu.make_async_copy(xproj_hbm.at[row_all.at[pl.ds(ci * K, K)]],
                              xr_v.at[slot], semg[slot]).wait()
        pltpu.make_async_copy(xproj_hbm.at[col_all.at[ci]],
                              xc_v.at[slot], semg[slot]).wait()

    def compute_chunk(ci, slot):
        @plsc.parallel_loop(0, K, unroll=8)
        def edge_body(e):
            accs = [zeros16, zeros16]
            for f in range(NF):
                xr = xr_v[slot, e, pl.ds(f * L, L)]
                xc = xc_v[slot, e, pl.ds(f * L, L)]
                s = xr + xc
                lr = jnp.maximum(s, 0.2 * s)
                accs[f % 2] = accs[f % 2] + lr * att_chunks[f]
            acc = accs[0] + accs[1]
            acc = acc + lax.rev(acc, (0,))
            s0 = acc[0] + acc[1]
            s1 = acc[2] + acc[3]
            s2 = acc[4] + acc[5]
            s3 = acc[6] + acc[7]
            a = (s0 + s1) + (s2 + s3)
            ex_v[slot, e, :] = jnp.exp(ones * a)

    def wait_scatter(slot):
        pltpu.make_async_copy(ex_v.at[slot], acc_den_s.at[col_all.at[0]],
                              sems[slot]).wait()

    def start_scatter(ci, slot):
        pltpu.async_copy(ex_v.at[slot], acc_den_s.at[col_all.at[ci]],
                         sems[slot], add=True)

    start_gathers(0, 0)
    for b in range(2):
        pltpu.async_copy(zden_v.at[pl.ds(0, K)],
                         acc_den_s.at[col_all.at[0]], sems[b], add=True)

    def pair_body(i, _):
        cb = i * 2
        for b in range(2):
            ci = cb + b
            start_gathers(ci + 1, (b + 1) % 2)
            wait_gathers(ci, b)
            wait_scatter(b)
            compute_chunk(ci, b)
            start_scatter(ci, b)
        return 0
    lax.fori_loop(0, (NCHUNK - 1) // 2, pair_body, 0)

    wait_gathers(NCHUNK - 1, 0)
    wait_scatter(0)
    compute_chunk(NCHUNK - 1, 0)
    start_scatter(NCHUNK - 1, 0)

    wait_scatter(0)
    wait_scatter(1)
    plsc.subcore_barrier()
    rows = pl.ds(sid * ROWS_PT, ROWS_PT)
    pltpu.sync_copy(acc_den_s.at[rows], out_den_hbm.at[cid].at[rows])


def _edge_call(xp, row, col, attv):
    mesh = plsc.VectorSubcoreMesh(core_axis_name="c", subcore_axis_name="s",
                                  num_cores=NC, num_subcores=NS)
    fn = pl.kernel(
        _edge_body,
        out_type=jax.ShapeDtypeStruct((NC, N_PAD, DEN_W), jnp.float32),
        mesh=mesh,
        compiler_params=_SC_PARAMS,
        scratch_types=[
            pltpu.VMEM((EPT,), jnp.int32),
            pltpu.VMEM((NCHUNK, K), jnp.int32),
            pltpu.VMEM((2, K, C), jnp.float32),
            pltpu.VMEM((2, K, C), jnp.float32),
            pltpu.VMEM((2, K, DEN_W), jnp.float32),
            pltpu.VMEM((C,), jnp.float32),
            pltpu.VMEM((ROWS_PT, DEN_W), jnp.float32),
            pltpu.VMEM_SHARED((N_PAD, DEN_W), jnp.float32),
            pltpu.SemaphoreType.DMA,
            pltpu.SemaphoreType.DMA,
            pltpu.SemaphoreType.DMA,
            pltpu.SemaphoreType.DMA,
        ],
    )
    return fn(xp, row, col.reshape(NW, NCHUNK, K), attv)


def _scale_body(xp_ref, pden_ref, o_ref):
    d = pden_ref[0, :, 0:1]
    for c in range(1, NC):
        d = d + pden_ref[c, :, 0:1]
    o_ref[...] = xp_ref[...] * (d / (d + 1e-16))


def _scale(xp, pden):
    BN = 2000
    return pl.pallas_call(
        _scale_body,
        grid=(N // BN,),
        in_specs=[
            pl.BlockSpec((BN, C), lambda i: (i, 0)),
            pl.BlockSpec((NC, BN, DEN_W), lambda i: (0, i, 0)),
        ],
        out_specs=pl.BlockSpec((BN, C), lambda i: (i, 0)),
        out_shape=jax.ShapeDtypeStruct((N, C), jnp.float32),
    )(xp, pden)


def kernel(x, edge_index, W, att):
    ei = edge_index.astype(jnp.int32)
    row = ei[0]
    col = ei[1]
    xp = _project(x, W)
    attv = att.reshape(C).astype(jnp.float32)
    pden = _edge_call(xp, row, col, attv)
    return _scale(xp, pden[:, :N])

# --- scband reference (transcript-rebuilt; emitter-appended) ---
"""Pipeline reference for scband-gatv2-with-logits-9088150798342 (READ-ONLY COPY).

The authoritative reference and input builder live on the scoring server;
editing this copy changes nothing except your own understanding.
"""

import jax, jax.numpy as jnp
import numpy as np

N = 10000
E = 320000
D_IN = 128
H = 1
C = 128

def _xavier_uniform(key, shape, fan_in, fan_out):
    limit = float(np.sqrt(6.0 / (fan_in + fan_out)))
    return jax.random.uniform(key, shape, minval=-limit, maxval=limit, dtype=jnp.float32)

def setup_inputs(seed: int = 0) -> dict:
    key = jax.random.key(seed)
    k1, k2, k3, k4 = jax.random.split(key, 4)
    x = jax.random.normal(k1, (N, D_IN), dtype=jnp.float32)
    edge_index = jax.random.randint(k2, (2, E), 0, N, dtype=jnp.int64)
    # lin_node: torch Linear(in=128, out=H*C=128, bias=False); store as [in, out] for x @ W
    W = _xavier_uniform(k3, (D_IN, H * C), D_IN, H * C)
    # att parameter of shape (1, H, C); torch xavier_uniform on that shape uses fan_in=C*1 heuristics,
    # here fan dims are (H, C) -> fan_in=C, fan_out=H (per torch's _calculate_fan for 3D with leading 1)
    att = _xavier_uniform(k4, (1, H, C), H, C)
    return {"x": x, "edge_index": edge_index, "W": W, "att": att}

def _segment_softmax(alpha, seg, num_segments):
    # alpha: [E, H], seg: [E]
    m = jax.ops.segment_max(alpha, seg, num_segments=num_segments)
    m = jnp.where(jnp.isfinite(m), m, 0.0)
    alpha = alpha - m[seg]
    ex = jnp.exp(alpha)
    denom = jax.ops.segment_sum(ex, seg, num_segments=num_segments)
    return ex / (denom[seg] + 1e-16)

def reference(x, edge_index, W, att):
    x_proj = (x @ W).reshape(N, H, C)
    row = edge_index[0]
    col = edge_index[1]
    x_i = x_proj[row]
    x_j = x_proj[col]
    alpha_input = x_i + x_j
    alpha_input = jax.nn.leaky_relu(alpha_input, negative_slope=0.2)
    alpha = (alpha_input * att).sum(axis=-1)  # [E, H]
    alpha = _segment_softmax(alpha, col, N)
    # dropout p=0.0 -> identity
    out = x_j * alpha[..., None]  # [E, H, C]
    out = jax.ops.segment_sum(out, col, num_segments=N)  # [N, H, C]
    # concat=False -> mean over heads
    out = out.mean(axis=1)  # [N, C]
    return out

if False:  # reference __main__ guard neutralized (emitter)
    inp = setup_inputs()
    o = reference(**inp)
    print(o.shape, o.dtype)

if __name__ == "__main__":
    import jax
    _d = setup_inputs()
    print(jax.jit(kernel)(*tuple(_d.values())))

</pallas_src>

<mosaic_0001>
#map = affine_map<(d0, d1) -> (0, 0)>
#map1 = affine_map<(d0, d1) -> (0)>
#map2 = affine_map<(d0, d1) -> (0, 0, 0)>
module attributes {stable_mosaic.version = 14 : i64} {
  func.func @_edge_body(%arg0: i32, %arg1: i32, %arg2: memref<10000x128xf32, #tpu.memory_space<hbm>>, %arg3: memref<320000xi32, #tpu.memory_space<hbm>>, %arg4: memref<32x125x80xi32, #tpu.memory_space<hbm>>, %arg5: memref<128xf32, #tpu.memory_space<hbm>>, %arg6: memref<2x10240x16xf32, #tpu.memory_space<hbm>>, %arg7: memref<10000xi32, #tpu.memory_space<vmem>>, %arg8: memref<125x80xi32, #tpu.memory_space<vmem>>, %arg9: memref<2x80x128xf32, #tpu.memory_space<vmem>>, %arg10: memref<2x80x128xf32, #tpu.memory_space<vmem>>, %arg11: memref<2x80x16xf32, #tpu.memory_space<vmem>>, %arg12: memref<128xf32, #tpu.memory_space<vmem>>, %arg13: memref<640x16xf32, #tpu.memory_space<vmem>>, %arg14: memref<10240x16xf32, #tpu.memory_space<vmem_shared>>, %arg15: memref<!tpu.dma_semaphore, #tpu.memory_space<semaphore_mem>>, %arg16: memref<!tpu.dma_semaphore, #tpu.memory_space<semaphore_mem>>, %arg17: memref<!tpu.dma_semaphore, #tpu.memory_space<semaphore_mem>>, %arg18: memref<!tpu.dma_semaphore, #tpu.memory_space<semaphore_mem>>) attributes {dimension_semantics = [#tpu.dimension_semantics<core_parallel>, #tpu.dimension_semantics<subcore_parallel>], iteration_bounds = array<i64: 2, 16>, scalar_prefetch = 0 : i64, scratch_operands = 12 : i64, tpu.core_type = #tpu.core_type<sc_vector_subcore>, window_params = [{transform_indices = #map}, {transform_indices = #map1}, {transform_indices = #map2}, {transform_indices = #map1}, {transform_indices = #map2}]} {
    %mul3A = arith.constant 2 : i32
    %mul3A_0 = arith.muli %arg1, %mul3A : i32
    %add3A = arith.addi %mul3A_0, %arg0 : i32
    %mul3A_1 = arith.constant 10000 : i32
    %mul3A_2 = arith.muli %add3A, %mul3A_1 : i32
    %broadcast_in_dim3A = arith.constant 0.000000e+00 : f32
    %broadcast_in_dim3A_3 = vector.broadcast %broadcast_in_dim3A : f32 to vector<16xf32>
    %scan3A = arith.constant 0 : i32
    %scan3A_4 = arith.constant 0 : i32
    %scan3A_5 = arith.constant 640 : i32
    %scan3A_6 = arith.addi %scan3A_4, %scan3A_5 : i32
    %scan3A_7 = arith.constant 1 : i32
    %scan3A_8 = scf.for %scan3A_173 = %scan3A_4 to %scan3A_6 step %scan3A_7 iter_args(%scan3A_174 = %scan3A) -> (i32)  : i32 {
      %swap3A_175 = arith.index_cast %scan3A_173 : i32 to index
      %swap3A_176 = arith.constant 0 : index
      %swap3A_177 = tpu.vector_load %arg13[%swap3A_175, %swap3A_176] {strides = array<i32>} : memref<640x16xf32, #tpu.memory_space<vmem>>, vector<1x16xf32>,
      %swap3A_178 = vector.shape_cast %swap3A_177 : vector<1x16xf32> to vector<16xf32>
      %swap3A_179 = vector.shape_cast %broadcast_in_dim3A_3 : vector<16xf32> to vector<1x16xf32>
      tpu.vector_store %arg13[%swap3A_175, %swap3A_176], %swap3A_179 {strides = array<i32>} : memref<640x16xf32, #tpu.memory_space<vmem>>, vector<1x16xf32>,
      %scan3A_180 = arith.constant 0 : i32
      scf.yield %scan3A_180 : i32
    }
    %scan3A_9 = arith.constant 640 : i32
    %mul3A_10 = arith.constant 640 : i32
    %mul3A_11 = arith.muli %arg1, %mul3A_10 : i32
    "tpu.region"() ({
      %run_scoped3A = tpu.sem_alloc : memref<!tpu.dma_semaphore, #tpu.memory_space<semaphore_mem>>
      %dma_start3A_173 = arith.constant 0 : i32
      %dma_start3A_174 = tpu.memref_slice %arg14[%mul3A_11, %dma_start3A_173] : memref<10240x16xf32, #tpu.memory_space<vmem_shared>> -> memref<640x16xf32, #tpu.memory_space<vmem_shared>>
      %dma_start3A_175 = arith.constant 0 : i32
      %dma_start3A_176 = tpu.memref_slice %arg14[%mul3A_11, %dma_start3A_175] : memref<10240x16xf32, #tpu.memory_space<vmem_shared>> -> memref<640x16xf32, #tpu.memory_space<vmem_shared>>
      tpu.enqueue_dma source(%arg13 : memref<640x16xf32, #tpu.memory_space<vmem>>) target(%dma_start3A_176 : memref<640x16xf32, #tpu.memory_space<vmem_shared>>) target_semaphore(%run_scoped3A : memref<!tpu.dma_semaphore, #tpu.memory_space<semaphore_mem>>)
      %dma_wait3A_177 = arith.constant 0 : i32
      %dma_wait3A_178 = tpu.memref_slice %arg14[%mul3A_11, %dma_wait3A_177] : memref<10240x16xf32, #tpu.memory_space<vmem_shared>> -> memref<640x16xf32, #tpu.memory_space<vmem_shared>>
      %dma_wait3A_179 = arith.constant 0 : i32
      %dma_wait3A_180 = tpu.memref_slice %arg14[%mul3A_11, %dma_wait3A_179] : memref<10240x16xf32, #tpu.memory_space<vmem_shared>> -> memref<640x16xf32, #tpu.memory_space<vmem_shared>>
      tpu.wait_dma2 semaphore(%run_scoped3A : memref<!tpu.dma_semaphore, #tpu.memory_space<semaphore_mem>>) src(%arg13 : memref<640x16xf32, #tpu.memory_space<vmem>>) dst(%dma_wait3A_180 : memref<640x16xf32, #tpu.memory_space<vmem_shared>>)
      tpu.yield
    }) : () -> ()
    %barrier3A = arith.constant 0 : index
    tpu.barrier barrier_id(%barrier3A)
    "tpu.region"() ({
      %run_scoped3A = tpu.sem_alloc : memref<!tpu.dma_semaphore, #tpu.memory_space<semaphore_mem>>
      tpu.enqueue_dma source(%arg5 : memref<128xf32, #tpu.memory_space<hbm>>) target(%arg12 : memref<128xf32, #tpu.memory_space<vmem>>) target_semaphore(%run_scoped3A : memref<!tpu.dma_semaphore, #tpu.memory_space<semaphore_mem>>)
      tpu.wait_dma2 semaphore(%run_scoped3A : memref<!tpu.dma_semaphore, #tpu.memory_space<semaphore_mem>>) src(%arg5 : memref<128xf32, #tpu.memory_space<hbm>>) dst(%arg12 : memref<128xf32, #tpu.memory_space<vmem>>)
      tpu.yield
    }) : () -> ()
    %get3A = arith.constant 0 : index
    %get3A_12 = tpu.vector_load %arg12[%get3A] {strides = array<i32>} : memref<128xf32, #tpu.memory_space<vmem>>, vector<16xf32>,
    %get3A_13 = vector.shape_cast %get3A_12 : vector<16xf32> to vector<16xf32>
    %get3A_14 = arith.constant 16 : index
    %get3A_15 = tpu.vector_load %arg12[%get3A_14] {strides = array<i32>} : memref<128xf32, #tpu.memory_space<vmem>>, vector<16xf32>,
    %get3A_16 = vector.shape_cast %get3A_15 : vector<16xf32> to vector<16xf32>
    %get3A_17 = arith.constant 32 : index
    %get3A_18 = tpu.vector_load %arg12[%get3A_17] {strides = array<i32>} : memref<128xf32, #tpu.memory_space<vmem>>, vector<16xf32>,
    %get3A_19 = vector.shape_cast %get3A_18 : vector<16xf32> to vector<16xf32>
    %get3A_20 = arith.constant 48 : index
    %get3A_21 = tpu.vector_load %arg12[%get3A_20] {strides = array<i32>} : memref<128xf32, #tpu.memory_space<vmem>>, vector<16xf32>,
    %get3A_22 = vector.shape_cast %get3A_21 : vector<16xf32> to vector<16xf32>
    %get3A_23 = arith.constant 64 : index
    %get3A_24 = tpu.vector_load %arg12[%get3A_23] {strides = array<i32>} : memref<128xf32, #tpu.memory_space<vmem>>, vector<16xf32>,
    %get3A_25 = vector.shape_cast %get3A_24 : vector<16xf32> to vector<16xf32>
    %get3A_26 = arith.constant 80 : index
    %get3A_27 = tpu.vector_load %arg12[%get3A_26] {strides = array<i32>} : memref<128xf32, #tpu.memory_space<vmem>>, vector<16xf32>,
    %get3A_28 = vector.shape_cast %get3A_27 : vector<16xf32> to vector<16xf32>
    %get3A_29 = arith.constant 96 : index
    %get3A_30 = tpu.vector_load %arg12[%get3A_29] {strides = array<i32>} : memref<128xf32, #tpu.memory_space<vmem>>, vector<16xf32>,
    %get3A_31 = vector.shape_cast %get3A_30 : vector<16xf32> to vector<16xf32>
    %get3A_32 = arith.constant 112 : index
    %get3A_33 = tpu.vector_load %arg12[%get3A_32] {strides = array<i32>} : memref<128xf32, #tpu.memory_space<vmem>>, vector<16xf32>,
    %get3A_34 = vector.shape_cast %get3A_33 : vector<16xf32> to vector<16xf32>
    "tpu.region"() ({
      %run_scoped3A = tpu.sem_alloc : memref<!tpu.dma_semaphore, #tpu.memory_space<semaphore_mem>>
      %dma_start3A_173 = tpu.memref_slice %arg3[%mul3A_2] : memref<320000xi32, #tpu.memory_space<hbm>> -> memref<10000xi32, #tpu.memory_space<hbm>>
      %dma_start3A_174 = tpu.memref_slice %arg3[%mul3A_2] : memref<320000xi32, #tpu.memory_space<hbm>> -> memref<10000xi32, #tpu.memory_space<hbm>>
      tpu.enqueue_dma source(%dma_start3A_174 : memref<10000xi32, #tpu.memory_space<hbm>>) target(%arg7 : memref<10000xi32, #tpu.memory_space<vmem>>) target_semaphore(%run_scoped3A : memref<!tpu.dma_semaphore, #tpu.memory_space<semaphore_mem>>)
      %dma_wait3A_175 = tpu.memref_slice %arg3[%mul3A_2] : memref<320000xi32, #tpu.memory_space<hbm>> -> memref<10000xi32, #tpu.memory_space<hbm>>
      %dma_wait3A_176 = tpu.memref_slice %arg3[%mul3A_2] : memref<320000xi32, #tpu.memory_space<hbm>> -> memref<10000xi32, #tpu.memory_space<hbm>>
      tpu.wait_dma2 semaphore(%run_scoped3A : memref<!tpu.dma_semaphore, #tpu.memory_space<semaphore_mem>>) src(%dma_wait3A_176 : memref<10000xi32, #tpu.memory_space<hbm>>) dst(%arg7 : memref<10000xi32, #tpu.memory_space<vmem>>)
      tpu.yield
    }) : () -> ()
    "tpu.region"() ({
      %run_scoped3A = tpu.sem_alloc : memref<!tpu.dma_semaphore, #tpu.memory_space<semaphore_mem>>
      %dma_start3A_173 = arith.constant 0 : i32
      %dma_start3A_174 = arith.constant 0 : i32
      %dma_start3A_175 = tpu.memref_slice %arg4[%add3A, %dma_start3A_173, %dma_start3A_174] : memref<32x125x80xi32, #tpu.memory_space<hbm>> -> memref<1x125x80xi32, #tpu.memory_space<hbm>>
      %dma_start3A_176 = tpu.memref_squeeze %dma_start3A_175 : memref<1x125x80xi32, #tpu.memory_space<hbm>> -> memref<125x80xi32, #tpu.memory_space<hbm>>
      %dma_start3A_177 = arith.constant 0 : i32
      %dma_start3A_178 = arith.constant 0 : i32
      %dma_start3A_179 = tpu.memref_slice %arg4[%add3A, %dma_start3A_177, %dma_start3A_178] : memref<32x125x80xi32, #tpu.memory_space<hbm>> -> memref<1x125x80xi32, #tpu.memory_space<hbm>>
      %dma_start3A_180 = tpu.memref_squeeze %dma_start3A_179 : memref<1x125x80xi32, #tpu.memory_space<hbm>> -> memref<125x80xi32, #tpu.memory_space<hbm>>
      tpu.enqueue_dma source(%dma_start3A_180 : memref<125x80xi32, #tpu.memory_space<hbm>>) target(%arg8 : memref<125x80xi32, #tpu.memory_space<vmem>>) target_semaphore(%run_scoped3A : memref<!tpu.dma_semaphore, #tpu.memory_space<semaphore_mem>>)
      %dma_wait3A_181 = arith.constant 0 : i32
      %dma_wait3A_182 = arith.constant 0 : i32
      %dma_wait3A_183 = tpu.memref_slice %arg4[%add3A, %dma_wait3A_181, %dma_wait3A_182] : memref<32x125x80xi32, #tpu.memory_space<hbm>> -> memref<1x125x80xi32, #tpu.memory_space<hbm>>
      %dma_wait3A_184 = tpu.memref_squeeze %dma_wait3A_183 : memref<1x125x80xi32, #tpu.memory_space<hbm>> -> memref<125x80xi32, #tpu.memory_space<hbm>>
      %dma_wait3A_185 = arith.constant 0 : i32
      %dma_wait3A_186 = arith.constant 0 : i32
      %dma_wait3A_187 = tpu.memref_slice %arg4[%add3A, %dma_wait3A_185, %dma_wait3A_186] : memref<32x125x80xi32, #tpu.memory_space<hbm>> -> memref<1x125x80xi32, #tpu.memory_space<hbm>>
      %dma_wait3A_188 = tpu.memref_squeeze %dma_wait3A_187 : memref<1x125x80xi32, #tpu.memory_space<hbm>> -> memref<125x80xi32, #tpu.memory_space<hbm>>
      tpu.wait_dma2 semaphore(%run_scoped3A : memref<!tpu.dma_semaphore, #tpu.memory_space<semaphore_mem>>) src(%dma_wait3A_188 : memref<125x80xi32, #tpu.memory_space<hbm>>) dst(%arg8 : memref<125x80xi32, #tpu.memory_space<vmem>>)
      tpu.yield
    }) : () -> ()
    %broadcast_in_dim3A_35 = arith.constant 1.000000e+00 : f32
    %broadcast_in_dim3A_36 = vector.broadcast %broadcast_in_dim3A_35 : f32 to vector<16xf32>
    %swap3A = arith.constant 0 : i32
    %swap3A_37 = arith.constant 0 : i32
    %swap3A_38 = arith.index_cast %swap3A : i32 to index
    %swap3A_39 = arith.index_cast %swap3A_37 : i32 to index
    %swap3A_40 = arith.constant 0 : index
    %swap3A_41 = tpu.vector_load %arg11[%swap3A_38, %swap3A_39, %swap3A_40] {strides = array<i32>} : memref<2x80x16xf32, #tpu.memory_space<vmem>>, vector<1x1x16xf32>,
    %swap3A_42 = vector.shape_cast %swap3A_41 : vector<1x1x16xf32> to vector<16xf32>
    %swap3A_43 = vector.shape_cast %broadcast_in_dim3A_36 : vector<16xf32> to vector<1x1x16xf32>
    tpu.vector_store %arg11[%swap3A_38, %swap3A_39, %swap3A_40], %swap3A_43 {strides = array<i32>} : memref<2x80x16xf32, #tpu.memory_space<vmem>>, vector<1x1x16xf32>,
    %get3A_44 = arith.constant 0 : i32
    %get3A_45 = arith.constant 0 : i32
    %get3A_46 = arith.index_cast %get3A_44 : i32 to index
    %get3A_47 = arith.index_cast %get3A_45 : i32 to index
    %get3A_48 = arith.constant 0 : index
    %get3A_49 = tpu.vector_load %arg11[%get3A_46, %get3A_47, %get3A_48] {strides = array<i32>} : memref<2x80x16xf32, #tpu.memory_space<vmem>>, vector<1x1x16xf32>,
    %get3A_50 = vector.shape_cast %get3A_49 : vector<1x1x16xf32> to vector<16xf32>
    %dma_start3A = arith.constant 0 : i32
    %dma_start3A_51 = arith.constant 0 : i32
    %dma_start3A_52 = arith.constant 0 : i32
    %dma_start3A_53 = tpu.memref_slice %arg9[%dma_start3A, %dma_start3A_51, %dma_start3A_52] : memref<2x80x128xf32, #tpu.memory_space<vmem>> -> memref<1x80x128xf32, #tpu.memory_space<vmem>>
    %dma_start3A_54 = tpu.memref_squeeze %dma_start3A_53 : memref<1x80x128xf32, #tpu.memory_space<vmem>> -> memref<80x128xf32, #tpu.memory_space<vmem>>
    %dma_start3A_55 = arith.constant 0 : i32
    %dma_start3A_56 = tpu.memref_slice %arg7[%dma_start3A_55] : memref<10000xi32, #tpu.memory_space<vmem>> -> memref<80xi32, #tpu.memory_space<vmem>>
    %dma_start3A_57 = arith.constant 0 : i32
    %dma_start3A_58 = arith.constant 0 : i32
    %dma_start3A_59 = tpu.memref_slice %arg2[%dma_start3A_57, %dma_start3A_58] : memref<10000x128xf32, #tpu.memory_space<hbm>> -> memref<10000x128xf32, #tpu.memory_space<hbm>>
    tpu.enqueue_indirect_dma source(%dma_start3A_59 : memref<10000x128xf32, #tpu.memory_space<hbm>>) target(%dma_start3A_54 : memref<80x128xf32, #tpu.memory_space<vmem>>) offsets(%dma_start3A_56 : memref<80xi32, #tpu.memory_space<vmem>>) semaphore(%arg15 : memref<!tpu.dma_semaphore, #tpu.memory_space<semaphore_mem>>)
    %dma_start3A_60 = arith.constant 0 : i32
    %dma_start3A_61 = arith.constant 0 : i32
    %dma_start3A_62 = arith.constant 0 : i32
    %dma_start3A_63 = arith.constant 0 : i32
    %dma_start3A_64 = tpu.memref_slice %arg10[%dma_start3A_61, %dma_start3A_62, %dma_start3A_63] : memref<2x80x128xf32, #tpu.memory_space<vmem>> -> memref<1x80x128xf32, #tpu.memory_space<vmem>>
    %dma_start3A_65 = tpu.memref_squeeze %dma_start3A_64 : memref<1x80x128xf32, #tpu.memory_space<vmem>> -> memref<80x128xf32, #tpu.memory_space<vmem>>
    %dma_start3A_66 = arith.constant 0 : i32
    %dma_start3A_67 = tpu.memref_slice %arg8[%dma_start3A_60, %dma_start3A_66] : memref<125x80xi32, #tpu.memory_space<vmem>> -> memref<1x80xi32, #tpu.memory_space<vmem>>
    %dma_start3A_68 = tpu.memref_squeeze %dma_start3A_67 : memref<1x80xi32, #tpu.memory_space<vmem>> -> memref<80xi32, #tpu.memory_space<vmem>>
    %dma_start3A_69 = arith.constant 0 : i32
    %dma_start3A_70 = arith.constant 0 : i32
    %dma_start3A_71 = tpu.memref_slice %arg2[%dma_start3A_69, %dma_start3A_70] : memref<10000x128xf32, #tpu.memory_space<hbm>> -> memref<10000x128xf32, #tpu.memory_space<hbm>>
    tpu.enqueue_indirect_dma source(%dma_start3A_71 : memref<10000x128xf32, #tpu.memory_space<hbm>>) target(%dma_start3A_65 : memref<80x128xf32, #tpu.memory_space<vmem>>) offsets(%dma_start3A_68 : memref<80xi32, #tpu.memory_space<vmem>>) semaphore(%arg15 : memref<!tpu.dma_semaphore, #tpu.memory_space<semaphore_mem>>)
    %dma_start3A_72 = arith.constant 0 : i32
    %dma_start3A_73 = arith.constant 0 : i32
    %dma_start3A_74 = arith.constant 0 : i32
    %dma_start3A_75 = tpu.memref_slice %arg13[%dma_start3A_73, %dma_start3A_74] : memref<640x16xf32, #tpu.memory_space<vmem>> -> memref<80x16xf32, #tpu.memory_space<vmem>>
    %dma_start3A_76 = arith.constant 0 : i32
    %dma_start3A_77 = tpu.memref_slice %arg8[%dma_start3A_72, %dma_start3A_76] : memref<125x80xi32, #tpu.memory_space<vmem>> -> memref<1x80xi32, #tpu.memory_space<vmem>>
    %dma_start3A_78 = tpu.memref_squeeze %dma_start3A_77 : memref<1x80xi32, #tpu.memory_space<vmem>> -> memref<80xi32, #tpu.memory_space<vmem>>
    %dma_start3A_79 = arith.constant 0 : i32
    %dma_start3A_80 = arith.constant 0 : i32
    %dma_start3A_81 = tpu.memref_slice %arg14[%dma_start3A_79, %dma_start3A_80] : memref<10240x16xf32, #tpu.memory_space<vmem_shared>> -> memref<10240x16xf32, #tpu.memory_space<vmem_shared>>
    tpu.enqueue_indirect_dma source(%dma_start3A_75 : memref<80x16xf32, #tpu.memory_space<vmem>>) target(%dma_start3A_81 : memref<10240x16xf32, #tpu.memory_space<vmem_shared>>) offsets(%dma_start3A_78 : memref<80xi32, #tpu.memory_space<vmem>>) semaphore(%arg17 : memref<!tpu.dma_semaphore, #tpu.memory_space<semaphore_mem>>) {add = true}
    %dma_start3A_82 = arith.constant 0 : i32
    %dma_start3A_83 = arith.constant 0 : i32
    %dma_start3A_84 = arith.constant 0 : i32
    %dma_start3A_85 = tpu.memref_slice %arg13[%dma_start3A_83, %dma_start3A_84] : memref<640x16xf32, #tpu.memory_space<vmem>> -> memref<80x16xf32, #tpu.memory_space<vmem>>
    %dma_start3A_86 = arith.constant 0 : i32
    %dma_start3A_87 = tpu.memref_slice %arg8[%dma_start3A_82, %dma_start3A_86] : memref<125x80xi32, #tpu.memory_space<vmem>> -> memref<1x80xi32, #tpu.memory_space<vmem>>
    %dma_start3A_88 = tpu.memref_squeeze %dma_start3A_87 : memref<1x80xi32, #tpu.memory_space<vmem>> -> memref<80xi32, #tpu.memory_space<vmem>>
    %dma_start3A_89 = arith.constant 0 : i32
    %dma_start3A_90 = arith.constant 0 : i32
    %dma_start3A_91 = tpu.memref_slice %arg14[%dma_start3A_89, %dma_start3A_90] : memref<10240x16xf32, #tpu.memory_space<vmem_shared>> -> memref<10240x16xf32, #tpu.memory_space<vmem_shared>>
    tpu.enqueue_indirect_dma source(%dma_start3A_85 : memref<80x16xf32, #tpu.memory_space<vmem>>) target(%dma_start3A_91 : memref<10240x16xf32, #tpu.memory_space<vmem_shared>>) offsets(%dma_start3A_88 : memref<80xi32, #tpu.memory_space<vmem>>) semaphore(%arg18 : memref<!tpu.dma_semaphore, #tpu.memory_space<semaphore_mem>>) {add = true}
    %scan3A_92 = arith.constant 0 : i32
    %scan3A_93 = arith.constant 0 : i32
    %scan3A_94 = arith.constant 62 : i32
    %scan3A_95 = arith.addi %scan3A_93, %scan3A_94 : i32
    %scan3A_96 = arith.constant 1 : i32
    %scan3A_97 = scf.for %scan3A_173 = %scan3A_93 to %scan3A_95 step %scan3A_96 iter_args(%scan3A_174 = %scan3A_92) -> (i32)  : i32 {
      %mul3A_175 = arith.constant 2 : i32
      %mul3A_176 = arith.muli %scan3A_173, %mul3A_175 : i32
      %add3A_177 = arith.constant 0 : i32
      %add3A_178 = arith.addi %mul3A_176, %add3A_177 : i32
      %add3A_179 = arith.constant 1 : i32
      %add3A_180 = arith.addi %add3A_178, %add3A_179 : i32
      %mul3A_181 = arith.constant 80 : i32
      %mul3A_182 = arith.muli %add3A_180, %mul3A_181 : i32
      %dma_start3A_183 = arith.constant 1 : i32
      %dma_start3A_184 = arith.constant 0 : i32
      %dma_start3A_185 = arith.constant 0 : i32
      %dma_start3A_186 = tpu.memref_slice %arg9[%dma_start3A_183, %dma_start3A_184, %dma_start3A_185] : memref<2x80x128xf32, #tpu.memory_space<vmem>> -> memref<1x80x128xf32, #tpu.memory_space<vmem>>
      %dma_start3A_187 = tpu.memref_squeeze %dma_start3A_186 : memref<1x80x128xf32, #tpu.memory_space<vmem>> -> memref<80x128xf32, #tpu.memory_space<vmem>>
      %dma_start3A_188 = tpu.memref_slice %arg7[%mul3A_182] : memref<10000xi32, #tpu.memory_space<vmem>> -> memref<80xi32, #tpu.memory_space<vmem>>
      %dma_start3A_189 = arith.constant 0 : i32
      %dma_start3A_190 = arith.constant 0 : i32
      %dma_start3A_191 = tpu.memref_slice %arg2[%dma_start3A_189, %dma_start3A_190] : memref<10000x128xf32, #tpu.memory_space<hbm>> -> memref<10000x128xf32, #tpu.memory_space<hbm>>
      tpu.enqueue_indirect_dma source(%dma_start3A_191 : memref<10000x128xf32, #tpu.memory_space<hbm>>) target(%dma_start3A_187 : memref<80x128xf32, #tpu.memory_space<vmem>>) offsets(%dma_start3A_188 : memref<80xi32, #tpu.memory_space<vmem>>) semaphore(%arg16 : memref<!tpu.dma_semaphore, #tpu.memory_space<semaphore_mem>>)
      %dma_start3A_192 = arith.constant 1 : i32
      %dma_start3A_193 = arith.constant 0 : i32
      %dma_start3A_194 = arith.constant 0 : i32
      %dma_start3A_195 = tpu.memref_slice %arg10[%dma_start3A_192, %dma_start3A_193, %dma_start3A_194] : memref<2x80x128xf32, #tpu.memory_space<vmem>> -> memref<1x80x128xf32, #tpu.memory_space<vmem>>
      %dma_start3A_196 = tpu.memref_squeeze %dma_start3A_195 : memref<1x80x128xf32, #tpu.memory_space<vmem>> -> memref<80x128xf32, #tpu.memory_space<vmem>>
      %dma_start3A_197 = arith.constant 0 : i32
      %dma_start3A_198 = tpu.memref_slice %arg8[%add3A_180, %dma_start3A_197] : memref<125x80xi32, #tpu.memory_space<vmem>> -> memref<1x80xi32, #tpu.memory_space<vmem>>
      %dma_start3A_199 = tpu.memref_squeeze %dma_start3A_198 : memref<1x80xi32, #tpu.memory_space<vmem>> -> memref<80xi32, #tpu.memory_space<vmem>>
      %dma_start3A_200 = arith.constant 0 : i32
      %dma_start3A_201 = arith.constant 0 : i32
      %dma_start3A_202 = tpu.memref_slice %arg2[%dma_start3A_200, %dma_start3A_201] : memref<10000x128xf32, #tpu.memory_space<hbm>> -> memref<10000x128xf32, #tpu.memory_space<hbm>>
      tpu.enqueue_indirect_dma source(%dma_start3A_202 : memref<10000x128xf32, #tpu.memory_space<hbm>>) target(%dma_start3A_196 : memref<80x128xf32, #tpu.memory_space<vmem>>) offsets(%dma_start3A_199 : memref<80xi32, #tpu.memory_space<vmem>>) semaphore(%arg16 : memref<!tpu.dma_semaphore, #tpu.memory_space<semaphore_mem>>)
      %mul3A_203 = arith.constant 80 : i32
      %mul3A_204 = arith.muli %add3A_178, %mul3A_203 : i32
      %dma_wait3A_205 = arith.constant 0 : i32
      %dma_wait3A_206 = arith.constant 0 : i32
      %dma_wait3A_207 = arith.constant 0 : i32
      %dma_wait3A_208 = tpu.memref_slice %arg9[%dma_wait3A_205, %dma_wait3A_206, %dma_wait3A_207] : memref<2x80x128xf32, #tpu.memory_space<vmem>> -> memref<1x80x128xf32, #tpu.memory_space<vmem>>
      %dma_wait3A_209 = tpu.memref_squeeze %dma_wait3A_208 : memref<1x80x128xf32, #tpu.memory_space<vmem>> -> memref<80x128xf32, #tpu.memory_space<vmem>>
      %dma_wait3A_210 = tpu.memref_slice %arg7[%mul3A_204] : memref<10000xi32, #tpu.memory_space<vmem>> -> memref<80xi32, #tpu.memory_space<vmem>>
      %dma_wait3A_211 = arith.constant 0 : i32
      %dma_wait3A_212 = arith.constant 0 : i32
      %dma_wait3A_213 = tpu.memref_slice %arg2[%dma_wait3A_211, %dma_wait3A_212] : memref<10000x128xf32, #tpu.memory_space<hbm>> -> memref<10000x128xf32, #tpu.memory_space<hbm>>
      tpu.wait_indirect_dma semaphore(%arg15 : memref<!tpu.dma_semaphore, #tpu.memory_space<semaphore_mem>>) src(%dma_wait3A_213 : memref<10000x128xf32, #tpu.memory_space<hbm>>) dst(%dma_wait3A_209 : memref<80x128xf32, #tpu.memory_space<vmem>>)
      %dma_wait3A_214 = arith.constant 0 : i32
      %dma_wait3A_215 = arith.constant 0 : i32
      %dma_wait3A_216 = arith.constant 0 : i32
      %dma_wait3A_217 = tpu.memref_slice %arg10[%dma_wait3A_214, %dma_wait3A_215, %dma_wait3A_216] : memref<2x80x128xf32, #tpu.memory_space<vmem>> -> memref<1x80x128xf32, #tpu.memory_space<vmem>>
      %dma_wait3A_218 = tpu.memref_squeeze %dma_wait3A_217 : memref<1x80x128xf32, #tpu.memory_space<vmem>> -> memref<80x128xf32, #tpu.memory_space<vmem>>
      %dma_wait3A_219 = arith.constant 0 : i32
      %dma_wait3A_220 = tpu.memref_slice %arg8[%add3A_178, %dma_wait3A_219] : memref<125x80xi32, #tpu.memory_space<vmem>> -> memref<1x80xi32, #tpu.memory_space<vmem>>
      %dma_wait3A_221 = tpu.memref_squeeze %dma_wait3A_220 : memref<1x80xi32, #tpu.memory_space<vmem>> -> memref<80xi32, #tpu.memory_space<vmem>>
      %dma_wait3A_222 = arith.constant 0 : i32
      %dma_wait3A_223 = arith.constant 0 : i32
      %dma_wait3A_224 = tpu.memref_slice %arg2[%dma_wait3A_222, %dma_wait3A_223] : memref<10000x128xf32, #tpu.memory_space<hbm>> -> memref<10000x128xf32, #tpu.memory_space<hbm>>
      tpu.wait_indirect_dma semaphore(%arg15 : memref<!tpu.dma_semaphore, #tpu.memory_space<semaphore_mem>>) src(%dma_wait3A_224 : memref<10000x128xf32, #tpu.memory_space<hbm>>) dst(%dma_wait3A_218 : memref<80x128xf32, #tpu.memory_space<vmem>>)
      %dma_wait3A_225 = arith.constant 0 : i32
      %dma_wait3A_226 = arith.constant 0 : i32
      %dma_wait3A_227 = arith.constant 0 : i32
      %dma_wait3A_228 = arith.constant 0 : i32
      %dma_wait3A_229 = tpu.memref_slice %arg11[%dma_wait3A_225, %dma_wait3A_227, %dma_wait3A_228] : memref<2x80x16xf32, #tpu.memory_space<vmem>> -> memref<1x80x16xf32, #tpu.memory_space<vmem>>
      %dma_wait3A_230 = tpu.memref_squeeze %dma_wait3A_229 : memref<1x80x16xf32, #tpu.memory_space<vmem>> -> memref<80x16xf32, #tpu.memory_space<vmem>>
      %dma_wait3A_231 = arith.constant 0 : i32
      %dma_wait3A_232 = tpu.memref_slice %arg8[%dma_wait3A_226, %dma_wait3A_231] : memref<125x80xi32, #tpu.memory_space<vmem>> -> memref<1x80xi32, #tpu.memory_space<vmem>>
      %dma_wait3A_233 = tpu.memref_squeeze %dma_wait3A_232 : memref<1x80xi32, #tpu.memory_space<vmem>> -> memref<80xi32, #tpu.memory_space<vmem>>
      %dma_wait3A_234 = arith.constant 0 : i32
      %dma_wait3A_235 = arith.constant 0 : i32
      %dma_wait3A_236 = tpu.memref_slice %arg14[%dma_wait3A_234, %dma_wait3A_235] : memref<10240x16xf32, #tpu.memory_space<vmem_shared>> -> memref<10240x16xf32, #tpu.memory_space<vmem_shared>>
      tpu.wait_indirect_dma semaphore(%arg17 : memref<!tpu.dma_semaphore, #tpu.memory_space<semaphore_mem>>) src(%dma_wait3A_230 : memref<80x16xf32, #tpu.memory_space<vmem>>) dst(%dma_wait3A_236 : memref<10240x16xf32, #tpu.memory_space<vmem_shared>>)
      %parallel_loop3A_237 = arith.constant 0 : i32
      %parallel_loop3A_238 = arith.constant 80 : i32
      %parallel_loop3A_239 = arith.constant 1 : i32
      scf.for %parallel_loop3A_326 = %parallel_loop3A_237 to %parallel_loop3A_238 step %parallel_loop3A_239  : i32 {
        %parallel_loop3A_327 = arith.constant 0 : i32
        %parallel_loop3A_328 = arith.index_cast %parallel_loop3A_327 : i32 to index
        %parallel_loop3A_329 = arith.index_cast %parallel_loop3A_326 : i32 to index
        %parallel_loop3A_330 = arith.constant 0 : index
        %parallel_loop3A_331 = tpu.vector_load %arg9[%parallel_loop3A_328, %parallel_loop3A_329, %parallel_loop3A_330] {strides = array<i32>} : memref<2x80x128xf32, #tpu.memory_space<vmem>>, vector<1x1x16xf32>,
        %parallel_loop3A_332 = vector.shape_cast %parallel_loop3A_331 : vector<1x1x16xf32> to vector<16xf32>
        %parallel_loop3A_333 = arith.constant 0 : i32
        %parallel_loop3A_334 = arith.index_cast %parallel_loop3A_333 : i32 to index
        %parallel_loop3A_335 = arith.index_cast %parallel_loop3A_326 : i32 to index
        %parallel_loop3A_336 = arith.constant 0 : index
        %parallel_loop3A_337 = tpu.vector_load %arg10[%parallel_loop3A_334, %parallel_loop3A_335, %parallel_loop3A_336] {strides = array<i32>} : memref<2x80x128xf32, #tpu.memory_space<vmem>>, vector<1x1x16xf32>,
        %parallel_loop3A_338 = vector.shape_cast %parallel_loop3A_337 : vector<1x1x16xf32> to vector<16xf32>
        %parallel_loop3A_339 = arith.addf %parallel_loop3A_332, %parallel_loop3A_338 : vector<16xf32>
        %parallel_loop3A_340 = arith.constant 2.000000e-01 : f32
        %parallel_loop3A_341 = vector.broadcast %parallel_loop3A_340 : f32 to vector<16xf32>
        %parallel_loop3A_342 = arith.mulf %parallel_loop3A_341, %parallel_loop3A_339 : vector<16xf32>
        %parallel_loop3A_343 = arith.maximumf %parallel_loop3A_339, %parallel_loop3A_342 : vector<16xf32>
        %parallel_loop3A_344 = arith.mulf %parallel_loop3A_343, %get3A_13 : vector<16xf32>
        %parallel_loop3A_345 = arith.addf %broadcast_in_dim3A_3, %parallel_loop3A_344 : vector<16xf32>
        %parallel_loop3A_346 = arith.constant 0 : i32
        %parallel_loop3A_347 = arith.index_cast %parallel_loop3A_346 : i32 to index
        %parallel_loop3A_348 = arith.index_cast %parallel_loop3A_326 : i32 to index
        %parallel_loop3A_349 = arith.constant 16 : index
        %parallel_loop3A_350 = tpu.vector_load %arg9[%parallel_loop3A_347, %parallel_loop3A_348, %parallel_loop3A_349] {strides = array<i32>} : memref<2x80x128xf32, #tpu.memory_space<vmem>>, vector<1x1x16xf32>,
        %parallel_loop3A_351 = vector.shape_cast %parallel_loop3A_350 : vector<1x1x16xf32> to vector<16xf32>
        %parallel_loop3A_352 = arith.constant 0 : i32
        %parallel_loop3A_353 = arith.index_cast %parallel_loop3A_352 : i32 to index
        %parallel_loop3A_354 = arith.index_cast %parallel_loop3A_326 : i32 to index
        %parallel_loop3A_355 = arith.constant 16 : index
        %parallel_loop3A_356 = tpu.vector_load %arg10[%parallel_loop3A_353, %parallel_loop3A_354, %parallel_loop3A_355] {strides = array<i32>} : memref<2x80x128xf32, #tpu.memory_space<vmem>>, vector<1x1x16xf32>,
        %parallel_loop3A_357 = vector.shape_cast %parallel_loop3A_356 : vector<1x1x16xf32> to vector<16xf32>
        %parallel_loop3A_358 = arith.addf %parallel_loop3A_351, %parallel_loop3A_357 : vector<16xf32>
        %parallel_loop3A_359 = arith.constant 2.000000e-01 : f32
        %parallel_loop3A_360 = vector.broadcast %parallel_loop3A_359 : f32 to vector<16xf32>
        %parallel_loop3A_361 = arith.mulf %parallel_loop3A_360, %parallel_loop3A_358 : vector<16xf32>
        %parallel_loop3A_362 = arith.maximumf %parallel_loop3A_358, %parallel_loop3A_361 : vector<16xf32>
        %parallel_loop3A_363 = arith.mulf %parallel_loop3A_362, %get3A_16 : vector<16xf32>
        %parallel_loop3A_364 = arith.addf %broadcast_in_dim3A_3, %parallel_loop3A_363 : vector<16xf32>
        %parallel_loop3A_365 = arith.constant 0 : i32
        %parallel_loop3A_366 = arith.index_cast %parallel_loop3A_365 : i32 to index
        %parallel_loop3A_367 = arith.index_cast %parallel_loop3A_326 : i32 to index
        %parallel_loop3A_368 = arith.constant 32 : index
        %parallel_loop3A_369 = tpu.vector_load %arg9[%parallel_loop3A_366, %parallel_loop3A_367, %parallel_loop3A_368] {strides = array<i32>} : memref<2x80x128xf32, #tpu.memory_space<vmem>>, vector<1x1x16xf32>,
        %parallel_loop3A_370 = vector.shape_cast %parallel_loop3A_369 : vector<1x1x16xf32> to vector<16xf32>
        %parallel_loop3A_371 = arith.constant 0 : i32
        %parallel_loop3A_372 = arith.index_cast %parallel_loop3A_371 : i32 to index
        %parallel_loop3A_373 = arith.index_cast %parallel_loop3A_326 : i32 to index
        %parallel_loop3A_374 = arith.constant 32 : index
        %parallel_loop3A_375 = tpu.vector_load %arg10[%parallel_loop3A_372, %parallel_loop3A_373, %parallel_loop3A_374] {strides = array<i32>} : memref<2x80x128xf32, #tpu.memory_space<vmem>>, vector<1x1x16xf32>,
        %parallel_loop3A_376 = vector.shape_cast %parallel_loop3A_375 : vector<1x1x16xf32> to vector<16xf32>
        %parallel_loop3A_377 = arith.addf %parallel_loop3A_370, %parallel_loop3A_376 : vector<16xf32>
        %parallel_loop3A_378 = arith.constant 2.000000e-01 : f32
        %parallel_loop3A_379 = vector.broadcast %parallel_loop3A_378 : f32 to vector<16xf32>
        %parallel_loop3A_380 = arith.mulf %parallel_loop3A_379, %parallel_loop3A_377 : vector<16xf32>
        %parallel_loop3A_381 = arith.maximumf %parallel_loop3A_377, %parallel_loop3A_380 : vector<16xf32>
        %parallel_loop3A_382 = arith.mulf %parallel_loop3A_381, %get3A_19 : vector<16xf32>
        %parallel_loop3A_383 = arith.addf %parallel_loop3A_345, %parallel_loop3A_382 : vector<16xf32>
        %parallel_loop3A_384 = arith.constant 0 : i32
        %parallel_loop3A_385 = arith.index_cast %parallel_loop3A_384 : i32 to index
        %parallel_loop3A_386 = arith.index_cast %parallel_loop3A_326 : i32 to index
        %parallel_loop3A_387 = arith.constant 48 : index
        %parallel_loop3A_388 = tpu.vector_load %arg9[%parallel_loop3A_385, %parallel_loop3A_386, %parallel_loop3A_387] {strides = array<i32>} : memref<2x80x128xf32, #tpu.memory_space<vmem>>, vector<1x1x16xf32>,
        %parallel_loop3A_389 = vector.shape_cast %parallel_loop3A_388 : vector<1x1x16xf32> to vector<16xf32>
        %parallel_loop3A_390 = arith.constant 0 : i32
        %parallel_loop3A_391 = arith.index_cast %parallel_loop3A_390 : i32 to index
        %parallel_loop3A_392 = arith.index_cast %parallel_loop3A_326 : i32 to index
        %parallel_loop3A_393 = arith.constant 48 : index
        %parallel_loop3A_394 = tpu.vector_load %arg10[%parallel_loop3A_391, %parallel_loop3A_392, %parallel_loop3A_393] {strides = array<i32>} : memref<2x80x128xf32, #tpu.memory_space<vmem>>, vector<1x1x16xf32>,
        %parallel_loop3A_395 = vector.shape_cast %parallel_loop3A_394 : vector<1x1x16xf32> to vector<16xf32>
        %parallel_loop3A_396 = arith.addf %parallel_loop3A_389, %parallel_loop3A_395 : vector<16xf32>
        %parallel_loop3A_397 = arith.constant 2.000000e-01 : f32
        %parallel_loop3A_398 = vector.broadcast %parallel_loop3A_397 : f32 to vector<16xf32>
        %parallel_loop3A_399 = arith.mulf %parallel_loop3A_398, %parallel_loop3A_396 : vector<16xf32>
        %parallel_loop3A_400 = arith.maximumf %parallel_loop3A_396, %parallel_loop3A_399 : vector<16xf32>
        %parallel_loop3A_401 = arith.mulf %parallel_loop3A_400, %get3A_22 : vector<16xf32>
        %parallel_loop3A_402 = arith.addf %parallel_loop3A_364, %parallel_loop3A_401 : vector<16xf32>
        %parallel_loop3A_403 = arith.constant 0 : i32
        %parallel_loop3A_404 = arith.index_cast %parallel_loop3A_403 : i32 to index
        %parallel_loop3A_405 = arith.index_cast %parallel_loop3A_326 : i32 to index
        %parallel_loop3A_406 = arith.constant 64 : index
        %parallel_loop3A_407 = tpu.vector_load %arg9[%parallel_loop3A_404, %parallel_loop3A_405, %parallel_loop3A_406] {strides = array<i32>} : memref<2x80x128xf32, #tpu.memory_space<vmem>>, vector<1x1x16xf32>,
        %parallel_loop3A_408 = vector.shape_cast %parallel_loop3A_407 : vector<1x1x16xf32> to vector<16xf32>
        %parallel_loop3A_409 = arith.constant 0 : i32
        %parallel_loop3A_410 = arith.index_cast %parallel_loop3A_409 : i32 to index
        %parallel_loop3A_411 = arith.index_cast %parallel_loop3A_326 : i32 to index
        %parallel_loop3A_412 = arith.constant 64 : index
        %parallel_loop3A_413 = tpu.vector_load %arg10[%parallel_loop3A_410, %parallel_loop3A_411, %parallel_loop3A_412] {strides = array<i32>} : memref<2x80x128xf32, #tpu.memory_space<vmem>>, vector<1x1x16xf32>,
        %parallel_loop3A_414 = vector.shape_cast %parallel_loop3A_413 : vector<1x1x16xf32> to vector<16xf32>
        %parallel_loop3A_415 = arith.addf %parallel_loop3A_408, %parallel_loop3A_414 : vector<16xf32>
        %parallel_loop3A_416 = arith.constant 2.000000e-01 : f32
        %parallel_loop3A_417 = vector.broadcast %parallel_loop3A_416 : f32 to vector<16xf32>
        %parallel_loop3A_418 = arith.mulf %parallel_loop3A_417, %parallel_loop3A_415 : vector<16xf32>
        %parallel_loop3A_419 = arith.maximumf %parallel_loop3A_415, %parallel_loop3A_418 : vector<16xf32>
        %parallel_loop3A_420 = arith.mulf %parallel_loop3A_419, %get3A_25 : vector<16xf32>
        %parallel_loop3A_421 = arith.addf %parallel_loop3A_383, %parallel_loop3A_420 : vector<16xf32>
        %parallel_loop3A_422 = arith.constant 0 : i32
        %parallel_loop3A_423 = arith.index_cast %parallel_loop3A_422 : i32 to index
        %parallel_loop3A_424 = arith.index_cast %parallel_loop3A_326 : i32 to index
        %parallel_loop3A_425 = arith.constant 80 : index
        %parallel_loop3A_426 = tpu.vector_load %arg9[%parallel_loop3A_423, %parallel_loop3A_424, %parallel_loop3A_425] {strides = array<i32>} : memref<2x80x128xf32, #tpu.memory_space<vmem>>, vector<1x1x16xf32>,
        %parallel_loop3A_427 = vector.shape_cast %parallel_loop3A_426 : vector<1x1x16xf32> to vector<16xf32>
        %parallel_loop3A_428 = arith.constant 0 : i32
        %parallel_loop3A_429 = arith.index_cast %parallel_loop3A_428 : i32 to index
        %parallel_loop3A_430 = arith.index_cast %parallel_loop3A_326 : i32 to index
        %parallel_loop3A_431 = arith.constant 80 : index
        %parallel_loop3A_432 = tpu.vector_load %arg10[%parallel_loop3A_429, %parallel_loop3A_430, %parallel_loop3A_431] {strides = array<i32>} : memref<2x80x128xf32, #tpu.memory_space<vmem>>, vector<1x1x16xf32>,
        %parallel_loop3A_433 = vector.shape_cast %parallel_loop3A_432 : vector<1x1x16xf32> to vector<16xf32>
        %parallel_loop3A_434 = arith.addf %parallel_loop3A_427, %parallel_loop3A_433 : vector<16xf32>
        %parallel_loop3A_435 = arith.constant 2.000000e-01 : f32
        %parallel_loop3A_436 = vector.broadcast %parallel_loop3A_435 : f32 to vector<16xf32>
        %parallel_loop3A_437 = arith.mulf %parallel_loop3A_436, %parallel_loop3A_434 : vector<16xf32>
        %parallel_loop3A_438 = arith.maximumf %parallel_loop3A_434, %parallel_loop3A_437 : vector<16xf32>
        %parallel_loop3A_439 = arith.mulf %parallel_loop3A_438, %get3A_28 : vector<16xf32>
        %parallel_loop3A_440 = arith.addf %parallel_loop3A_402, %parallel_loop3A_439 : vector<16xf32>
        %parallel_loop3A_441 = arith.constant 0 : i32
        %parallel_loop3A_442 = arith.index_cast %parallel_loop3A_441 : i32 to index
        %parallel_loop3A_443 = arith.index_cast %parallel_loop3A_326 : i32 to index
        %parallel_loop3A_444 = arith.constant 96 : index
        %parallel_loop3A_445 = tpu.vector_load %arg9[%parallel_loop3A_442, %parallel_loop3A_443, %parallel_loop3A_444] {strides = array<i32>} : memref<2x80x128xf32, #tpu.memory_space<vmem>>, vector<1x1x16xf32>,
        %parallel_loop3A_446 = vector.shape_cast %parallel_loop3A_445 : vector<1x1x16xf32> to vector<16xf32>
        %parallel_loop3A_447 = arith.constant 0 : i32
        %parallel_loop3A_448 = arith.index_cast %parallel_loop3A_447 : i32 to index
        %parallel_loop3A_449 = arith.index_cast %parallel_loop3A_326 : i32 to index
        %parallel_loop3A_450 = arith.constant 96 : index
        %parallel_loop3A_451 = tpu.vector_load %arg10[%parallel_loop3A_448, %parallel_loop3A_449, %parallel_loop3A_450] {strides = array<i32>} : memref<2x80x128xf32, #tpu.memory_space<vmem>>, vector<1x1x16xf32>,
        %parallel_loop3A_452 = vector.shape_cast %parallel_loop3A_451 : vector<1x1x16xf32> to vector<16xf32>
        %parallel_loop3A_453 = arith.addf %parallel_loop3A_446, %parallel_loop3A_452 : vector<16xf32>
        %parallel_loop3A_454 = arith.constant 2.000000e-01 : f32
        %parallel_loop3A_455 = vector.broadcast %parallel_loop3A_454 : f32 to vector<16xf32>
        %parallel_loop3A_456 = arith.mulf %parallel_loop3A_455, %parallel_loop3A_453 : vector<16xf32>
        %parallel_loop3A_457 = arith.maximumf %parallel_loop3A_453, %parallel_loop3A_456 : vector<16xf32>
        %parallel_loop3A_458 = arith.mulf %parallel_loop3A_457, %get3A_31 : vector<16xf32>
        %parallel_loop3A_459 = arith.addf %parallel_loop3A_421, %parallel_loop3A_458 : vector<16xf32>
        %parallel_loop3A_460 = arith.constant 0 : i32
        %parallel_loop3A_461 = arith.index_cast %parallel_loop3A_460 : i32 to index
        %parallel_loop3A_462 = arith.index_cast %parallel_loop3A_326 : i32 to index
        %parallel_loop3A_463 = arith.constant 112 : index
        %parallel_loop3A_464 = tpu.vector_load %arg9[%parallel_loop3A_461, %parallel_loop3A_462, %parallel_loop3A_463] {strides = array<i32>} : memref<2x80x128xf32, #tpu.memory_space<vmem>>, vector<1x1x16xf32>,
        %parallel_loop3A_465 = vector.shape_cast %parallel_loop3A_464 : vector<1x1x16xf32> to vector<16xf32>
        %parallel_loop3A_466 = arith.constant 0 : i32
        %parallel_loop3A_467 = arith.index_cast %parallel_loop3A_466 : i32 to index
        %parallel_loop3A_468 = arith.index_cast %parallel_loop3A_326 : i32 to index
        %parallel_loop3A_469 = arith.constant 112 : index
        %parallel_loop3A_470 = tpu.vector_load %arg10[%parallel_loop3A_467, %parallel_loop3A_468, %parallel_loop3A_469] {strides = array<i32>} : memref<2x80x128xf32, #tpu.memory_space<vmem>>, vector<1x1x16xf32>,
        %parallel_loop3A_471 = vector.shape_cast %parallel_loop3A_470 : vector<1x1x16xf32> to vector<16xf32>
        %parallel_loop3A_472 = arith.addf %parallel_loop3A_465, %parallel_loop3A_471 : vector<16xf32>
        %parallel_loop3A_473 = arith.constant 2.000000e-01 : f32
        %parallel_loop3A_474 = vector.broadcast %parallel_loop3A_473 : f32 to vector<16xf32>
        %parallel_loop3A_475 = arith.mulf %parallel_loop3A_474, %parallel_loop3A_472 : vector<16xf32>
        %parallel_loop3A_476 = arith.maximumf %parallel_loop3A_472, %parallel_loop3A_475 : vector<16xf32>
        %parallel_loop3A_477 = arith.mulf %parallel_loop3A_476, %get3A_34 : vector<16xf32>
        %parallel_loop3A_478 = arith.addf %parallel_loop3A_440, %parallel_loop3A_477 : vector<16xf32>
        %parallel_loop3A_479 = arith.addf %parallel_loop3A_459, %parallel_loop3A_478 : vector<16xf32>
        %parallel_loop3A_480 = arith.constant 15 : i32
        %parallel_loop3A_481 = vector.broadcast %parallel_loop3A_480 : i32 to vector<16xi32>
        %parallel_loop3A_482 = tpu.iota {dimensions = array<i32: 0>} : vector<16xi32>
        %parallel_loop3A_483 = arith.subi %parallel_loop3A_481, %parallel_loop3A_482 : vector<16xi32>
        %parallel_loop3A_484 = tpu.dynamic_gather %parallel_loop3A_479[%parallel_loop3A_483] in [0] : vector<16xf32>, vector<16xi32> -> vector<16xf32>
        %parallel_loop3A_485 = arith.addf %parallel_loop3A_479, %parallel_loop3A_484 : vector<16xf32>
        %parallel_loop3A_486 = vector.extract_strided_slice %parallel_loop3A_485 {offsets = [0], sizes = [1], strides = [1]} : vector<16xf32> to vector<1xf32>
        %parallel_loop3A_487 = vector.extract %parallel_loop3A_486[0] : f32 from vector<1xf32>
        %parallel_loop3A_488 = vector.extract_strided_slice %parallel_loop3A_485 {offsets = [1], sizes = [1], strides = [1]} : vector<16xf32> to vector<1xf32>
        %parallel_loop3A_489 = vector.extract %parallel_loop3A_488[0] : f32 from vector<1xf32>
        %parallel_loop3A_490 = arith.addf %parallel_loop3A_487, %parallel_loop3A_489 : f32
        %parallel_loop3A_491 = vector.extract_strided_slice %parallel_loop3A_485 {offsets = [2], sizes = [1], strides = [1]} : vector<16xf32> to vector<1xf32>
        %parallel_loop3A_492 = vector.extract %parallel_loop3A_491[0] : f32 from vector<1xf32>
        %parallel_loop3A_493 = vector.extract_strided_slice %parallel_loop3A_485 {offsets = [3], sizes = [1], strides = [1]} : vector<16xf32> to vector<1xf32>
        %parallel_loop3A_494 = vector.extract %parallel_loop3A_493[0] : f32 from vector<1xf32>
        %parallel_loop3A_495 = arith.addf %parallel_loop3A_492, %parallel_loop3A_494 : f32
        %parallel_loop3A_496 = vector.extract_strided_slice %parallel_loop3A_485 {offsets = [4], sizes = [1], strides = [1]} : vector<16xf32> to vector<1xf32>
        %parallel_loop3A_497 = vector.extract %parallel_loop3A_496[0] : f32 from vector<1xf32>
        %parallel_loop3A_498 = vector.extract_strided_slice %parallel_loop3A_485 {offsets = [5], sizes = [1], strides = [1]} : vector<16xf32> to vector<1xf32>
        %parallel_loop3A_499 = vector.extract %parallel_loop3A_498[0] : f32 from vector<1xf32>
        %parallel_loop3A_500 = arith.addf %parallel_loop3A_497, %parallel_loop3A_499 : f32
        %parallel_loop3A_501 = vector.extract_strided_slice %parallel_loop3A_485 {offsets = [6], sizes = [1], strides = [1]} : vector<16xf32> to vector<1xf32>
        %parallel_loop3A_502 = vector.extract %parallel_loop3A_501[0] : f32 from vector<1xf32>
        %parallel_loop3A_503 = vector.extract_strided_slice %parallel_loop3A_485 {offsets = [7], sizes = [1], strides = [1]} : vector<16xf32> to vector<1xf32>
        %parallel_loop3A_504 = vector.extract %parallel_loop3A_503[0] : f32 from vector<1xf32>
        %parallel_loop3A_505 = arith.addf %parallel_loop3A_502, %parallel_loop3A_504 : f32
        %parallel_loop3A_506 = arith.addf %parallel_loop3A_490, %parallel_loop3A_495 : f32
        %parallel_loop3A_507 = arith.addf %parallel_loop3A_500, %parallel_loop3A_505 : f32
        %parallel_loop3A_508 = arith.addf %parallel_loop3A_506, %parallel_loop3A_507 : f32
        %parallel_loop3A_509 = vector.broadcast %parallel_loop3A_508 : f32 to vector<16xf32>
        %parallel_loop3A_510 = arith.mulf %get3A_50, %parallel_loop3A_509 : vector<16xf32>
        %parallel_loop3A_511 = math.exp %parallel_loop3A_510 : vector<16xf32>
        %parallel_loop3A_512 = arith.constant 0 : i32
        %parallel_loop3A_513 = arith.index_cast %parallel_loop3A_512 : i32 to index
        %parallel_loop3A_514 = arith.index_cast %parallel_loop3A_326 : i32 to index
        %parallel_loop3A_515 = arith.constant 0 : index
        %parallel_loop3A_516 = tpu.vector_load %arg11[%parallel_loop3A_513, %parallel_loop3A_514, %parallel_loop3A_515] {strides = array<i32>} : memref<2x80x16xf32, #tpu.memory_space<vmem>>, vector<1x1x16xf32>,
        %parallel_loop3A_517 = vector.shape_cast %parallel_loop3A_516 : vector<1x1x16xf32> to vector<16xf32>
        %parallel_loop3A_518 = vector.shape_cast %parallel_loop3A_511 : vector<16xf32> to vector<1x1x16xf32>
        tpu.vector_store %arg11[%parallel_loop3A_513, %parallel_loop3A_514, %parallel_loop3A_515], %parallel_loop3A_518 {strides = array<i32>} : memref<2x80x16xf32, #tpu.memory_space<vmem>>, vector<1x1x16xf32>,
      } {sc.loop_unroll_factor = 8 : i64, sc.parallel_access}
      %dma_start3A_240 = arith.constant 0 : i32
      %dma_start3A_241 = arith.constant 0 : i32
      %dma_start3A_242 = arith.constant 0 : i32
      %dma_start3A_243 = tpu.memref_slice %arg11[%dma_start3A_240, %dma_start3A_241, %dma_start3A_242] : memref<2x80x16xf32, #tpu.memory_space<vmem>> -> memref<1x80x16xf32, #tpu.memory_space<vmem>>
      %dma_start3A_244 = tpu.memref_squeeze %dma_start3A_243 : memref<1x80x16xf32, #tpu.memory_space<vmem>> -> memref<80x16xf32, #tpu.memory_space<vmem>>
      %dma_start3A_245 = arith.constant 0 : i32
      %dma_start3A_246 = tpu.memref_slice %arg8[%add3A_178, %dma_start3A_245] : memref<125x80xi32, #tpu.memory_space<vmem>> -> memref<1x80xi32, #tpu.memory_space<vmem>>
      %dma_start3A_247 = tpu.memref_squeeze %dma_start3A_246 : memref<1x80xi32, #tpu.memory_space<vmem>> -> memref<80xi32, #tpu.memory_space<vmem>>
      %dma_start3A_248 = arith.constant 0 : i32
      %dma_start3A_249 = arith.constant 0 : i32
      %dma_start3A_250 = tpu.memref_slice %arg14[%dma_start3A_248, %dma_start3A_249] : memref<10240x16xf32, #tpu.memory_space<vmem_shared>> -> memref<10240x16xf32, #tpu.memory_space<vmem_shared>>
      tpu.enqueue_indirect_dma source(%dma_start3A_244 : memref<80x16xf32, #tpu.memory_space<vmem>>) target(%dma_start3A_250 : memref<10240x16xf32, #tpu.memory_space<vmem_shared>>) offsets(%dma_start3A_247 : memref<80xi32, #tpu.memory_space<vmem>>) semaphore(%arg17 : memref<!tpu.dma_semaphore, #tpu.memory_space<semaphore_mem>>) {add = true}
      %add3A_251 = arith.constant 1 : i32
      %add3A_252 = arith.addi %mul3A_176, %add3A_251 : i32
      %add3A_253 = arith.constant 1 : i32
      %add3A_254 = arith.addi %add3A_252, %add3A_253 : i32
      %mul3A_255 = arith.constant 80 : i32
      %mul3A_256 = arith.muli %add3A_254, %mul3A_255 : i32
      %dma_start3A_257 = arith.constant 0 : i32
      %dma_start3A_258 = arith.constant 0 : i32
      %dma_start3A_259 = arith.constant 0 : i32
      %dma_start3A_260 = tpu.memref_slice %arg9[%dma_start3A_257, %dma_start3A_258, %dma_start3A_259] : memref<2x80x128xf32, #tpu.memory_space<vmem>> -> memref<1x80x128xf32, #tpu.memory_space<vmem>>
      %dma_start3A_261 = tpu.memref_squeeze %dma_start3A_260 : memref<1x80x128xf32, #tpu.memory_space<vmem>> -> memref<80x128xf32, #tpu.memory_space<vmem>>
      %dma_start3A_262 = tpu.memref_slice %arg7[%mul3A_256] : memref<10000xi32, #tpu.memory_space<vmem>> -> memref<80xi32, #tpu.memory_space<vmem>>
      %dma_start3A_263 = arith.constant 0 : i32
      %dma_start3A_264 = arith.constant 0 : i32
      %dma_start3A_265 = tpu.memref_slice %arg2[%dma_start3A_263, %dma_start3A_264] : memref<10000x128xf32, #tpu.memory_space<hbm>> -> memref<10000x128xf32, #tpu.memory_space<hbm>>
      tpu.enqueue_indirect_dma source(%dma_start3A_265 : memref<10000x128xf32, #tpu.memory_space<hbm>>) target(%dma_start3A_261 : memref<80x128xf32, #tpu.memory_space<vmem>>) offsets(%dma_start3A_262 : memref<80xi32, #tpu.memory_space<vmem>>) semaphore(%arg15 : memref<!tpu.dma_semaphore, #tpu.memory_space<semaphore_mem>>)
      %dma_start3A_266 = arith.constant 0 : i32
      %dma_start3A_267 = arith.constant 0 : i32
      %dma_start3A_268 = arith.constant 0 : i32
      %dma_start3A_269 = tpu.memref_slice %arg10[%dma_start3A_266, %dma_start3A_267, %dma_start3A_268] : memref<2x80x128xf32, #tpu.memory_space<vmem>> -> memref<1x80x128xf32, #tpu.memory_space<vmem>>
      %dma_start3A_270 = tpu.memref_squeeze %dma_start3A_269 : memref<1x80x128xf32, #tpu.memory_space<vmem>> -> memref<80x128xf32, #tpu.memory_space<vmem>>
      %dma_start3A_271 = arith.constant 0 : i32
      %dma_start3A_272 = tpu.memref_slice %arg8[%add3A_254, %dma_start3A_271] : memref<125x80xi32, #tpu.memory_space<vmem>> -> memref<1x80xi32, #tpu.memory_space<vmem>>
      %dma_start3A_273 = tpu.memref_squeeze %dma_start3A_272 : memref<1x80xi32, #tpu.memory_space<vmem>> -> memref<80xi32, #tpu.memory_space<vmem>>
      %dma_start3A_274 = arith.constant 0 : i32
      %dma_start3A_275 = arith.constant 0 : i32
      %dma_start3A_276 = tpu.memref_slice %arg2[%dma_start3A_274, %dma_start3A_275] : memref<10000x128xf32, #tpu.memory_space<hbm>> -> memref<10000x128xf32, #tpu.memory_space<hbm>>
      tpu.enqueue_indirect_dma source(%dma_start3A_276 : memref<10000x128xf32, #tpu.memory_space<hbm>>) target(%dma_start3A_270 : memref<80x128xf32, #tpu.memory_space<vmem>>) offsets(%dma_start3A_273 : memref<80xi32, #tpu.memory_space<vmem>>) semaphore(%arg15 : memref<!tpu.dma_semaphore, #tpu.memory_space<semaphore_mem>>)
      %mul3A_277 = arith.constant 80 : i32
      %mul3A_278 = arith.muli %add3A_252, %mul3A_277 : i32
      %dma_wait3A_279 = arith.constant 1 : i32
      %dma_wait3A_280 = arith.constant 0 : i32
      %dma_wait3A_281 = arith.constant 0 : i32
      %dma_wait3A_282 = tpu.memref_slice %arg9[%dma_wait3A_279, %dma_wait3A_280, %dma_wait3A_281] : memref<2x80x128xf32, #tpu.memory_space<vmem>> -> memref<1x80x128xf32, #tpu.memory_space<vmem>>
      %dma_wait3A_283 = tpu.memref_squeeze %dma_wait3A_282 : memref<1x80x128xf32, #tpu.memory_space<vmem>> -> memref<80x128xf32, #tpu.memory_space<vmem>>
      %dma_wait3A_284 = tpu.memref_slice %arg7[%mul3A_278] : memref<10000xi32, #tpu.memory_space<vmem>> -> memref<80xi32, #tpu.memory_space<vmem>>
      %dma_wait3A_285 = arith.constant 0 : i32
      %dma_wait3A_286 = arith.constant 0 : i32
      %dma_wait3A_287 = tpu.memref_slice %arg2[%dma_wait3A_285, %dma_wait3A_286] : memref<10000x128xf32, #tpu.memory_space<hbm>> -> memref<10000x128xf32, #tpu.memory_space<hbm>>
      tpu.wait_indirect_dma semaphore(%arg16 : memref<!tpu.dma_semaphore, #tpu.memory_space<semaphore_mem>>) src(%dma_wait3A_287 : memref<10000x128xf32, #tpu.memory_space<hbm>>) dst(%dma_wait3A_283 : memref<80x128xf32, #tpu.memory_space<vmem>>)
      %dma_wait3A_288 = arith.constant 1 : i32
      %dma_wait3A_289 = arith.constant 0 : i32
      %dma_wait3A_290 = arith.constant 0 : i32
      %dma_wait3A_291 = tpu.memref_slice %arg10[%dma_wait3A_288, %dma_wait3A_289, %dma_wait3A_290] : memref<2x80x128xf32, #tpu.memory_space<vmem>> -> memref<1x80x128xf32, #tpu.memory_space<vmem>>
      %dma_wait3A_292 = tpu.memref_squeeze %dma_wait3A_291 : memref<1x80x128xf32, #tpu.memory_space<vmem>> -> memref<80x128xf32, #tpu.memory_space<vmem>>
      %dma_wait3A_293 = arith.constant 0 : i32
      %dma_wait3A_294 = tpu.memref_slice %arg8[%add3A_252, %dma_wait3A_293] : memref<125x80xi32, #tpu.memory_space<vmem>> -> memref<1x80xi32, #tpu.memory_space<vmem>>
      %dma_wait3A_295 = tpu.memref_squeeze %dma_wait3A_294 : memref<1x80xi32, #tpu.memory_space<vmem>> -> memref<80xi32, #tpu.memory_space<vmem>>
      %dma_wait3A_296 = arith.constant 0 : i32
      %dma_wait3A_297 = arith.constant 0 : i32
      %dma_wait3A_298 = tpu.memref_slice %arg2[%dma_wait3A_296, %dma_wait3A_297] : memref<10000x128xf32, #tpu.memory_space<hbm>> -> memref<10000x128xf32, #tpu.memory_space<hbm>>
      tpu.wait_indirect_dma semaphore(%arg16 : memref<!tpu.dma_semaphore, #tpu.memory_space<semaphore_mem>>) src(%dma_wait3A_298 : memref<10000x128xf32, #tpu.memory_space<hbm>>) dst(%dma_wait3A_292 : memref<80x128xf32, #tpu.memory_space<vmem>>)
      %dma_wait3A_299 = arith.constant 1 : i32
      %dma_wait3A_300 = arith.constant 0 : i32
      %dma_wait3A_301 = arith.constant 0 : i32
      %dma_wait3A_302 = arith.constant 0 : i32
      %dma_wait3A_303 = tpu.memref_slice %arg11[%dma_wait3A_299, %dma_wait3A_301, %dma_wait3A_302] : memref<2x80x16xf32, #tpu.memory_space<vmem>> -> memref<1x80x16xf32, #tpu.memory_space<vmem>>
      %dma_wait3A_304 = tpu.memref_squeeze %dma_wait3A_303 : memref<1x80x16xf32, #tpu.memory_space<vmem>> -> memref<80x16xf32, #tpu.memory_space<vmem>>
      %dma_wait3A_305 = arith.constant 0 : i32
      %dma_wait3A_306 = tpu.memref_slice %arg8[%dma_wait3A_300, %dma_wait3A_305] : memref<125x80xi32, #tpu.memory_space<vmem>> -> memref<1x80xi32, #tpu.memory_space<vmem>>
      %dma_wait3A_307 = tpu.memref_squeeze %dma_wait3A_306 : memref<1x80xi32, #tpu.memory_space<vmem>> -> memref<80xi32, #tpu.memory_space<vmem>>
      %dma_wait3A_308 = arith.constant 0 : i32
      %dma_wait3A_309 = arith.constant 0 : i32
      %dma_wait3A_310 = tpu.memref_slice %arg14[%dma_wait3A_308, %dma_wait3A_309] : memref<10240x16xf32, #tpu.memory_space<vmem_shared>> -> memref<10240x16xf32, #tpu.memory_space<vmem_shared>>
      tpu.wait_indirect_dma semaphore(%arg18 : memref<!tpu.dma_semaphore, #tpu.memory_space<semaphore_mem>>) src(%dma_wait3A_304 : memref<80x16xf32, #tpu.memory_space<vmem>>) dst(%dma_wait3A_310 : memref<10240x16xf32, #tpu.memory_space<vmem_shared>>)
      %parallel_loop3A_311 = arith.constant 0 : i32
      %parallel_loop3A_312 = arith.constant 80 : i32
      %parallel_loop3A_313 = arith.constant 1 : i32
      scf.for %parallel_loop3A_326 = %parallel_loop3A_311 to %parallel_loop3A_312 step %parallel_loop3A_313  : i32 {
        %parallel_loop3A_327 = arith.constant 1 : i32
        %parallel_loop3A_328 = arith.index_cast %parallel_loop3A_327 : i32 to index
        %parallel_loop3A_329 = arith.index_cast %parallel_loop3A_326 : i32 to index
        %parallel_loop3A_330 = arith.constant 0 : index
        %parallel_loop3A_331 = tpu.vector_load %arg9[%parallel_loop3A_328, %parallel_loop3A_329, %parallel_loop3A_330] {strides = array<i32>} : memref<2x80x128xf32, #tpu.memory_space<vmem>>, vector<1x1x16xf32>,
        %parallel_loop3A_332 = vector.shape_cast %parallel_loop3A_331 : vector<1x1x16xf32> to vector<16xf32>
        %parallel_loop3A_333 = arith.constant 1 : i32
        %parallel_loop3A_334 = arith.index_cast %parallel_loop3A_333 : i32 to index
        %parallel_loop3A_335 = arith.index_cast %parallel_loop3A_326 : i32 to index
        %parallel_loop3A_336 = arith.constant 0 : index
        %parallel_loop3A_337 = tpu.vector_load %arg10[%parallel_loop3A_334, %parallel_loop3A_335, %parallel_loop3A_336] {strides = array<i32>} : memref<2x80x128xf32, #tpu.memory_space<vmem>>, vector<1x1x16xf32>,
        %parallel_loop3A_338 = vector.shape_cast %parallel_loop3A_337 : vector<1x1x16xf32> to vector<16xf32>
        %parallel_loop3A_339 = arith.addf %parallel_loop3A_332, %parallel_loop3A_338 : vector<16xf32>
        %parallel_loop3A_340 = arith.constant 2.000000e-01 : f32
        %parallel_loop3A_341 = vector.broadcast %parallel_loop3A_340 : f32 to vector<16xf32>
        %parallel_loop3A_342 = arith.mulf %parallel_loop3A_341, %parallel_loop3A_339 : vector<16xf32>
        %parallel_loop3A_343 = arith.maximumf %parallel_loop3A_339, %parallel_loop3A_342 : vector<16xf32>
        %parallel_loop3A_344 = arith.mulf %parallel_loop3A_343, %get3A_13 : vector<16xf32>
        %parallel_loop3A_345 = arith.addf %broadcast_in_dim3A_3, %parallel_loop3A_344 : vector<16xf32>
        %parallel_loop3A_346 = arith.constant 1 : i32
        %parallel_loop3A_347 = arith.index_cast %parallel_loop3A_346 : i32 to index
        %parallel_loop3A_348 = arith.index_cast %parallel_loop3A_326 : i32 to index
        %parallel_loop3A_349 = arith.constant 16 : index
        %parallel_loop3A_350 = tpu.vector_load %arg9[%parallel_loop3A_347, %parallel_loop3A_348, %parallel_loop3A_349] {strides = array<i32>} : memref<2x80x128xf32, #tpu.memory_space<vmem>>, vector<1x1x16xf32>,
        %parallel_loop3A_351 = vector.shape_cast %parallel_loop3A_350 : vector<1x1x16xf32> to vector<16xf32>
        %parallel_loop3A_352 = arith.constant 1 : i32
        %parallel_loop3A_353 = arith.index_cast %parallel_loop3A_352 : i32 to index
        %parallel_loop3A_354 = arith.index_cast %parallel_loop3A_326 : i32 to index
        %parallel_loop3A_355 = arith.constant 16 : index
        %parallel_loop3A_356 = tpu.vector_load %arg10[%parallel_loop3A_353, %parallel_loop3A_354, %parallel_loop3A_355] {strides = array<i32>} : memref<2x80x128xf32, #tpu.memory_space<vmem>>, vector<1x1x16xf32>,
        %parallel_loop3A_357 = vector.shape_cast %parallel_loop3A_356 : vector<1x1x16xf32> to vector<16xf32>
        %parallel_loop3A_358 = arith.addf %parallel_loop3A_351, %parallel_loop3A_357 : vector<16xf32>
        %parallel_loop3A_359 = arith.constant 2.000000e-01 : f32
        %parallel_loop3A_360 = vector.broadcast %parallel_loop3A_359 : f32 to vector<16xf32>
        %parallel_loop3A_361 = arith.mulf %parallel_loop3A_360, %parallel_loop3A_358 : vector<16xf32>
        %parallel_loop3A_362 = arith.maximumf %parallel_loop3A_358, %parallel_loop3A_361 : vector<16xf32>
        %parallel_loop3A_363 = arith.mulf %parallel_loop3A_362, %get3A_16 : vector<16xf32>
        %parallel_loop3A_364 = arith.addf %broadcast_in_dim3A_3, %parallel_loop3A_363 : vector<16xf32>
        %parallel_loop3A_365 = arith.constant 1 : i32
        %parallel_loop3A_366 = arith.index_cast %parallel_loop3A_365 : i32 to index
        %parallel_loop3A_367 = arith.index_cast %parallel_loop3A_326 : i32 to index
        %parallel_loop3A_368 = arith.constant 32 : index
        %parallel_loop3A_369 = tpu.vector_load %arg9[%parallel_loop3A_366, %parallel_loop3A_367, %parallel_loop3A_368] {strides = array<i32>} : memref<2x80x128xf32, #tpu.memory_space<vmem>>, vector<1x1x16xf32>,
        %parallel_loop3A_370 = vector.shape_cast %parallel_loop3A_369 : vector<1x1x16xf32> to vector<16xf32>
        %parallel_loop3A_371 = arith.constant 1 : i32
        %parallel_loop3A_372 = arith.index_cast %parallel_loop3A_371 : i32 to index
        %parallel_loop3A_373 = arith.index_cast %parallel_loop3A_326 : i32 to index
        %parallel_loop3A_374 = arith.constant 32 : index
        %parallel_loop3A_375 = tpu.vector_load %arg10[%parallel_loop3A_372, %parallel_loop3A_373, %parallel_loop3A_374] {strides = array<i32>} : memref<2x80x128xf32, #tpu.memory_space<vmem>>, vector<1x1x16xf32>,
        %parallel_loop3A_376 = vector.shape_cast %parallel_loop3A_375 : vector<1x1x16xf32> to vector<16xf32>
        %parallel_loop3A_377 = arith.addf %parallel_loop3A_370, %parallel_loop3A_376 : vector<16xf32>
        %parallel_loop3A_378 = arith.constant 2.000000e-01 : f32
        %parallel_loop3A_379 = vector.broadcast %parallel_loop3A_378 : f32 to vector<16xf32>
        %parallel_loop3A_380 = arith.mulf %parallel_loop3A_379, %parallel_loop3A_377 : vector<16xf32>
        %parallel_loop3A_381 = arith.maximumf %parallel_loop3A_377, %parallel_loop3A_380 : vector<16xf32>
        %parallel_loop3A_382 = arith.mulf %parallel_loop3A_381, %get3A_19 : vector<16xf32>
        %parallel_loop3A_383 = arith.addf %parallel_loop3A_345, %parallel_loop3A_382 : vector<16xf32>
        %parallel_loop3A_384 = arith.constant 1 : i32
        %parallel_loop3A_385 = arith.index_cast %parallel_loop3A_384 : i32 to index
        %parallel_loop3A_386 = arith.index_cast %parallel_loop3A_326 : i32 to index
        %parallel_loop3A_387 = arith.constant 48 : index
        %parallel_loop3A_388 = tpu.vector_load %arg9[%parallel_loop3A_385, %parallel_loop3A_386, %parallel_loop3A_387] {strides = array<i32>} : memref<2x80x128xf32, #tpu.memory_space<vmem>>, vector<1x1x16xf32>,
        %parallel_loop3A_389 = vector.shape_cast %parallel_loop3A_388 : vector<1x1x16xf32> to vector<16xf32>
        %parallel_loop3A_390 = arith.constant 1 : i32
        %parallel_loop3A_391 = arith.index_cast %parallel_loop3A_390 : i32 to index
        %parallel_loop3A_392 = arith.index_cast %parallel_loop3A_326 : i32 to index
        %parallel_loop3A_393 = arith.constant 48 : index
        %parallel_loop3A_394 = tpu.vector_load %arg10[%parallel_loop3A_391, %parallel_loop3A_392, %parallel_loop3A_393] {strides = array<i32>} : memref<2x80x128xf32, #tpu.memory_space<vmem>>, vector<1x1x16xf32>,
        %parallel_loop3A_395 = vector.shape_cast %parallel_loop3A_394 : vector<1x1x16xf32> to vector<16xf32>
        %parallel_loop3A_396 = arith.addf %parallel_loop3A_389, %parallel_loop3A_395 : vector<16xf32>
        %parallel_loop3A_397 = arith.constant 2.000000e-01 : f32
        %parallel_loop3A_398 = vector.broadcast %parallel_loop3A_397 : f32 to vector<16xf32>
        %parallel_loop3A_399 = arith.mulf %parallel_loop3A_398, %parallel_loop3A_396 : vector<16xf32>
        %parallel_loop3A_400 = arith.maximumf %parallel_loop3A_396, %parallel_loop3A_399 : vector<16xf32>
        %parallel_loop3A_401 = arith.mulf %parallel_loop3A_400, %get3A_22 : vector<16xf32>
        %parallel_loop3A_402 = arith.addf %parallel_loop3A_364, %parallel_loop3A_401 : vector<16xf32>
        %parallel_loop3A_403 = arith.constant 1 : i32
        %parallel_loop3A_404 = arith.index_cast %parallel_loop3A_403 : i32 to index
        %parallel_loop3A_405 = arith.index_cast %parallel_loop3A_326 : i32 to index
        %parallel_loop3A_406 = arith.constant 64 : index
        %parallel_loop3A_407 = tpu.vector_load %arg9[%parallel_loop3A_404, %parallel_loop3A_405, %parallel_loop3A_406] {strides = array<i32>} : memref<2x80x128xf32, #tpu.memory_space<vmem>>, vector<1x1x16xf32>,
        %parallel_loop3A_408 = vector.shape_cast %parallel_loop3A_407 : vector<1x1x16xf32> to vector<16xf32>
        %parallel_loop3A_409 = arith.constant 1 : i32
        %parallel_loop3A_410 = arith.index_cast %parallel_loop3A_409 : i32 to index
        %parallel_loop3A_411 = arith.index_cast %parallel_loop3A_326 : i32 to index
        %parallel_loop3A_412 = arith.constant 64 : index
        %parallel_loop3A_413 = tpu.vector_load %arg10[%parallel_loop3A_410, %parallel_loop3A_411, %parallel_loop3A_412] {strides = array<i32>} : memref<2x80x128xf32, #tpu.memory_space<vmem>>, vector<1x1x16xf32>,
        %parallel_loop3A_414 = vector.shape_cast %parallel_loop3A_413 : vector<1x1x16xf32> to vector<16xf32>
        %parallel_loop3A_415 = arith.addf %parallel_loop3A_408, %parallel_loop3A_414 : vector<16xf32>
        %parallel_loop3A_416 = arith.constant 2.000000e-01 : f32
        %parallel_loop3A_417 = vector.broadcast %parallel_loop3A_416 : f32 to vector<16xf32>
        %parallel_loop3A_418 = arith.mulf %parallel_loop3A_417, %parallel_loop3A_415 : vector<16xf32>
        %parallel_loop3A_419 = arith.maximumf %parallel_loop3A_415, %parallel_loop3A_418 : vector<16xf32>
        %parallel_loop3A_420 = arith.mulf %parallel_loop3A_419, %get3A_25 : vector<16xf32>
        %parallel_loop3A_421 = arith.addf %parallel_loop3A_383, %parallel_loop3A_420 : vector<16xf32>
        %parallel_loop3A_422 = arith.constant 1 : i32
        %parallel_loop3A_423 = arith.index_cast %parallel_loop3A_422 : i32 to index
        %parallel_loop3A_424 = arith.index_cast %parallel_loop3A_326 : i32 to index
        %parallel_loop3A_425 = arith.constant 80 : index
        %parallel_loop3A_426 = tpu.vector_load %arg9[%parallel_loop3A_423, %parallel_loop3A_424, %parallel_loop3A_425] {strides = array<i32>} : memref<2x80x128xf32, #tpu.memory_space<vmem>>, vector<1x1x16xf32>,
        %parallel_loop3A_427 = vector.shape_cast %parallel_loop3A_426 : vector<1x1x16xf32> to vector<16xf32>
        %parallel_loop3A_428 = arith.constant 1 : i32
        %parallel_loop3A_429 = arith.index_cast %parallel_loop3A_428 : i32 to index
        %parallel_loop3A_430 = arith.index_cast %parallel_loop3A_326 : i32 to index
        %parallel_loop3A_431 = arith.constant 80 : index
        %parallel_loop3A_432 = tpu.vector_load %arg10[%parallel_loop3A_429, %parallel_loop3A_430, %parallel_loop3A_431] {strides = array<i32>} : memref<2x80x128xf32, #tpu.memory_space<vmem>>, vector<1x1x16xf32>,
        %parallel_loop3A_433 = vector.shape_cast %parallel_loop3A_432 : vector<1x1x16xf32> to vector<16xf32>
        %parallel_loop3A_434 = arith.addf %parallel_loop3A_427, %parallel_loop3A_433 : vector<16xf32>
        %parallel_loop3A_435 = arith.constant 2.000000e-01 : f32
        %parallel_loop3A_436 = vector.broadcast %parallel_loop3A_435 : f32 to vector<16xf32>
        %parallel_loop3A_437 = arith.mulf %parallel_loop3A_436, %parallel_loop3A_434 : vector<16xf32>
        %parallel_loop3A_438 = arith.maximumf %parallel_loop3A_434, %parallel_loop3A_437 : vector<16xf32>
        %parallel_loop3A_439 = arith.mulf %parallel_loop3A_438, %get3A_28 : vector<16xf32>
        %parallel_loop3A_440 = arith.addf %parallel_loop3A_402, %parallel_loop3A_439 : vector<16xf32>
        %parallel_loop3A_441 = arith.constant 1 : i32
        %parallel_loop3A_442 = arith.index_cast %parallel_loop3A_441 : i32 to index
        %parallel_loop3A_443 = arith.index_cast %parallel_loop3A_326 : i32 to index
        %parallel_loop3A_444 = arith.constant 96 : index
        %parallel_loop3A_445 = tpu.vector_load %arg9[%parallel_loop3A_442, %parallel_loop3A_443, %parallel_loop3A_444] {strides = array<i32>} : memref<2x80x128xf32, #tpu.memory_space<vmem>>, vector<1x1x16xf32>,
        %parallel_loop3A_446 = vector.shape_cast %parallel_loop3A_445 : vector<1x1x16xf32> to vector<16xf32>
        %parallel_loop3A_447 = arith.constant 1 : i32
        %parallel_loop3A_448 = arith.index_cast %parallel_loop3A_447 : i32 to index
        %parallel_loop3A_449 = arith.index_cast %parallel_loop3A_326 : i32 to index
        %parallel_loop3A_450 = arith.constant 96 : index
        %parallel_loop3A_451 = tpu.vector_load %arg10[%parallel_loop3A_448, %parallel_loop3A_449, %parallel_loop3A_450] {strides = array<i32>} : memref<2x80x128xf32, #tpu.memory_space<vmem>>, vector<1x1x16xf32>,
        %parallel_loop3A_452 = vector.shape_cast %parallel_loop3A_451 : vector<1x1x16xf32> to vector<16xf32>
        %parallel_loop3A_453 = arith.addf %parallel_loop3A_446, %parallel_loop3A_452 : vector<16xf32>
        %parallel_loop3A_454 = arith.constant 2.000000e-01 : f32
        %parallel_loop3A_455 = vector.broadcast %parallel_loop3A_454 : f32 to vector<16xf32>
        %parallel_loop3A_456 = arith.mulf %parallel_loop3A_455, %parallel_loop3A_453 : vector<16xf32>
        %parallel_loop3A_457 = arith.maximumf %parallel_loop3A_453, %parallel_loop3A_456 : vector<16xf32>
        %parallel_loop3A_458 = arith.mulf %parallel_loop3A_457, %get3A_31 : vector<16xf32>
        %parallel_loop3A_459 = arith.addf %parallel_loop3A_421, %parallel_loop3A_458 : vector<16xf32>
        %parallel_loop3A_460 = arith.constant 1 : i32
        %parallel_loop3A_461 = arith.index_cast %parallel_loop3A_460 : i32 to index
        %parallel_loop3A_462 = arith.index_cast %parallel_loop3A_326 : i32 to index
        %parallel_loop3A_463 = arith.constant 112 : index
        %parallel_loop3A_464 = tpu.vector_load %arg9[%parallel_loop3A_461, %parallel_loop3A_462, %parallel_loop3A_463] {strides = array<i32>} : memref<2x80x128xf32, #tpu.memory_space<vmem>>, vector<1x1x16xf32>,
        %parallel_loop3A_465 = vector.shape_cast %parallel_loop3A_464 : vector<1x1x16xf32> to vector<16xf32>
        %parallel_loop3A_466 = arith.constant 1 : i32
        %parallel_loop3A_467 = arith.index_cast %parallel_loop3A_466 : i32 to index
        %parallel_loop3A_468 = arith.index_cast %parallel_loop3A_326 : i32 to index
        %parallel_loop3A_469 = arith.constant 112 : index
        %parallel_loop3A_470 = tpu.vector_load %arg10[%parallel_loop3A_467, %parallel_loop3A_468, %parallel_loop3A_469] {strides = array<i32>} : memref<2x80x128xf32, #tpu.memory_space<vmem>>, vector<1x1x16xf32>,
        %parallel_loop3A_471 = vector.shape_cast %parallel_loop3A_470 : vector<1x1x16xf32> to vector<16xf32>
        %parallel_loop3A_472 = arith.addf %parallel_loop3A_465, %parallel_loop3A_471 : vector<16xf32>
        %parallel_loop3A_473 = arith.constant 2.000000e-01 : f32
        %parallel_loop3A_474 = vector.broadcast %parallel_loop3A_473 : f32 to vector<16xf32>
        %parallel_loop3A_475 = arith.mulf %parallel_loop3A_474, %parallel_loop3A_472 : vector<16xf32>
        %parallel_loop3A_476 = arith.maximumf %parallel_loop3A_472, %parallel_loop3A_475 : vector<16xf32>
        %parallel_loop3A_477 = arith.mulf %parallel_loop3A_476, %get3A_34 : vector<16xf32>
        %parallel_loop3A_478 = arith.addf %parallel_loop3A_440, %parallel_loop3A_477 : vector<16xf32>
        %parallel_loop3A_479 = arith.addf %parallel_loop3A_459, %parallel_loop3A_478 : vector<16xf32>
        %parallel_loop3A_480 = arith.constant 15 : i32
        %parallel_loop3A_481 = vector.broadcast %parallel_loop3A_480 : i32 to vector<16xi32>
        %parallel_loop3A_482 = tpu.iota {dimensions = array<i32: 0>} : vector<16xi32>
        %parallel_loop3A_483 = arith.subi %parallel_loop3A_481, %parallel_loop3A_482 : vector<16xi32>
        %parallel_loop3A_484 = tpu.dynamic_gather %parallel_loop3A_479[%parallel_loop3A_483] in [0] : vector<16xf32>, vector<16xi32> -> vector<16xf32>
        %parallel_loop3A_485 = arith.addf %parallel_loop3A_479, %parallel_loop3A_484 : vector<16xf32>
        %parallel_loop3A_486 = vector.extract_strided_slice %parallel_loop3A_485 {offsets = [0], sizes = [1], strides = [1]} : vector<16xf32> to vector<1xf32>
        %parallel_loop3A_487 = vector.extract %parallel_loop3A_486[0] : f32 from vector<1xf32>
        %parallel_loop3A_488 = vector.extract_strided_slice %parallel_loop3A_485 {offsets = [1], sizes = [1], strides = [1]} : vector<16xf32> to vector<1xf32>
        %parallel_loop3A_489 = vector.extract %parallel_loop3A_488[0] : f32 from vector<1xf32>
        %parallel_loop3A_490 = arith.addf %parallel_loop3A_487, %parallel_loop3A_489 : f32
        %parallel_loop3A_491 = vector.extract_strided_slice %parallel_loop3A_485 {offsets = [2], sizes = [1], strides = [1]} : vector<16xf32> to vector<1xf32>
        %parallel_loop3A_492 = vector.extract %parallel_loop3A_491[0] : f32 from vector<1xf32>
        %parallel_loop3A_493 = vector.extract_strided_slice %parallel_loop3A_485 {offsets = [3], sizes = [1], strides = [1]} : vector<16xf32> to vector<1xf32>
        %parallel_loop3A_494 = vector.extract %parallel_loop3A_493[0] : f32 from vector<1xf32>
        %parallel_loop3A_495 = arith.addf %parallel_loop3A_492, %parallel_loop3A_494 : f32
        %parallel_loop3A_496 = vector.extract_strided_slice %parallel_loop3A_485 {offsets = [4], sizes = [1], strides = [1]} : vector<16xf32> to vector<1xf32>
        %parallel_loop3A_497 = vector.extract %parallel_loop3A_496[0] : f32 from vector<1xf32>
        %parallel_loop3A_498 = vector.extract_strided_slice %parallel_loop3A_485 {offsets = [5], sizes = [1], strides = [1]} : vector<16xf32> to vector<1xf32>
        %parallel_loop3A_499 = vector.extract %parallel_loop3A_498[0] : f32 from vector<1xf32>
        %parallel_loop3A_500 = arith.addf %parallel_loop3A_497, %parallel_loop3A_499 : f32
        %parallel_loop3A_501 = vector.extract_strided_slice %parallel_loop3A_485 {offsets = [6], sizes = [1], strides = [1]} : vector<16xf32> to vector<1xf32>
        %parallel_loop3A_502 = vector.extract %parallel_loop3A_501[0] : f32 from vector<1xf32>
        %parallel_loop3A_503 = vector.extract_strided_slice %parallel_loop3A_485 {offsets = [7], sizes = [1], strides = [1]} : vector<16xf32> to vector<1xf32>
        %parallel_loop3A_504 = vector.extract %parallel_loop3A_503[0] : f32 from vector<1xf32>
        %parallel_loop3A_505 = arith.addf %parallel_loop3A_502, %parallel_loop3A_504 : f32
        %parallel_loop3A_506 = arith.addf %parallel_loop3A_490, %parallel_loop3A_495 : f32
        %parallel_loop3A_507 = arith.addf %parallel_loop3A_500, %parallel_loop3A_505 : f32
        %parallel_loop3A_508 = arith.addf %parallel_loop3A_506, %parallel_loop3A_507 : f32
        %parallel_loop3A_509 = vector.broadcast %parallel_loop3A_508 : f32 to vector<16xf32>
        %parallel_loop3A_510 = arith.mulf %get3A_50, %parallel_loop3A_509 : vector<16xf32>
        %parallel_loop3A_511 = math.exp %parallel_loop3A_510 : vector<16xf32>
        %parallel_loop3A_512 = arith.constant 1 : i32
        %parallel_loop3A_513 = arith.index_cast %parallel_loop3A_512 : i32 to index
        %parallel_loop3A_514 = arith.index_cast %parallel_loop3A_326 : i32 to index
        %parallel_loop3A_515 = arith.constant 0 : index
        %parallel_loop3A_516 = tpu.vector_load %arg11[%parallel_loop3A_513, %parallel_loop3A_514, %parallel_loop3A_515] {strides = array<i32>} : memref<2x80x16xf32, #tpu.memory_space<vmem>>, vector<1x1x16xf32>,
        %parallel_loop3A_517 = vector.shape_cast %parallel_loop3A_516 : vector<1x1x16xf32> to vector<16xf32>
        %parallel_loop3A_518 = vector.shape_cast %parallel_loop3A_511 : vector<16xf32> to vector<1x1x16xf32>
        tpu.vector_store %arg11[%parallel_loop3A_513, %parallel_loop3A_514, %parallel_loop3A_515], %parallel_loop3A_518 {strides = array<i32>} : memref<2x80x16xf32, #tpu.memory_space<vmem>>, vector<1x1x16xf32>,
      } {sc.loop_unroll_factor = 8 : i64, sc.parallel_access}
      %dma_start3A_314 = arith.constant 1 : i32
      %dma_start3A_315 = arith.constant 0 : i32
      %dma_start3A_316 = arith.constant 0 : i32
      %dma_start3A_317 = tpu.memref_slice %arg11[%dma_start3A_314, %dma_start3A_315, %dma_start3A_316] : memref<2x80x16xf32, #tpu.memory_space<vmem>> -> memref<1x80x16xf32, #tpu.memory_space<vmem>>
      %dma_start3A_318 = tpu.memref_squeeze %dma_start3A_317 : memref<1x80x16xf32, #tpu.memory_space<vmem>> -> memref<80x16xf32, #tpu.memory_space<vmem>>
      %dma_start3A_319 = arith.constant 0 : i32
      %dma_start3A_320 = tpu.memref_slice %arg8[%add3A_252, %dma_start3A_319] : memref<125x80xi32, #tpu.memory_space<vmem>> -> memref<1x80xi32, #tpu.memory_space<vmem>>
      %dma_start3A_321 = tpu.memref_squeeze %dma_start3A_320 : memref<1x80xi32, #tpu.memory_space<vmem>> -> memref<80xi32, #tpu.memory_space<vmem>>
      %dma_start3A_322 = arith.constant 0 : i32
      %dma_start3A_323 = arith.constant 0 : i32
      %dma_start3A_324 = tpu.memref_slice %arg14[%dma_start3A_322, %dma_start3A_323] : memref<10240x16xf32, #tpu.memory_space<vmem_shared>> -> memref<10240x16xf32, #tpu.memory_space<vmem_shared>>
      tpu.enqueue_indirect_dma source(%dma_start3A_318 : memref<80x16xf32, #tpu.memory_space<vmem>>) target(%dma_start3A_324 : memref<10240x16xf32, #tpu.memory_space<vmem_shared>>) offsets(%dma_start3A_321 : memref<80xi32, #tpu.memory_space<vmem>>) semaphore(%arg18 : memref<!tpu.dma_semaphore, #tpu.memory_space<semaphore_mem>>) {add = true}
      %scan3A_325 = arith.constant 0 : i32
      scf.yield %scan3A_325 : i32
    }
    %scan3A_98 = arith.constant 62 : i32
    %dma_wait3A = arith.constant 0 : i32
    %dma_wait3A_99 = arith.constant 0 : i32
    %dma_wait3A_100 = arith.constant 0 : i32
    %dma_wait3A_101 = tpu.memref_slice %arg9[%dma_wait3A, %dma_wait3A_99, %dma_wait3A_100] : memref<2x80x128xf32, #tpu.memory_space<vmem>> -> memref<1x80x128xf32, #tpu.memory_space<vmem>>
    %dma_wait3A_102 = tpu.memref_squeeze %dma_wait3A_101 : memref<1x80x128xf32, #tpu.memory_space<vmem>> -> memref<80x128xf32, #tpu.memory_space<vmem>>
    %dma_wait3A_103 = arith.constant 9920 : i32
    %dma_wait3A_104 = tpu.memref_slice %arg7[%dma_wait3A_103] : memref<10000xi32, #tpu.memory_space<vmem>> -> memref<80xi32, #tpu.memory_space<vmem>>
    %dma_wait3A_105 = arith.constant 0 : i32
    %dma_wait3A_106 = arith.constant 0 : i32
    %dma_wait3A_107 = tpu.memref_slice %arg2[%dma_wait3A_105, %dma_wait3A_106] : memref<10000x128xf32, #tpu.memory_space<hbm>> -> memref<10000x128xf32, #tpu.memory_space<hbm>>
    tpu.wait_indirect_dma semaphore(%arg15 : memref<!tpu.dma_semaphore, #tpu.memory_space<semaphore_mem>>) src(%dma_wait3A_107 : memref<10000x128xf32, #tpu.memory_space<hbm>>) dst(%dma_wait3A_102 : memref<80x128xf32, #tpu.memory_space<vmem>>)
    %dma_wait3A_108 = arith.constant 124 : i32
    %dma_wait3A_109 = arith.constant 0 : i32
    %dma_wait3A_110 = arith.constant 0 : i32
    %dma_wait3A_111 = arith.constant 0 : i32
    %dma_wait3A_112 = tpu.memref_slice %arg10[%dma_wait3A_109, %dma_wait3A_110, %dma_wait3A_111] : memref<2x80x128xf32, #tpu.memory_space<vmem>> -> memref<1x80x128xf32, #tpu.memory_space<vmem>>
    %dma_wait3A_113 = tpu.memref_squeeze %dma_wait3A_112 : memref<1x80x128xf32, #tpu.memory_space<vmem>> -> memref<80x128xf32, #tpu.memory_space<vmem>>
    %dma_wait3A_114 = arith.constant 0 : i32
    %dma_wait3A_115 = tpu.memref_slice %arg8[%dma_wait3A_108, %dma_wait3A_114] : memref<125x80xi32, #tpu.memory_space<vmem>> -> memref<1x80xi32, #tpu.memory_space<vmem>>
    %dma_wait3A_116 = tpu.memref_squeeze %dma_wait3A_115 : memref<1x80xi32, #tpu.memory_space<vmem>> -> memref<80xi32, #tpu.memory_space<vmem>>
    %dma_wait3A_117 = arith.constant 0 : i32
    %dma_wait3A_118 = arith.constant 0 : i32
    %dma_wait3A_119 = tpu.memref_slice %arg2[%dma_wait3A_117, %dma_wait3A_118] : memref<10000x128xf32, #tpu.memory_space<hbm>> -> memref<10000x128xf32, #tpu.memory_space<hbm>>
    tpu.wait_indirect_dma semaphore(%arg15 : memref<!tpu.dma_semaphore, #tpu.memory_space<semaphore_mem>>) src(%dma_wait3A_119 : memref<10000x128xf32, #tpu.memory_space<hbm>>) dst(%dma_wait3A_113 : memref<80x128xf32, #tpu.memory_space<vmem>>)
    %dma_wait3A_120 = arith.constant 0 : i32
    %dma_wait3A_121 = arith.constant 0 : i32
    %dma_wait3A_122 = arith.constant 0 : i32
    %dma_wait3A_123 = arith.constant 0 : i32
    %dma_wait3A_124 = tpu.memref_slice %arg11[%dma_wait3A_120, %dma_wait3A_122, %dma_wait3A_123] : memref<2x80x16xf32, #tpu.memory_space<vmem>> -> memref<1x80x16xf32, #tpu.memory_space<vmem>>
    %dma_wait3A_125 = tpu.memref_squeeze %dma_wait3A_124 : memref<1x80x16xf32, #tpu.memory_space<vmem>> -> memref<80x16xf32, #tpu.memory_space<vmem>>
    %dma_wait3A_126 = arith.constant 0 : i32
    %dma_wait3A_127 = tpu.memref_slice %arg8[%dma_wait3A_121, %dma_wait3A_126] : memref<125x80xi32, #tpu.memory_space<vmem>> -> memref<1x80xi32, #tpu.memory_space<vmem>>
    %dma_wait3A_128 = tpu.memref_squeeze %dma_wait3A_127 : memref<1x80xi32, #tpu.memory_space<vmem>> -> memref<80xi32, #tpu.memory_space<vmem>>
    %dma_wait3A_129 = arith.constant 0 : i32
    %dma_wait3A_130 = arith.constant 0 : i32
    %dma_wait3A_131 = tpu.memref_slice %arg14[%dma_wait3A_129, %dma_wait3A_130] : memref<10240x16xf32, #tpu.memory_space<vmem_shared>> -> memref<10240x16xf32, #tpu.memory_space<vmem_shared>>
    tpu.wait_indirect_dma semaphore(%arg17 : memref<!tpu.dma_semaphore, #tpu.memory_space<semaphore_mem>>) src(%dma_wait3A_125 : memref<80x16xf32, #tpu.memory_space<vmem>>) dst(%dma_wait3A_131 : memref<10240x16xf32, #tpu.memory_space<vmem_shared>>)
    %parallel_loop3A = arith.constant 0 : i32
    %parallel_loop3A_132 = arith.constant 80 : i32
    %parallel_loop3A_133 = arith.constant 1 : i32
    scf.for %parallel_loop3A_173 = %parallel_loop3A to %parallel_loop3A_132 step %parallel_loop3A_133  : i32 {
      %parallel_loop3A_174 = arith.constant 0 : i32
      %parallel_loop3A_175 = arith.index_cast %parallel_loop3A_174 : i32 to index
      %parallel_loop3A_176 = arith.index_cast %parallel_loop3A_173 : i32 to index
      %parallel_loop3A_177 = arith.constant 0 : index
      %parallel_loop3A_178 = tpu.vector_load %arg9[%parallel_loop3A_175, %parallel_loop3A_176, %parallel_loop3A_177] {strides = array<i32>} : memref<2x80x128xf32, #tpu.memory_space<vmem>>, vector<1x1x16xf32>,
      %parallel_loop3A_179 = vector.shape_cast %parallel_loop3A_178 : vector<1x1x16xf32> to vector<16xf32>
      %parallel_loop3A_180 = arith.constant 0 : i32
      %parallel_loop3A_181 = arith.index_cast %parallel_loop3A_180 : i32 to index
      %parallel_loop3A_182 = arith.index_cast %parallel_loop3A_173 : i32 to index
      %parallel_loop3A_183 = arith.constant 0 : index
      %parallel_loop3A_184 = tpu.vector_load %arg10[%parallel_loop3A_181, %parallel_loop3A_182, %parallel_loop3A_183] {strides = array<i32>} : memref<2x80x128xf32, #tpu.memory_space<vmem>>, vector<1x1x16xf32>,
      %parallel_loop3A_185 = vector.shape_cast %parallel_loop3A_184 : vector<1x1x16xf32> to vector<16xf32>
      %parallel_loop3A_186 = arith.addf %parallel_loop3A_179, %parallel_loop3A_185 : vector<16xf32>
      %parallel_loop3A_187 = arith.constant 2.000000e-01 : f32
      %parallel_loop3A_188 = vector.broadcast %parallel_loop3A_187 : f32 to vector<16xf32>
      %parallel_loop3A_189 = arith.mulf %parallel_loop3A_188, %parallel_loop3A_186 : vector<16xf32>
      %parallel_loop3A_190 = arith.maximumf %parallel_loop3A_186, %parallel_loop3A_189 : vector<16xf32>
      %parallel_loop3A_191 = arith.mulf %parallel_loop3A_190, %get3A_13 : vector<16xf32>
      %parallel_loop3A_192 = arith.addf %broadcast_in_dim3A_3, %parallel_loop3A_191 : vector<16xf32>
      %parallel_loop3A_193 = arith.constant 0 : i32
      %parallel_loop3A_194 = arith.index_cast %parallel_loop3A_193 : i32 to index
      %parallel_loop3A_195 = arith.index_cast %parallel_loop3A_173 : i32 to index
      %parallel_loop3A_196 = arith.constant 16 : index
      %parallel_loop3A_197 = tpu.vector_load %arg9[%parallel_loop3A_194, %parallel_loop3A_195, %parallel_loop3A_196] {strides = array<i32>} : memref<2x80x128xf32, #tpu.memory_space<vmem>>, vector<1x1x16xf32>,
      %parallel_loop3A_198 = vector.shape_cast %parallel_loop3A_197 : vector<1x1x16xf32> to vector<16xf32>
      %parallel_loop3A_199 = arith.constant 0 : i32
      %parallel_loop3A_200 = arith.index_cast %parallel_loop3A_199 : i32 to index
      %parallel_loop3A_201 = arith.index_cast %parallel_loop3A_173 : i32 to index
      %parallel_loop3A_202 = arith.constant 16 : index
      %parallel_loop3A_203 = tpu.vector_load %arg10[%parallel_loop3A_200, %parallel_loop3A_201, %parallel_loop3A_202] {strides = array<i32>} : memref<2x80x128xf32, #tpu.memory_space<vmem>>, vector<1x1x16xf32>,
      %parallel_loop3A_204 = vector.shape_cast %parallel_loop3A_203 : vector<1x1x16xf32> to vector<16xf32>
      %parallel_loop3A_205 = arith.addf %parallel_loop3A_198, %parallel_loop3A_204 : vector<16xf32>
      %parallel_loop3A_206 = arith.constant 2.000000e-01 : f32
      %parallel_loop3A_207 = vector.broadcast %parallel_loop3A_206 : f32 to vector<16xf32>
      %parallel_loop3A_208 = arith.mulf %parallel_loop3A_207, %parallel_loop3A_205 : vector<16xf32>
      %parallel_loop3A_209 = arith.maximumf %parallel_loop3A_205, %parallel_loop3A_208 : vector<16xf32>
      %parallel_loop3A_210 = arith.mulf %parallel_loop3A_209, %get3A_16 : vector<16xf32>
      %parallel_loop3A_211 = arith.addf %broadcast_in_dim3A_3, %parallel_loop3A_210 : vector<16xf32>
      %parallel_loop3A_212 = arith.constant 0 : i32
      %parallel_loop3A_213 = arith.index_cast %parallel_loop3A_212 : i32 to index
      %parallel_loop3A_214 = arith.index_cast %parallel_loop3A_173 : i32 to index
      %parallel_loop3A_215 = arith.constant 32 : index
      %parallel_loop3A_216 = tpu.vector_load %arg9[%parallel_loop3A_213, %parallel_loop3A_214, %parallel_loop3A_215] {strides = array<i32>} : memref<2x80x128xf32, #tpu.memory_space<vmem>>, vector<1x1x16xf32>,
      %parallel_loop3A_217 = vector.shape_cast %parallel_loop3A_216 : vector<1x1x16xf32> to vector<16xf32>
      %parallel_loop3A_218 = arith.constant 0 : i32
      %parallel_loop3A_219 = arith.index_cast %parallel_loop3A_218 : i32 to index
      %parallel_loop3A_220 = arith.index_cast %parallel_loop3A_173 : i32 to index
      %parallel_loop3A_221 = arith.constant 32 : index
      %parallel_loop3A_222 = tpu.vector_load %arg10[%parallel_loop3A_219, %parallel_loop3A_220, %parallel_loop3A_221] {strides = array<i32>} : memref<2x80x128xf32, #tpu.memory_space<vmem>>, vector<1x1x16xf32>,
      %parallel_loop3A_223 = vector.shape_cast %parallel_loop3A_222 : vector<1x1x16xf32> to vector<16xf32>
      %parallel_loop3A_224 = arith.addf %parallel_loop3A_217, %parallel_loop3A_223 : vector<16xf32>
      %parallel_loop3A_225 = arith.constant 2.000000e-01 : f32
      %parallel_loop3A_226 = vector.broadcast %parallel_loop3A_225 : f32 to vector<16xf32>
      %parallel_loop3A_227 = arith.mulf %parallel_loop3A_226, %parallel_loop3A_224 : vector<16xf32>
      %parallel_loop3A_228 = arith.maximumf %parallel_loop3A_224, %parallel_loop3A_227 : vector<16xf32>
      %parallel_loop3A_229 = arith.mulf %parallel_loop3A_228, %get3A_19 : vector<16xf32>
      %parallel_loop3A_230 = arith.addf %parallel_loop3A_192, %parallel_loop3A_229 : vector<16xf32>
      %parallel_loop3A_231 = arith.constant 0 : i32
      %parallel_loop3A_232 = arith.index_cast %parallel_loop3A_231 : i32 to index
      %parallel_loop3A_233 = arith.index_cast %parallel_loop3A_173 : i32 to index
      %parallel_loop3A_234 = arith.constant 48 : index
      %parallel_loop3A_235 = tpu.vector_load %arg9[%parallel_loop3A_232, %parallel_loop3A_233, %parallel_loop3A_234] {strides = array<i32>} : memref<2x80x128xf32, #tpu.memory_space<vmem>>, vector<1x1x16xf32>,
      %parallel_loop3A_236 = vector.shape_cast %parallel_loop3A_235 : vector<1x1x16xf32> to vector<16xf32>
      %parallel_loop3A_237 = arith.constant 0 : i32
      %parallel_loop3A_238 = arith.index_cast %parallel_loop3A_237 : i32 to index
      %parallel_loop3A_239 = arith.index_cast %parallel_loop3A_173 : i32 to index
      %parallel_loop3A_240 = arith.constant 48 : index
      %parallel_loop3A_241 = tpu.vector_load %arg10[%parallel_loop3A_238, %parallel_loop3A_239, %parallel_loop3A_240] {strides = array<i32>} : memref<2x80x128xf32, #tpu.memory_space<vmem>>, vector<1x1x16xf32>,
      %parallel_loop3A_242 = vector.shape_cast %parallel_loop3A_241 : vector<1x1x16xf32> to vector<16xf32>
      %parallel_loop3A_243 = arith.addf %parallel_loop3A_236, %parallel_loop3A_242 : vector<16xf32>
      %parallel_loop3A_244 = arith.constant 2.000000e-01 : f32
      %parallel_loop3A_245 = vector.broadcast %parallel_loop3A_244 : f32 to vector<16xf32>
      %parallel_loop3A_246 = arith.mulf %parallel_loop3A_245, %parallel_loop3A_243 : vector<16xf32>
      %parallel_loop3A_247 = arith.maximumf %parallel_loop3A_243, %parallel_loop3A_246 : vector<16xf32>
      %parallel_loop3A_248 = arith.mulf %parallel_loop3A_247, %get3A_22 : vector<16xf32>
      %parallel_loop3A_249 = arith.addf %parallel_loop3A_211, %parallel_loop3A_248 : vector<16xf32>
      %parallel_loop3A_250 = arith.constant 0 : i32
      %parallel_loop3A_251 = arith.index_cast %parallel_loop3A_250 : i32 to index
      %parallel_loop3A_252 = arith.index_cast %parallel_loop3A_173 : i32 to index
      %parallel_loop3A_253 = arith.constant 64 : index
      %parallel_loop3A_254 = tpu.vector_load %arg9[%parallel_loop3A_251, %parallel_loop3A_252, %parallel_loop3A_253] {strides = array<i32>} : memref<2x80x128xf32, #tpu.memory_space<vmem>>, vector<1x1x16xf32>,
      %parallel_loop3A_255 = vector.shape_cast %parallel_loop3A_254 : vector<1x1x16xf32> to vector<16xf32>
      %parallel_loop3A_256 = arith.constant 0 : i32
      %parallel_loop3A_257 = arith.index_cast %parallel_loop3A_256 : i32 to index
      %parallel_loop3A_258 = arith.index_cast %parallel_loop3A_173 : i32 to index
      %parallel_loop3A_259 = arith.constant 64 : index
      %parallel_loop3A_260 = tpu.vector_load %arg10[%parallel_loop3A_257, %parallel_loop3A_258, %parallel_loop3A_259] {strides = array<i32>} : memref<2x80x128xf32, #tpu.memory_space<vmem>>, vector<1x1x16xf32>,
      %parallel_loop3A_261 = vector.shape_cast %parallel_loop3A_260 : vector<1x1x16xf32> to vector<16xf32>
      %parallel_loop3A_262 = arith.addf %parallel_loop3A_255, %parallel_loop3A_261 : vector<16xf32>
      %parallel_loop3A_263 = arith.constant 2.000000e-01 : f32
      %parallel_loop3A_264 = vector.broadcast %parallel_loop3A_263 : f32 to vector<16xf32>
      %parallel_loop3A_265 = arith.mulf %parallel_loop3A_264, %parallel_loop3A_262 : vector<16xf32>
      %parallel_loop3A_266 = arith.maximumf %parallel_loop3A_262, %parallel_loop3A_265 : vector<16xf32>
      %parallel_loop3A_267 = arith.mulf %parallel_loop3A_266, %get3A_25 : vector<16xf32>
      %parallel_loop3A_268 = arith.addf %parallel_loop3A_230, %parallel_loop3A_267 : vector<16xf32>
      %parallel_loop3A_269 = arith.constant 0 : i32
      %parallel_loop3A_270 = arith.index_cast %parallel_loop3A_269 : i32 to index
      %parallel_loop3A_271 = arith.index_cast %parallel_loop3A_173 : i32 to index
      %parallel_loop3A_272 = arith.constant 80 : index
      %parallel_loop3A_273 = tpu.vector_load %arg9[%parallel_loop3A_270, %parallel_loop3A_271, %parallel_loop3A_272] {strides = array<i32>} : memref<2x80x128xf32, #tpu.memory_space<vmem>>, vector<1x1x16xf32>,
      %parallel_loop3A_274 = vector.shape_cast %parallel_loop3A_273 : vector<1x1x16xf32> to vector<16xf32>
      %parallel_loop3A_275 = arith.constant 0 : i32
      %parallel_loop3A_276 = arith.index_cast %parallel_loop3A_275 : i32 to index
      %parallel_loop3A_277 = arith.index_cast %parallel_loop3A_173 : i32 to index
      %parallel_loop3A_278 = arith.constant 80 : index
      %parallel_loop3A_279 = tpu.vector_load %arg10[%parallel_loop3A_276, %parallel_loop3A_277, %parallel_loop3A_278] {strides = array<i32>} : memref<2x80x128xf32, #tpu.memory_space<vmem>>, vector<1x1x16xf32>,
      %parallel_loop3A_280 = vector.shape_cast %parallel_loop3A_279 : vector<1x1x16xf32> to vector<16xf32>
      %parallel_loop3A_281 = arith.addf %parallel_loop3A_274, %parallel_loop3A_280 : vector<16xf32>
      %parallel_loop3A_282 = arith.constant 2.000000e-01 : f32
      %parallel_loop3A_283 = vector.broadcast %parallel_loop3A_282 : f32 to vector<16xf32>
      %parallel_loop3A_284 = arith.mulf %parallel_loop3A_283, %parallel_loop3A_281 : vector<16xf32>
      %parallel_loop3A_285 = arith.maximumf %parallel_loop3A_281, %parallel_loop3A_284 : vector<16xf32>
      %parallel_loop3A_286 = arith.mulf %parallel_loop3A_285, %get3A_28 : vector<16xf32>
      %parallel_loop3A_287 = arith.addf %parallel_loop3A_249, %parallel_loop3A_286 : vector<16xf32>
      %parallel_loop3A_288 = arith.constant 0 : i32
      %parallel_loop3A_289 = arith.index_cast %parallel_loop3A_288 : i32 to index
      %parallel_loop3A_290 = arith.index_cast %parallel_loop3A_173 : i32 to index
      %parallel_loop3A_291 = arith.constant 96 : index
      %parallel_loop3A_292 = tpu.vector_load %arg9[%parallel_loop3A_289, %parallel_loop3A_290, %parallel_loop3A_291] {strides = array<i32>} : memref<2x80x128xf32, #tpu.memory_space<vmem>>, vector<1x1x16xf32>,
      %parallel_loop3A_293 = vector.shape_cast %parallel_loop3A_292 : vector<1x1x16xf32> to vector<16xf32>
      %parallel_loop3A_294 = arith.constant 0 : i32
      %parallel_loop3A_295 = arith.index_cast %parallel_loop3A_294 : i32 to index
      %parallel_loop3A_296 = arith.index_cast %parallel_loop3A_173 : i32 to index
      %parallel_loop3A_297 = arith.constant 96 : index
      %parallel_loop3A_298 = tpu.vector_load %arg10[%parallel_loop3A_295, %parallel_loop3A_296, %parallel_loop3A_297] {strides = array<i32>} : memref<2x80x128xf32, #tpu.memory_space<vmem>>, vector<1x1x16xf32>,
      %parallel_loop3A_299 = vector.shape_cast %parallel_loop3A_298 : vector<1x1x16xf32> to vector<16xf32>
      %parallel_loop3A_300 = arith.addf %parallel_loop3A_293, %parallel_loop3A_299 : vector<16xf32>
      %parallel_loop3A_301 = arith.constant 2.000000e-01 : f32
      %parallel_loop3A_302 = vector.broadcast %parallel_loop3A_301 : f32 to vector<16xf32>
      %parallel_loop3A_303 = arith.mulf %parallel_loop3A_302, %parallel_loop3A_300 : vector<16xf32>
      %parallel_loop3A_304 = arith.maximumf %parallel_loop3A_300, %parallel_loop3A_303 : vector<16xf32>
      %parallel_loop3A_305 = arith.mulf %parallel_loop3A_304, %get3A_31 : vector<16xf32>
      %parallel_loop3A_306 = arith.addf %parallel_loop3A_268, %parallel_loop3A_305 : vector<16xf32>
      %parallel_loop3A_307 = arith.constant 0 : i32
      %parallel_loop3A_308 = arith.index_cast %parallel_loop3A_307 : i32 to index
      %parallel_loop3A_309 = arith.index_cast %parallel_loop3A_173 : i32 to index
      %parallel_loop3A_310 = arith.constant 112 : index
      %parallel_loop3A_311 = tpu.vector_load %arg9[%parallel_loop3A_308, %parallel_loop3A_309, %parallel_loop3A_310] {strides = array<i32>} : memref<2x80x128xf32, #tpu.memory_space<vmem>>, vector<1x1x16xf32>,
      %parallel_loop3A_312 = vector.shape_cast %parallel_loop3A_311 : vector<1x1x16xf32> to vector<16xf32>
      %parallel_loop3A_313 = arith.constant 0 : i32
      %parallel_loop3A_314 = arith.index_cast %parallel_loop3A_313 : i32 to index
      %parallel_loop3A_315 = arith.index_cast %parallel_loop3A_173 : i32 to index
      %parallel_loop3A_316 = arith.constant 112 : index
      %parallel_loop3A_317 = tpu.vector_load %arg10[%parallel_loop3A_314, %parallel_loop3A_315, %parallel_loop3A_316] {strides = array<i32>} : memref<2x80x128xf32, #tpu.memory_space<vmem>>, vector<1x1x16xf32>,
      %parallel_loop3A_318 = vector.shape_cast %parallel_loop3A_317 : vector<1x1x16xf32> to vector<16xf32>
      %parallel_loop3A_319 = arith.addf %parallel_loop3A_312, %parallel_loop3A_318 : vector<16xf32>
      %parallel_loop3A_320 = arith.constant 2.000000e-01 : f32
      %parallel_loop3A_321 = vector.broadcast %parallel_loop3A_320 : f32 to vector<16xf32>
      %parallel_loop3A_322 = arith.mulf %parallel_loop3A_321, %parallel_loop3A_319 : vector<16xf32>
      %parallel_loop3A_323 = arith.maximumf %parallel_loop3A_319, %parallel_loop3A_322 : vector<16xf32>
      %parallel_loop3A_324 = arith.mulf %parallel_loop3A_323, %get3A_34 : vector<16xf32>
      %parallel_loop3A_325 = arith.addf %parallel_loop3A_287, %parallel_loop3A_324 : vector<16xf32>
      %parallel_loop3A_326 = arith.addf %parallel_loop3A_306, %parallel_loop3A_325 : vector<16xf32>
      %parallel_loop3A_327 = arith.constant 15 : i32
      %parallel_loop3A_328 = vector.broadcast %parallel_loop3A_327 : i32 to vector<16xi32>
      %parallel_loop3A_329 = tpu.iota {dimensions = array<i32: 0>} : vector<16xi32>
      %parallel_loop3A_330 = arith.subi %parallel_loop3A_328, %parallel_loop3A_329 : vector<16xi32>
      %parallel_loop3A_331 = tpu.dynamic_gather %parallel_loop3A_326[%parallel_loop3A_330] in [0] : vector<16xf32>, vector<16xi32> -> vector<16xf32>
      %parallel_loop3A_332 = arith.addf %parallel_loop3A_326, %parallel_loop3A_331 : vector<16xf32>
      %parallel_loop3A_333 = vector.extract_strided_slice %parallel_loop3A_332 {offsets = [0], sizes = [1], strides = [1]} : vector<16xf32> to vector<1xf32>
      %parallel_loop3A_334 = vector.extract %parallel_loop3A_333[0] : f32 from vector<1xf32>
      %parallel_loop3A_335 = vector.extract_strided_slice %parallel_loop3A_332 {offsets = [1], sizes = [1], strides = [1]} : vector<16xf32> to vector<1xf32>
      %parallel_loop3A_336 = vector.extract %parallel_loop3A_335[0] : f32 from vector<1xf32>
      %parallel_loop3A_337 = arith.addf %parallel_loop3A_334, %parallel_loop3A_336 : f32
      %parallel_loop3A_338 = vector.extract_strided_slice %parallel_loop3A_332 {offsets = [2], sizes = [1], strides = [1]} : vector<16xf32> to vector<1xf32>
      %parallel_loop3A_339 = vector.extract %parallel_loop3A_338[0] : f32 from vector<1xf32>
      %parallel_loop3A_340 = vector.extract_strided_slice %parallel_loop3A_332 {offsets = [3], sizes = [1], strides = [1]} : vector<16xf32> to vector<1xf32>
      %parallel_loop3A_341 = vector.extract %parallel_loop3A_340[0] : f32 from vector<1xf32>
      %parallel_loop3A_342 = arith.addf %parallel_loop3A_339, %parallel_loop3A_341 : f32
      %parallel_loop3A_343 = vector.extract_strided_slice %parallel_loop3A_332 {offsets = [4], sizes = [1], strides = [1]} : vector<16xf32> to vector<1xf32>
      %parallel_loop3A_344 = vector.extract %parallel_loop3A_343[0] : f32 from vector<1xf32>
      %parallel_loop3A_345 = vector.extract_strided_slice %parallel_loop3A_332 {offsets = [5], sizes = [1], strides = [1]} : vector<16xf32> to vector<1xf32>
      %parallel_loop3A_346 = vector.extract %parallel_loop3A_345[0] : f32 from vector<1xf32>
      %parallel_loop3A_347 = arith.addf %parallel_loop3A_344, %parallel_loop3A_346 : f32
      %parallel_loop3A_348 = vector.extract_strided_slice %parallel_loop3A_332 {offsets = [6], sizes = [1], strides = [1]} : vector<16xf32> to vector<1xf32>
      %parallel_loop3A_349 = vector.extract %parallel_loop3A_348[0] : f32 from vector<1xf32>
      %parallel_loop3A_350 = vector.extract_strided_slice %parallel_loop3A_332 {offsets = [7], sizes = [1], strides = [1]} : vector<16xf32> to vector<1xf32>
      %parallel_loop3A_351 = vector.extract %parallel_loop3A_350[0] : f32 from vector<1xf32>
      %parallel_loop3A_352 = arith.addf %parallel_loop3A_349, %parallel_loop3A_351 : f32
      %parallel_loop3A_353 = arith.addf %parallel_loop3A_337, %parallel_loop3A_342 : f32
      %parallel_loop3A_354 = arith.addf %parallel_loop3A_347, %parallel_loop3A_352 : f32
      %parallel_loop3A_355 = arith.addf %parallel_loop3A_353, %parallel_loop3A_354 : f32
      %parallel_loop3A_356 = vector.broadcast %parallel_loop3A_355 : f32 to vector<16xf32>
      %parallel_loop3A_357 = arith.mulf %get3A_50, %parallel_loop3A_356 : vector<16xf32>
      %parallel_loop3A_358 = math.exp %parallel_loop3A_357 : vector<16xf32>
      %parallel_loop3A_359 = arith.constant 0 : i32
      %parallel_loop3A_360 = arith.index_cast %parallel_loop3A_359 : i32 to index
      %parallel_loop3A_361 = arith.index_cast %parallel_loop3A_173 : i32 to index
      %parallel_loop3A_362 = arith.constant 0 : index
      %parallel_loop3A_363 = tpu.vector_load %arg11[%parallel_loop3A_360, %parallel_loop3A_361, %parallel_loop3A_362] {strides = array<i32>} : memref<2x80x16xf32, #tpu.memory_space<vmem>>, vector<1x1x16xf32>,
      %parallel_loop3A_364 = vector.shape_cast %parallel_loop3A_363 : vector<1x1x16xf32> to vector<16xf32>
      %parallel_loop3A_365 = vector.shape_cast %parallel_loop3A_358 : vector<16xf32> to vector<1x1x16xf32>
      tpu.vector_store %arg11[%parallel_loop3A_360, %parallel_loop3A_361, %parallel_loop3A_362], %parallel_loop3A_365 {strides = array<i32>} : memref<2x80x16xf32, #tpu.memory_space<vmem>>, vector<1x1x16xf32>,
    } {sc.loop_unroll_factor = 8 : i64, sc.parallel_access}
    %dma_start3A_134 = arith.constant 0 : i32
    %dma_start3A_135 = arith.constant 124 : i32
    %dma_start3A_136 = arith.constant 0 : i32
    %dma_start3A_137 = arith.constant 0 : i32
    %dma_start3A_138 = tpu.memref_slice %arg11[%dma_start3A_134, %dma_start3A_136, %dma_start3A_137] : memref<2x80x16xf32, #tpu.memory_space<vmem>> -> memref<1x80x16xf32, #tpu.memory_space<vmem>>
    %dma_start3A_139 = tpu.memref_squeeze %dma_start3A_138 : memref<1x80x16xf32, #tpu.memory_space<vmem>> -> memref<80x16xf32, #tpu.memory_space<vmem>>
    %dma_start3A_140 = arith.constant 0 : i32
    %dma_start3A_141 = tpu.memref_slice %arg8[%dma_start3A_135, %dma_start3A_140] : memref<125x80xi32, #tpu.memory_space<vmem>> -> memref<1x80xi32, #tpu.memory_space<vmem>>
    %dma_start3A_142 = tpu.memref_squeeze %dma_start3A_141 : memref<1x80xi32, #tpu.memory_space<vmem>> -> memref<80xi32, #tpu.memory_space<vmem>>
    %dma_start3A_143 = arith.constant 0 : i32
    %dma_start3A_144 = arith.constant 0 : i32
    %dma_start3A_145 = tpu.memref_slice %arg14[%dma_start3A_143, %dma_start3A_144] : memref<10240x16xf32, #tpu.memory_space<vmem_shared>> -> memref<10240x16xf32, #tpu.memory_space<vmem_shared>>
    tpu.enqueue_indirect_dma source(%dma_start3A_139 : memref<80x16xf32, #tpu.memory_space<vmem>>) target(%dma_start3A_145 : memref<10240x16xf32, #tpu.memory_space<vmem_shared>>) offsets(%dma_start3A_142 : memref<80xi32, #tpu.memory_space<vmem>>) semaphore(%arg17 : memref<!tpu.dma_semaphore, #tpu.memory_space<semaphore_mem>>) {add = true}
    %dma_wait3A_146 = arith.constant 0 : i32
    %dma_wait3A_147 = arith.constant 0 : i32
    %dma_wait3A_148 = arith.constant 0 : i32
    %dma_wait3A_149 = arith.constant 0 : i32
    %dma_wait3A_150 = tpu.memref_slice %arg11[%dma_wait3A_146, %dma_wait3A_148, %dma_wait3A_149] : memref<2x80x16xf32, #tpu.memory_space<vmem>> -> memref<1x80x16xf32, #tpu.memory_space<vmem>>
    %dma_wait3A_151 = tpu.memref_squeeze %dma_wait3A_150 : memref<1x80x16xf32, #tpu.memory_space<vmem>> -> memref<80x16xf32, #tpu.memory_space<vmem>>
    %dma_wait3A_152 = arith.constant 0 : i32
    %dma_wait3A_153 = tpu.memref_slice %arg8[%dma_wait3A_147, %dma_wait3A_152] : memref<125x80xi32, #tpu.memory_space<vmem>> -> memref<1x80xi32, #tpu.memory_space<vmem>>
    %dma_wait3A_154 = tpu.memref_squeeze %dma_wait3A_153 : memref<1x80xi32, #tpu.memory_space<vmem>> -> memref<80xi32, #tpu.memory_space<vmem>>
    %dma_wait3A_155 = arith.constant 0 : i32
    %dma_wait3A_156 = arith.constant 0 : i32
    %dma_wait3A_157 = tpu.memref_slice %arg14[%dma_wait3A_155, %dma_wait3A_156] : memref<10240x16xf32, #tpu.memory_space<vmem_shared>> -> memref<10240x16xf32, #tpu.memory_space<vmem_shared>>
    tpu.wait_indirect_dma semaphore(%arg17 : memref<!tpu.dma_semaphore, #tpu.memory_space<semaphore_mem>>) src(%dma_wait3A_151 : memref<80x16xf32, #tpu.memory_space<vmem>>) dst(%dma_wait3A_157 : memref<10240x16xf32, #tpu.memory_space<vmem_shared>>)
    %dma_wait3A_158 = arith.constant 1 : i32
    %dma_wait3A_159 = arith.constant 0 : i32
    %dma_wait3A_160 = arith.constant 0 : i32
    %dma_wait3A_161 = arith.constant 0 : i32
    %dma_wait3A_162 = tpu.memref_slice %arg11[%dma_wait3A_158, %dma_wait3A_160, %dma_wait3A_161] : memref<2x80x16xf32, #tpu.memory_space<vmem>> -> memref<1x80x16xf32, #tpu.memory_space<vmem>>
    %dma_wait3A_163 = tpu.memref_squeeze %dma_wait3A_162 : memref<1x80x16xf32, #tpu.memory_space<vmem>> -> memref<80x16xf32, #tpu.memory_space<vmem>>
    %dma_wait3A_164 = arith.constant 0 : i32
    %dma_wait3A_165 = tpu.memref_slice %arg8[%dma_wait3A_159, %dma_wait3A_164] : memref<125x80xi32, #tpu.memory_space<vmem>> -> memref<1x80xi32, #tpu.memory_space<vmem>>
    %dma_wait3A_166 = tpu.memref_squeeze %dma_wait3A_165 : memref<1x80xi32, #tpu.memory_space<vmem>> -> memref<80xi32, #tpu.memory_space<vmem>>
    %dma_wait3A_167 = arith.constant 0 : i32
    %dma_wait3A_168 = arith.constant 0 : i32
    %dma_wait3A_169 = tpu.memref_slice %arg14[%dma_wait3A_167, %dma_wait3A_168] : memref<10240x16xf32, #tpu.memory_space<vmem_shared>> -> memref<10240x16xf32, #tpu.memory_space<vmem_shared>>
    tpu.wait_indirect_dma semaphore(%arg18 : memref<!tpu.dma_semaphore, #tpu.memory_space<semaphore_mem>>) src(%dma_wait3A_163 : memref<80x16xf32, #tpu.memory_space<vmem>>) dst(%dma_wait3A_169 : memref<10240x16xf32, #tpu.memory_space<vmem_shared>>)
    %barrier3A_170 = arith.constant 0 : index
    tpu.barrier barrier_id(%barrier3A_170)
    %mul3A_171 = arith.constant 640 : i32
    %mul3A_172 = arith.muli %arg1, %mul3A_171 : i32
    "tpu.region"() ({
      %run_scoped3A = tpu.sem_alloc : memref<!tpu.dma_semaphore, #tpu.memory_space<semaphore_mem>>
      %dma_start3A_173 = arith.constant 0 : i32
      %dma_start3A_174 = arith.constant 0 : i32
      %dma_start3A_175 = tpu.memref_slice %arg6[%arg0, %dma_start3A_173, %dma_start3A_174] : memref<2x10240x16xf32, #tpu.memory_space<hbm>> -> memref<1x10240x16xf32, #tpu.memory_space<hbm>>
      %dma_start3A_176 = tpu.memref_squeeze %dma_start3A_175 : memref<1x10240x16xf32, #tpu.memory_space<hbm>> -> memref<10240x16xf32, #tpu.memory_space<hbm>>
      %dma_start3A_177 = arith.constant 0 : i32
      %dma_start3A_178 = tpu.memref_slice %dma_start3A_176[%mul3A_172, %dma_start3A_177] : memref<10240x16xf32, #tpu.memory_space<hbm>> -> memref<640x16xf32, #tpu.memory_space<hbm>>
      %dma_start3A_179 = arith.constant 0 : i32
      %dma_start3A_180 = tpu.memref_slice %arg14[%mul3A_172, %dma_start3A_179] : memref<10240x16xf32, #tpu.memory_space<vmem_shared>> -> memref<640x16xf32, #tpu.memory_space<vmem_shared>>
      tpu.enqueue_dma source(%dma_start3A_180 : memref<640x16xf32, #tpu.memory_space<vmem_shared>>) target(%dma_start3A_178 : memref<640x16xf32, #tpu.memory_space<hbm>>) target_semaphore(%run_scoped3A : memref<!tpu.dma_semaphore, #tpu.memory_space<semaphore_mem>>)
      %dma_wait3A_181 = arith.constant 0 : i32
      %dma_wait3A_182 = arith.constant 0 : i32
      %dma_wait3A_183 = tpu.memref_slice %arg6[%arg0, %dma_wait3A_181, %dma_wait3A_182] : memref<2x10240x16xf32, #tpu.memory_space<hbm>> -> memref<1x10240x16xf32, #tpu.memory_space<hbm>>
      %dma_wait3A_184 = tpu.memref_squeeze %dma_wait3A_183 : memref<1x10240x16xf32, #tpu.memory_space<hbm>> -> memref<10240x16xf32, #tpu.memory_space<hbm>>
      %dma_wait3A_185 = arith.constant 0 : i32
      %dma_wait3A_186 = tpu.memref_slice %dma_wait3A_184[%mul3A_172, %dma_wait3A_185] : memref<10240x16xf32, #tpu.memory_space<hbm>> -> memref<640x16xf32, #tpu.memory_space<hbm>>
      %dma_wait3A_187 = arith.constant 0 : i32
      %dma_wait3A_188 = tpu.memref_slice %arg14[%mul3A_172, %dma_wait3A_187] : memref<10240x16xf32, #tpu.memory_space<vmem_shared>> -> memref<640x16xf32, #tpu.memory_space<vmem_shared>>
      tpu.wait_dma2 semaphore(%run_scoped3A : memref<!tpu.dma_semaphore, #tpu.memory_space<semaphore_mem>>) src(%dma_wait3A_188 : memref<640x16xf32, #tpu.memory_space<vmem_shared>>) dst(%dma_wait3A_186 : memref<640x16xf32, #tpu.memory_space<hbm>>)
      tpu.yield
    }) : () -> ()
    return
  }
}

module attributes {stable_mosaic.version = 14 : i64} {
  func.func @_scale_body(%arg0: i32, %arg1: memref<2000x128xf32, #tpu.memory_space<vmem>>, %arg2: memref<2x2000x16xf32, #tpu.memory_space<vmem>>, %arg3: memref<2000x128xf32, #tpu.memory_space<vmem>>) attributes {dimension_semantics = [#tpu.dimension_semantics<arbitrary>], iteration_bounds = array<i64: 5>, scalar_prefetch = 0 : i64, scratch_operands = 0 : i64, tpu.core_type = #tpu.core_type<tc>, window_params = [{transform_indices = @transform_0, window_bounds = array<i64: 2000, 128>}, {transform_indices = @transform_1, window_bounds = array<i64: 2, 2000, 16>}, {transform_indices = @transform_2, window_bounds = array<i64: 2000, 128>}]} {
    %get3A = arith.constant 0 : index
    %get3A_0 = arith.constant 0 : index
    %get3A_1 = arith.constant 0 : index
    %get3A_2 = vector.load %arg2[%get3A, %get3A_0, %get3A_1] : memref<2x2000x16xf32, #tpu.memory_space<vmem>>, vector<1x2000x1xf32>
    %get3A_3 = vector.shape_cast %get3A_2 : vector<1x2000x1xf32> to vector<2000x1xf32>
    %get3A_4 = arith.constant 1 : index
    %get3A_5 = arith.constant 0 : index
    %get3A_6 = arith.constant 0 : index
    %get3A_7 = vector.load %arg2[%get3A_4, %get3A_5, %get3A_6] : memref<2x2000x16xf32, #tpu.memory_space<vmem>>, vector<1x2000x1xf32>
    %get3A_8 = vector.shape_cast %get3A_7 : vector<1x2000x1xf32> to vector<2000x1xf32>
    %add3A = arith.addf %get3A_3, %get3A_8 : vector<2000x1xf32>
    %get3A_9 = arith.constant 0 : index
    %get3A_10 = arith.constant 0 : index
    %get3A_11 = vector.load %arg1[%get3A_9, %get3A_10] : memref<2000x128xf32, #tpu.memory_space<vmem>>, vector<2000x128xf32>
    %add3A_12 = arith.constant 1.000000e-16 : f32
    %add3A_13 = vector.broadcast %add3A_12 : f32 to vector<2000x1xf32>
    %add3A_14 = arith.addf %add3A, %add3A_13 : vector<2000x1xf32>
    %div3A = arith.divf %add3A, %add3A_14 : vector<2000x1xf32>
    %mul3A = vector.broadcast %div3A : vector<2000x1xf32> to vector<2000x128xf32>
    %mul3A_15 = arith.mulf %get3A_11, %mul3A : vector<2000x128xf32>
    %swap3A = arith.constant 0 : index
    %swap3A_16 = arith.constant 0 : index
    %swap3A_17 = vector.load %arg3[%swap3A, %swap3A_16] : memref<2000x128xf32, #tpu.memory_space<vmem>>, vector<2000x128xf32>
    tpu.vector_store %arg3[%swap3A, %swap3A_16], %mul3A_15 {strides = array<i32>} : memref<2000x128xf32, #tpu.memory_space<vmem>>, vector<2000x128xf32>,
    return
  }
  func.func @transform_0(%arg0: i32) -> (i32, i32) {
    %c0_i32 = arith.constant 0 : i32
    %c0_i32_0 = arith.constant 0 : i32
    return %arg0, %c0_i32 : i32, i32
  }
  func.func @transform_1(%arg0: i32) -> (i32, i32, i32) {
    %c0_i32 = arith.constant 0 : i32
    %c0_i32_0 = arith.constant 0 : i32
    %c0_i32_1 = arith.constant 0 : i32
    return %c0_i32, %arg0, %c0_i32_0 : i32, i32, i32
  }
  func.func @transform_2(%arg0: i32) -> (i32, i32) {
    %c0_i32 = arith.constant 0 : i32
    %c0_i32_0 = arith.constant 0 : i32
    return %arg0, %c0_i32 : i32, i32
  }
}

module attributes {stable_mosaic.version = 14 : i64} {
  func.func @_matmul_body(%arg0: memref<10000x128xf32, #tpu.memory_space<vmem>>, %arg1: memref<128x128xf32, #tpu.memory_space<vmem>>, %arg2: memref<10000x128xf32, #tpu.memory_space<vmem>>) attributes {dimension_semantics = [], scalar_prefetch = 0 : i64, scratch_operands = 0 : i64, tpu.core_type = #tpu.core_type<tc>} {
    %get3A = arith.constant 0 : index
    %get3A_0 = arith.constant 0 : index
    %get3A_1 = vector.load %arg0[%get3A, %get3A_0] : memref<10000x128xf32, #tpu.memory_space<vmem>>, vector<10000x128xf32>
    %get3A_2 = arith.constant 0 : index
    %get3A_3 = arith.constant 0 : index
    %get3A_4 = vector.load %arg1[%get3A_2, %get3A_3] : memref<128x128xf32, #tpu.memory_space<vmem>>, vector<128x128xf32>
    %dot_general3A = arith.constant dense<0.000000e+00> : vector<10000x128xf32>
    %dot_general3A_5 = tpu.matmul %get3A_1, %get3A_4, %dot_general3A {dimension_numbers = #tpu.dot_dimension_numbers<[1], [0], [0], [1], [0, 0, 1, 1], [], []>, transpose_lhs_hint = false} : vector<10000x128xf32>, vector<128x128xf32>, vector<10000x128xf32> -> vector<10000x128xf32>
    %swap3A = arith.constant 0 : index
    %swap3A_6 = arith.constant 0 : index
    %swap3A_7 = vector.load %arg2[%swap3A, %swap3A_6] : memref<10000x128xf32, #tpu.memory_space<vmem>>, vector<10000x128xf32>
    tpu.vector_store %arg2[%swap3A, %swap3A_6], %dot_general3A_5 {strides = array<i32>} : memref<10000x128xf32, #tpu.memory_space<vmem>>, vector<10000x128xf32>,
    return
  }
}

</mosaic_0001>

<sc_bundles>
// kernel: kernel.5.cloned.1.call-start
scs
__scs_entry_jumppad:
0x0: {  	(pc) =	sbr.rel $0x88, $3  }
0x1: {  	(tag) =	ssettag $0x0;
	lr =	simm.s32 $0x1  }
0x2: {  	[smem:$0x3F9D] =	sst lr;
	_ =	strace $0xD0000000  }
0x3: {  	_ = 	snop  }
0x4: {  	_ = 	snop  }
0x5: {  	_ = 	snop  }
0x6: {  	_ = 	snop  }
0x7: {  	_ = 	snop  }
__scs_overlays_trampoline_lowered:
0x8: {  	[smem:$0x3FAC] =	sst s0  }
0x9: {  	[smem:$0x3FAD] =	sst s1  }
0xa: {  	[smem:$0x3FAE] =	sst s2  }
0xb: {  	[smem:$0x3FAF] =	sst s3  }
0xc: {  	[smem:$0x3FB0] =	sst s4  }
0xd: {  	[smem:$0x3FB1] =	sst s5  }
0xe: {  	[smem:$0x3FB2] =	sst s6  }
0xf: {  	[smem:$0x3FB3] =	sst s7  }
0x10: {  	[smem:$0x3FB4] =	sst s8  }
0x11: {  	[smem:$0x3FB5] =	sst s9;
	s0 =	simm.s32 @!p0 $0x0  }
0x12: {  	s1 =	sld [smem:$0x3F9B];
	s0 =	simm.s32 @p0 $0x1  }
0x13: {  	[smem:$0x3FB6] =	sst s0;
	s0 =	simm.s32 @!p1 $0x0  }
0x14: {  	s2 =	sld [smem:$0x3F9A];
	s0 =	simm.s32 @p1 $0x1  }
0x15: {  	[smem:$0x3FB7] =	sst s0;
	s0 =	simm.s32 @!p2 $0x0  }
0x16: {  	s3 =	sld [smem:$0x3FDB];
	s0 =	simm.s32 @p2 $0x1  }
0x17: {  	s4 =	simm.s32 $0x1BF5;
	[smem:$0x3FB9] =	sst s0  }
0x18: {  	s0 =	sld [smem:$0x3F9C];
	_ =	swait.ge [sflag:s4], $0x0  }
0x19: {  	s7 =	sld [smem:$0x3F9D]  }
0x1a: {  	s8 =	sadd.s32 $0xFFFFE003, lr  }
0x1b: {  	s9 =	sadd.s32 $0xFFFFFEF7, lr;
	s5 =	simm.s32 $0xFFFFFFFF;
	p2 =	slt.u32 s8, $0xFFFFF086  }
0x1c: {  	p1 =	slt.u32 s9, $0xF7A;
	s5 =	simm.s32 @!p2 $0x0  }
0x1d: {  	s5 =	simm.s32 @p1 $0x1;
	p0 =	seq.s32 s7, s2  }
0x1e: {  	s7 =	smul.u32 @!p0 $0xF7A, s2;
	p2 =	seq.s32 @!p0 s5, $0x0  }
0x1f: {  	s9 =	smul.u32 $0xF7A, s1;
	s8 =	simm.s32 @!p0 $0x1BF5;
	p2 =	por !p2, p0  }
0x20: {  	[sflag:s8] =	ssyncset.s32 @!p0 $0xFFFFF086;
	s6 =	sadd.s32 @!p0 s3, s7;
	s7 =	simm.s32 @!p0 $0x108  }
0x21: {  	s3 =	sadd.s32 s3, s9;
	s6 =	sadd.s32 @!p0 $0x88, s6;
	s7 =	simm.s32 @p2 $0x1082  }
0x22: {  	[simem:s7], [sflag:s8] =	dma.local @!p0 [hbm:s6], $0xF7A  }
0x23: {  	s9 =	sor.u32 $0xD0000000, s2;
	s6 =	simm.s32 $0x108;
	_ =	swait.ge @!p0 [sflag:s8], $0x0  }
0x24: {  	s3 =	sadd.s32 $0x88, s3;
	s6 =	simm.s32 @!p1 $0x1082;
	[sflag:s4] =	ssyncset.s32 $0xFFFFF086  }
0x25: {  	[simem:s6], [sflag:s4] =	dma.local [hbm:s3], $0xF7A  }
0x26: {  	[smem:$0x3F9D] =	sst s1;
	(tag) =	ssettag s2;
	_ =	strace s9  }
0x27: {  	s1 =	sld [smem:$0x3FAD]  }
0x28: {  	s2 =	sld [smem:$0x3FAE]  }
0x29: {  	s4 =	sld [smem:$0x3FB0]  }
0x2a: {  	p0 =	seq.s32 s5, $0x0;
	s5 =	sld [smem:$0x3FB1]  }
0x2b: {  	s6 =	sld [smem:$0x3FB2]  }
0x2c: {  	s7 =	sld [smem:$0x3FB3]  }
0x2d: {  	s3 =	simm.s32 $0x108;
	s8 =	sld [smem:$0x3FB4]  }
0x2e: {  	s3 =	simm.s32 @!p0 $0x1082;
	s9 =	sld [smem:$0x3FB5]  }
0x2f: {  	lr =	sadd.s32 s0, s3;
	s0 =	sld [smem:$0x3FAC]  }
0x30: {  	s3 =	sld [smem:$0x3FAF]  }
0x31: {  	[smem:$0x3FB8] =	sst s10  }
0x32: {  	s10 =	sld [smem:$0x3FB6];
	_ =	sdelay $0x3  }
0x33: {  	p0 =	seq.s32 s10, $0x1;
	s10 =	sld [smem:$0x3FB8];
	_ =	sdelay $0x3  }
0x34: {  	[smem:$0x3FB8] =	sst s10  }
0x35: {  	s10 =	sld [smem:$0x3FB7];
	_ =	sdelay $0x3  }
0x36: {  	p1 =	seq.s32 s10, $0x1;
	s10 =	sld [smem:$0x3FB8];
	_ =	sdelay $0x3  }
0x37: {  	[smem:$0x3FB8] =	sst s10  }
0x38: {  	s10 =	sld [smem:$0x3FB9]  }
0x39: {  	_ = 	snop;
	(pc) =	sbr.ind lr, $3  }
0x3a: {  	_ = 	snop  }
0x3b: {  	_ = 	snop  }
0x3c: {  	p2 =	seq.s32 s10, $0x1;
	s10 =	sld [smem:$0x3FB8]  }
0x3d: {  	_ =	shalt  }
0x3e: {  	_ =	shalt  }
0x3f: {  	_ =	shalt  }
0x40: {  	_ =	shalt  }
0x41: {  	_ =	shalt  }
0x42: {  	_ =	shalt  }
0x43: {  	_ =	shalt  }
0x44: {  	_ =	shalt  }
0x45: {  	_ =	shalt  }
0x46: {  	_ =	shalt  }
0x47: {  	_ =	shalt  }
0x48: {  	_ =	shalt  }
0x49: {  	_ =	shalt  }
0x4a: {  	_ =	shalt  }
0x4b: {  	_ =	shalt  }
0x4c: {  	_ =	shalt  }
0x4d: {  	_ =	shalt  }
0x4e: {  	_ =	shalt  }
0x4f: {  	_ =	shalt  }
0x50: {  	_ =	shalt  }
0x51: {  	_ =	shalt  }
0x52: {  	_ =	shalt  }
0x53: {  	_ =	shalt  }
0x54: {  	_ =	shalt  }
0x55: {  	_ =	shalt  }
0x56: {  	_ =	shalt  }
0x57: {  	_ =	shalt  }
0x58: {  	_ =	shalt  }
0x59: {  	_ =	shalt  }
0x5a: {  	_ =	shalt  }
0x5b: {  	_ =	shalt  }
0x5c: {  	_ =	shalt  }
0x5d: {  	_ =	shalt  }
0x5e: {  	_ =	shalt  }
0x5f: {  	_ =	shalt  }
0x60: {  	_ =	shalt  }
0x61: {  	_ =	shalt  }
0x62: {  	_ =	shalt  }
0x63: {  	_ =	shalt  }
0x64: {  	_ =	shalt  }
0x65: {  	_ =	shalt  }
0x66: {  	_ =	shalt  }
0x67: {  	_ =	shalt  }
0x68: {  	_ =	shalt  }
0x69: {  	_ =	shalt  }
0x6a: {  	_ =	shalt  }
0x6b: {  	_ =	shalt  }
0x6c: {  	_ =	shalt  }
0x6d: {  	_ =	shalt  }
0x6e: {  	_ =	shalt  }
0x6f: {  	_ =	shalt  }
0x70: {  	_ =	shalt  }
0x71: {  	_ =	shalt  }
0x72: {  	_ =	shalt  }
0x73: {  	_ =	shalt  }
0x74: {  	_ =	shalt  }
0x75: {  	_ =	shalt  }
0x76: {  	_ =	shalt  }
0x77: {  	_ =	shalt  }
0x78: {  	_ =	shalt  }
0x79: {  	_ =	shalt  }
0x7a: {  	_ =	shalt  }
0x7b: {  	_ =	shalt  }
0x7c: {  	_ =	shalt  }
0x7d: {  	_ =	shalt  }
0x7e: {  	_ =	shalt  }
0x7f: {  	_ =	shalt  }
0x80: {  	_ =	shalt  }
0x81: {  	_ =	shalt  }
0x82: {  	_ =	shalt  }
0x83: {  	_ =	shalt  }
0x84: {  	_ =	shalt  }
0x85: {  	_ =	shalt  }
0x86: {  	_ =	shalt  }
0x87: {  	_ =	shalt  }
.Lfunc_end0:
.L_simem_size_0:
called_computation_lowered:
.L_overlay_start_0:
0x88: {  	s2 =	sld [smem:$0x3FD9]  }
0x89: {  	s3 =	sld [smem:$0x3FFE];
	_ =	sdelay $0x1  }
0x8a: {  	s1 =	srdreg.scid  }
0x8b: {  	s0 =	sand.u32 $0x1, s1  }
0x8c: {  	s17 =	sshll.u32 s0, $0xA;
	s2 =	sadd.s32 s3, s2  }
0x8d: {  	s2 =	sadd.s32 s2, s17  }
0x8e: {  	[smem:$0x3FC4] =	sst s2  }
0x8f: {  	_ = 	snop  }
0x90: {  	s2 =	sld [smem:$0x3FC6]  }
0x91: {  	s18 =	sld [smem:$0x3FD0];
	(tm) =	ssettm $0x1  }
0x92: {  	s4 =	sld [smem:$0x3FFB];
	_ =	sdelay $0x3  }
0x93: {  	_ =	strace s4  }
0x94: {  	s4 =	sld [smem:$0x3FFC];
	_ =	sdelay $0x3  }
0x95: {  	_ =	strace s4  }
0x96: {  	s4 =	sld [smem:$0x3FFD];
	_ =	sdelay $0x3  }
0x97: {  	_ =	strace s4  }
0x98: {  	_ =	strace $0x8FFFFFFF  }
0x99: {  	s19 =	sld [smem:$0x3FDB];
	_ =	sdelay $0x1  }
0x9a: {  	s5 =	simm.s32 $_scs_section_size  }
0x9b: {  	s6 =	simm.s32 $_size__tile_overlayer_lowered;
	s7 =	simm.s32 $_tile_overlayer_lowered  }
0x9c: {  	s22 =	simm.s32 $0x1BFF;
	s21 =	sshll.u32 s7, $0x1;
	s4 =	sadd.s32 s5, s19  }
0x9d: {  	s8 =	simm.s32 $0x0;
	s20 =	sshll.u32 s6, $0x1;
	s6 =	sadd.s32 s21, s4  }
0x9e: {  	[timem:s8], [sflag:s22] =	dma.local [hbm:s6], s20  }
0x9f: {  	_ =	swait.ge [sflag:s22], s20  }
0xa0: {  	s5 =	ssub.s32 $0x0, s20;
	[sflag:s22] =	ssyncset.done $0x0  }
0xa1: {  	[sflag:s22] =	ssyncadd.s32 s5;
	_ =	sdelay $0x1  }
0xa2: {  	s23 =	simm.s32 $0x1B8B  }
0xa3: {  	_ =	swait.ge [sflag:s23], $0x1  }
0xa4: {  	[sflag:s23] =	ssyncset.done $0x0  }
0xa5: {  	s25 =	simm.s32 $0x1B8E;
	s24 =	sld [smem:$0x3FFE];
	[sflag:s23] =	ssyncadd.s32 $0xFFFFFFFF  }
0xa6: {  	s26 =	simm.s32 $execute0_lowered;
	[smem:$0x3FD2] =	sst s25  }
0xa7: {  	s6 =	sshll.u32 s26, $0x1;
	_ =	strace $0x80000046;
	[dreg:$0x1] =	wrdreg $0xFFFFFFFF  }
0xa8: {  	s28 =	simm.s32 $_size_execute0_lowered;
	s4 =	sadd.s32 s4, s6;
	[dreg:$0x0] =	wrdreg $0x0  }
0xa9: {  	s6 =	sshll.u32 s28, $0x1;
	[dreg:$0x2] =	wrdreg s4  }
0xaa: {  	[dreg:$0x3] =	wrdreg s6  }
0xab: {  	[dreg:$0x4] =	wrdreg $0xC0  }
0xac: {  	_ =	task [dreg:s8], $0x5FFFF  }
0xad: {  	[dreg:$0x1] =	wrdreg $0xFFFFFFFF  }
0xae: {  	[dreg:$0x0] =	wrdreg $0x60  }
0xaf: {  	[dreg:$0x2] =	wrdreg s18  }
0xb0: {  	[dreg:$0x3] =	wrdreg s24  }
0xb1: {  	[dreg:$0x4] =	wrdreg s2  }
0xb2: {  	[dreg:$0x5] =	wrdreg $0x120A00  }
0xb3: {  	[dreg:$0x6] =	wrdreg $0x9  }
0xb4: {  	_ =	task.clear_ibuf [dreg:s8], $0x7FFFF;
	_ =	strace $0x90000046  }
0xb5: {  	s29 =	simm.s32 $0x9;
	_ =	strace $0x80000048  }
0xb6: {  	_ =	swait.ge [sflag:s29], $0x1  }
0xb7: {  	[sflag:s29] =	ssyncadd.s32 $0xFFFFFFFF  }
0xb8: {  	_ =	strace $0x90000048  }
0xb9: {  	_ =	sfence  }
0xba: {  	s30 =	sld [smem:$0x0];
	_ =	sdelay $0x2  }
0xbb: {  	s31 =	sshll.u32 s1, $0xD;
	s1 =	sshrl.u32 s1, $0x2  }
0xbc: {  	s3 =	sand.u32 $0x4000, s31;
	s1 =	sadd.s32 s1, s30  }
0xbd: {  	s0 =	sor.u32 s3, s0;
	s1 =	sshll.u32 s1, $0x11  }
0xbe: {  	s0 =	sor.u32 s1, s0  }
0xbf: {  	s0 =	sadd.s32 $0x8F2B, s0  }
0xc0: {  	[sflag:s0] =	ssyncadd.remote.s32 $0x1  }
0xc1: {  	_ =	sfence.sel $0xFFFF  }
0xc2: {  	[dreg:$0x0] =	wrdreg $0xFFFFFFFF;
	(pc) =	sbr.abs _section_cstart, $3  }
0xc3: {  	[dreg:$0x1] =	wrdreg $0xFFFFFFFF  }
0xc4: {  	_ =	task.clear_ibuf [dreg:s8], $0x2FFFF;
	_ =	strace $0x9FFFFFFF  }
0xc5: {  	(tm) =	ssettm $0x7FFFFFFF  }
tec
execute0_lowered:
.L_overlay_start_1:
0x0: {  	(tag) =	ssettag $0x1  }
0x1: {  	s1 =	rddreg [dreg:$0x0]  }
0x2: {  	s0 =	rddreg [dreg:$0x1]  }
0x3: {  	s2 =	srdreg.scid;
	s5 =	stileid.u32  }
0x4: {  	s4 =	rddreg [dreg:$0x3];
	s8 =	simm.s32 $0x0;
	s14 =	simm.s32 $0x50  }
0x5: {  	s15 =	simm.s32 $0x4E20;
	s16 =	simm.s32 $0x9E20;
	s17 =	simm.s32 $0x7620  }
0x6: {  	s18 =	simm.s32 $0xC620;
	s19 =	simm.s32 $0x1;
	s20 =	simm.s32 $0x3  }
0x7: {  	s21 =	simm.s32 $0xEE20;
	s22 =	simm.s32 $0x2;
	s2 =	sand.u32 $0x1, s2  }
0x8: {  	s3 =	sshll.u32 s5, $0x1;
	[smem:$0x7FF] =	sst s8;
	s7 =	smul.u32 $0x2800, s5  }
0x9: {  	s3 =	sor.u32 s2, s3;
	s6 =	smul.u32 $0x5000, s2;
	s2 =	ssub.s32 $0x2, s2  }
0xa: {  	_ =	strace $0x80000047;
	s3 =	smul.u32 $0x4E2, s3;
	s29 =	sshrl.u32 s2, $0x1  }
0xb: {  	s5 =	sadd.s32 s7, s4;
	s31 =	sshrl.u32 s7, $0x3;
	s2 =	ssub.s32 s2, s29  }
0xc: {  	[dreg:$0x6] =	wrdreg s5;
	s3 =	sadd.s32 s3, s0;
	s2 =	smax.u32 s2, $0x1  }
0xd: {  	v0 =	vlaneseq.u32;
	s0 =	sadd.s32 s6, s0;
	s30 =	sadd.s32 $0xA800, s3;
	[dreg:$0x9] =	wrdreg s2  }
0xe: {  	v2 =	vmul.u32 $0xFFFFFFFF, v0;
	s3 =	sadd.s32 $0xA00, s3;
	s0 =	sadd.s32 $0x14600, s0;
	[dreg:$0x7] =	wrdreg s30  }
0xf: {  	s23 =	simm.s32 $0x4;
	[dreg:$0x8] =	wrdreg s3;
	s0 =	sadd.s32 s31, s0  }
0x10: {  	v1 =	vimm.f32 $1.000000000e+00;
	s25 =	simm.s32 $0xF320;
	v0 =	vimm.f32 $0.0e+00;
	v2 =	vadd.s32 $0xF, v2;
	s6 =	simm.s32 $0x5;
	[dreg:$0xa] =	wrdreg s0  }
.LBB2_1:
0x11: {  	[dreg:$0x5] =	wrdreg s8;
	s0 =	simm.s32 $0x40;
	s2 =	simm.s32 $0x0  }
.LBB2_2:
0x12: {  	p0 =	sne.s32 s0, $0x9FC0;
	[tilespmem:s2+$0xF8A0] =	vst v0;
	s2 =	smov.u32 s0;
	s0 =	sadd.s32 $0x40, s0  }
.Ltmp0:
0x13: {  	(pc) =	sbr.rel @p0 .LBB2_2-.Ltmp0, $2  }
0x14: {  	_ =	sdelay $0x2  }
0x15: {  	s2 =	sshra.s32 s2, $0x2  }
0x16: {  	[tilespmem:s2+$0xF8A0] =	vst v0;
	s26 =	simm.s32 $0xF8A0  }
0x17: {  	[spmem:s5] =	stream.linear.scatter [tilespmem:s26], [sflag:$0x5], $0x2800, $0x38;
	[tilespmem:$0x148A0] =	vst v63  }
0x18: {  	_ =	swait.ge [sflag:s6], $0x2800  }
0x19: {  	[sflag:s6] =	ssyncset.done $0x0  }
0x1a: {  	[sflag:s6] =	ssyncadd.s32 $0xFFFFD800  }
0x1b: {  	[bflag:$0x0] =	sbarrier.arrive $0xFFFF  }
0x1c: {  	s28 =	simm.s32 $0x0;
	s3 =	simm.s32 $0xF820;
	s0 =	rddreg [dreg:$0x2]  }
0x1d: {  	[tilespmem:s3], [sflag:$0x5] =	stream.linear.gather [hbm4b:s0+s28], $0x80, $0x38;
	[tilespmem:$0x148A0] =	vst v63  }
0x1e: {  	_ =	swait.ge [sflag:s6], $0x80  }
0x1f: {  	[sflag:s6] =	ssyncset.done $0x0  }
0x20: {  	[sflag:s6] =	ssyncadd.s32 $0xFFFFFF80  }
0x21: {  	v3 =	vld [tilespmem:$0xF820]  }
0x22: {  	v4 =	vld [tilespmem:$0xF830]  }
0x23: {  	v5 =	vld [tilespmem:$0xF840]  }
0x24: {  	v6 =	vld [tilespmem:$0xF850]  }
0x25: {  	v7 =	vld [tilespmem:$0xF860]  }
0x26: {  	v8 =	vld [tilespmem:$0xF870]  }
0x27: {  	s29 =	rddreg [dreg:$0x7];
	v9 =	vld [tilespmem:$0xF880]  }
0x28: {  	v10 =	vld [tilespmem:$0xF890];
	[tilespmem:s28], [sflag:$0x5] =	stream.linear.gather [hbm4b:s29+s28], $0x2710, $0x38  }
0x29: {  	_ =	swait.ge [sflag:s6], $0x2710  }
0x2a: {  	[sflag:s6] =	ssyncset.done $0x0  }
0x2b: {  	s31 =	simm.s32 $0x2710;
	s30 =	rddreg [dreg:$0x8];
	[sflag:s6] =	ssyncadd.s32 $0xFFFFD8F0  }
0x2c: {  	[tilespmem:s31], [sflag:$0x5] =	stream.linear.gather [hbm4b:s30+s28], $0x2710, $0x38;
	[tilespmem:$0x148A0] =	vst v63  }
0x2d: {  	_ =	swait.ge [sflag:s6], $0x2710  }
0x2e: {  	[sflag:s6] =	ssyncset.done $0x0  }
0x2f: {  	[sflag:s6] =	ssyncadd.s32 $0xFFFFD8F0  }
0x30: {  	[tilespmem:$0xEE20] =	vst v1  }
0x31: {  	[tilespmem:s15], [sflag:$0x1] =	stream.indirect.gather [hbm4b:s1+s14], $0x80, s28, s14, $0xb8;
	[tilespmem:$0x148A0] =	vst v63  }
0x32: {  	_ = 	snop  }
0x33: {  	[tilespmem:s16], [sflag:$0x1] =	stream.indirect.gather [hbm4b:s1+s14], $0x80, s31, s14, $0xb8;
	[tilespmem:$0x148A0] =	vst v63  }
0x34: {  	_ = 	snop  }
0x35: {  	[spmem:s4] =	stream.indirect.scatter.add.f32 [tilespmem:s26], [sflag:$0x3], $0x10, s31, s14, $0xb8;
	[tilespmem:$0x148A0] =	vst v63  }
0x36: {  	_ = 	snop  }
0x37: {  	[spmem:s4] =	stream.indirect.scatter.add.f32 [tilespmem:s26], [sflag:$0x4], $0x10, s31, s14, $0xb8;
	[tilespmem:$0x148A0] =	vst v63  }
.LBB2_4:
0x38: {  	s30 =	smul.u32 $0xA0, s28;
	_ =	sdelay $0x1  }
0x39: {  	s0 =	sadd.s32 $0x50, s30  }
0x3a: {  	[tilespmem:s17], [sflag:$0x2] =	stream.indirect.gather [hbm4b:s1+s14], $0x80, s0, s14, $0xb8;
	[tilespmem:$0x148A0] =	vst v63  }
0x3b: {  	s29 =	sadd.s32 $0x2760, s30  }
0x3c: {  	[tilespmem:s18], [sflag:$0x2] =	stream.indirect.gather [hbm4b:s1+s14], $0x80, s29, s14, $0xb8;
	[tilespmem:$0x148A0] =	vst v63  }
0x3d: {  	_ =	swait.ge [sflag:s19], $0x2800  }
0x3e: {  	[sflag:s19] =	ssyncset.done $0x0  }
0x3f: {  	[sflag:s19] =	ssyncadd.s32 $0xFFFFD800  }
0x40: {  	_ =	swait.ge [sflag:s19], $0x2800  }
0x41: {  	[sflag:s19] =	ssyncset.done $0x0  }
0x42: {  	[sflag:s19] =	ssyncadd.s32 $0xFFFFD800  }
0x43: {  	_ =	swait.ge [sflag:s20], $0x500  }
0x44: {  	[sflag:s20] =	ssyncset.done $0x0  }
0x45: {  	s24 =	simm.s32 $0x5020;
	[sflag:s20] =	ssyncadd.s32 $0xFFFFFB00  }
0x46: {  	s31 =	simm.s32 $0xA020;
	v11 =	vld [tilespmem:s24+$0x1E0]  }
0x47: {  	v12 =	vld [tilespmem:s31+$0x1E0]  }
0x48: {  	v13 =	vld [tilespmem:s24+$0x1F0]  }
0x49: {  	v14 =	vld [tilespmem:s31+$0x1F0]  }
0x4a: {  	v15 =	vld [tilespmem:s24+$0x1C0]  }
0x4b: {  	v16 =	vld [tilespmem:s31+$0x1C0]  }
0x4c: {  	v17 =	vld [tilespmem:s24+$0x1D0]  }
0x4d: {  	v18 =	vld [tilespmem:s31+$0x1D0]  }
0x4e: {  	v19 =	vld [tilespmem:s24+$0x1A0]  }
0x4f: {  	v20 =	vld [tilespmem:s31+$0x1A0]  }
0x50: {  	v21 =	vld [tilespmem:s24+$0x180]  }
0x51: {  	v22 =	vld [tilespmem:s31+$0x180]  }
0x52: {  	v23 =	vld [tilespmem:s24+$0x190]  }
0x53: {  	v24 =	vld [tilespmem:s31+$0x190]  }
0x54: {  	v25 =	vld [tilespmem:s24+$0x1B0]  }
0x55: {  	v26 =	vld [tilespmem:s31+$0x1B0]  }
0x56: {  	v27 =	vld [tilespmem:s31+$0xFFFFFE00]  }
0x57: {  	v61 =	vld [tilespmem:s24+$0xFFFFFE80]  }
0x58: {  	v36 =	vld [tilespmem:s31+$0xFFFFFE80]  }
0x59: {  	v37 =	vld [tilespmem:s24+$0xFFFFFE90]  }
0x5a: {  	v32 =	vld [tilespmem:s31+$0xFFFFFE90]  }
0x5b: {  	v39 =	vld [tilespmem:s24+$0xFFFFFF00]  }
0x5c: {  	v40 =	vld [tilespmem:s31+$0xFFFFFF00]  }
0x5d: {  	v41 =	vld [tilespmem:s24+$0xFFFFFF10]  }
0x5e: {  	v42 =	vld [tilespmem:s31+$0xFFFFFF10]  }
0x5f: {  	v48 =	vld [tilespmem:s24+$0x90];
	v11 =	vadd.f32 v12, v11  }
0x60: {  	v49 =	vld [tilespmem:s31+$0x90];
	v12 =	vadd.f32 v14, v13;
	v14 =	vadd.f32 v16, v15  }
0x61: {  	v51 =	vld [tilespmem:s24+$0x100];
	v15 =	vadd.f32 v18, v17;
	v17 =	vadd.f32 v22, v21  }
0x62: {  	v52 =	vld [tilespmem:s31+$0x100];
	v18 =	vadd.f32 v24, v23;
	v19 =	vadd.f32 v20, v19  }
0x63: {  	v55 =	vld [tilespmem:s24+$0xFFFFFE00];
	v25 =	vadd.f32 v26, v25;
	v22 =	vadd.f32 v36, v61;
	v60 =	vmul.f32 $2.000000030e-01, v11  }
0x64: {  	v43 =	vld [tilespmem:s24+$0xFFFFFF80];
	v26 =	vadd.f32 v32, v37;
	v62 =	vmul.f32 $2.000000030e-01, v14;
	v63 =	vmul.f32 $2.000000030e-01, v12  }
0x65: {  	v44 =	vld [tilespmem:s24+$0xFFFFFF90];
	v20 =	vadd.f32 v42, v41;
	v28 =	vmul.f32 $2.000000030e-01, v17;
	v29 =	vmul.f32 $2.000000030e-01, v18  }
0x66: {  	v46 =	vld [tilespmem:s31+$0x80];
	v24 =	vadd.f32 v49, v48;
	v30 =	vmul.f32 $2.000000030e-01, v19;
	v31 =	vmul.f32 $2.000000030e-01, v15  }
0x67: {  	v53 =	vld [tilespmem:s31+$0x110];
	v21 =	vadd.f32 v52, v51;
	v38 =	vmul.f32 $2.000000030e-01, v25;
	v33 =	vmul.f32 $2.000000030e-01, v22  }
0x68: {  	v13 =	vld [tilespmem:s24+$0xFFFFFE10];
	v27 =	vadd.f32 v27, v55;
	v50 =	vmul.f32 $2.000000030e-01, v26;
	v34 =	vmul.f32 $2.000000030e-01, v20  }
0x69: {  	v16 =	vld [tilespmem:s31+$0xFFFFFE10];
	v41 =	vmul.f32 $2.000000030e-01, v24;
	v17 =	vmax.f32 v17, v28;
	v18 =	vmax.f32 v18, v29  }
0x6a: {  	v36 =	vld [tilespmem:s24+$0x110];
	v19 =	vmax.f32 v19, v30;
	v25 =	vmax.f32 v25, v38;
	v14 =	vmax.f32 v14, v62  }
0x6b: {  	v61 =	vld [tilespmem:s31+$0xFFFFFEA0];
	v15 =	vmax.f32 v15, v31;
	v11 =	vmax.f32 v11, v60;
	v12 =	vmax.f32 v12, v63  }
0x6c: {  	v42 =	vld [tilespmem:s31+$0xFFFFFEB0];
	v29 =	vadd.f32 v40, v39;
	v22 =	vmax.f32 v22, v33;
	v17 =	vmul.f32 v17, v3  }
0x6d: {  	v37 =	vld [tilespmem:s24+$0xFFFFFF30];
	v26 =	vmax.f32 v26, v50;
	v18 =	vmul.f32 v18, v4;
	v19 =	vmul.f32 v19, v5  }
0x6e: {  	v51 =	vld [tilespmem:s31+$0xFFFFFFB0];
	v20 =	vmax.f32 v20, v34;
	v25 =	vmul.f32 v25, v6;
	v14 =	vmul.f32 v14, v7  }
0x6f: {  	v60 =	vld [tilespmem:s24+$0xFFFFFEA0];
	v24 =	vmax.f32 v24, v41;
	v15 =	vmul.f32 v15, v8;
	v11 =	vmul.f32 v11, v9  }
0x70: {  	v63 =	vld [tilespmem:s24+$0xFFFFFEB0];
	v12 =	vmul.f32 v12, v10;
	v13 =	vadd.f32 v16, v13;
	v22 =	vmul.f32 v22, v3  }
0x71: {  	v38 =	vld [tilespmem:s31+$0xFFFFFF30];
	v26 =	vmul.f32 v26, v4;
	v20 =	vmul.f32 v20, v4;
	v23 =	vadd.f32 v53, v36  }
0x72: {  	v50 =	vld [tilespmem:s24+$0xFFFFFFB0];
	v24 =	vmul.f32 v24, v4;
	v17 =	vadd.f32 $0.0e+00, v17;
	v18 =	vadd.f32 $0.0e+00, v18  }
0x73: {  	v16 =	vld [tilespmem:s24+$0x80];
	v30 =	vmul.f32 $2.000000030e-01, v29;
	v22 =	vadd.f32 $0.0e+00, v22;
	v26 =	vadd.f32 $0.0e+00, v26  }
0x74: {  	v57 =	vld [tilespmem:s31+$0xFFFFFE20];
	v47 =	vmul.f32 $2.000000030e-01, v13;
	v20 =	vadd.f32 $0.0e+00, v20;
	v24 =	vadd.f32 $0.0e+00, v24  }
0x75: {  	v48 =	vld [tilespmem:s24+$0xFFFFFFA0];
	v54 =	vmax.f32 v29, v30;
	v17 =	vadd.f32 v19, v17;
	v18 =	vadd.f32 v25, v18  }
0x76: {  	v52 =	vld [tilespmem:s24+$0x20];
	v13 =	vmax.f32 v13, v47;
	v28 =	vmul.f32 v54, v3;
	v25 =	vadd.f32 v61, v60  }
0x77: {  	v40 =	vld [tilespmem:s24+$0x30];
	v47 =	vmul.f32 $2.000000030e-01, v27;
	v31 =	vadd.f32 v42, v63;
	v55 =	vadd.f32 v38, v37  }
0x78: {  	v19 =	vld [tilespmem:s31+$0xFFFFFF80];
	v32 =	vadd.f32 v51, v50;
	v13 =	vmul.f32 v13, v4;
	v16 =	vadd.f32 v46, v16  }
0x79: {  	v54 =	vld [tilespmem:s31+$0x20];
	v46 =	vmul.f32 $2.000000030e-01, v23;
	v14 =	vadd.f32 v14, v17;
	v15 =	vadd.f32 v15, v18  }
0x7a: {  	v42 =	vld [tilespmem:s31+$0xA0];
	v27 =	vmax.f32 v27, v47;
	v53 =	vmul.f32 $2.000000030e-01, v25;
	v41 =	vmul.f32 $2.000000030e-01, v55  }
0x7b: {  	v61 =	vld [tilespmem:s24+$0xB0];
	v28 =	vadd.f32 $0.0e+00, v28;
	v63 =	vmul.f32 $2.000000030e-01, v32;
	v62 =	vmul.f32 $2.000000030e-01, v16  }
0x7c: {  	v17 =	vld [tilespmem:s31+$0xFFFFFF90];
	v23 =	vmax.f32 v23, v46;
	v27 =	vmul.f32 v27, v3;
	v13 =	vadd.f32 $0.0e+00, v13  }
0x7d: {  	v18 =	vld [tilespmem:s24+$0x0];
	v11 =	vadd.f32 v11, v14;
	v12 =	vadd.f32 v12, v15;
	v25 =	vmax.f32 v25, v53  }
0x7e: {  	v14 =	vld [tilespmem:s31+$0x0];
	v36 =	vmax.f32 v55, v41;
	v32 =	vmax.f32 v32, v63;
	v23 =	vmul.f32 v23, v4  }
0x7f: {  	v15 =	vld [tilespmem:s24+$0x10];
	v19 =	vadd.f32 v19, v43;
	v16 =	vmax.f32 v16, v62;
	v43 =	vmul.f32 $2.000000030e-01, v21  }
0x80: {  	v55 =	vld [tilespmem:s31+$0xFFFFFE50];
	v27 =	vadd.f32 $0.0e+00, v27;
	v30 =	vadd.f32 v54, v52;
	v25 =	vmul.f32 v25, v5  }
0x81: {  	v62 =	vld [tilespmem:s31+$0xB0];
	v36 =	vmul.f32 v36, v6;
	v32 =	vmul.f32 v32, v6;
	v11 =	vadd.f32 v12, v11  }
0x82: {  	v54 =	vld [tilespmem:s24+$0xFFFFFE50];
	v16 =	vmul.f32 v16, v3;
	v23 =	vadd.f32 $0.0e+00, v23;
	v35 =	vmul.f32 $2.000000030e-01, v19  }
0x83: {  	v12 =	vld [tilespmem:s31+$0x10];
	v17 =	vadd.f32 v17, v44;
	v21 =	vmax.f32 v21, v43;
	v22 =	vadd.f32 v25, v22  }
0x84: {  	v51 =	vld [tilespmem:s31+$0x130];
	v20 =	vadd.f32 v36, v20;
	v45 =	vperm.xlane v11, v2;
	v21 =	vmul.f32 v21, v3  }
0x85: {  	v47 =	vld [tilespmem:s31+$0x120];
	v16 =	vadd.f32 $0.0e+00, v16;
	v56 =	vmul.f32 $2.000000030e-01, v17;
	v14 =	vadd.f32 v14, v18  }
0x86: {  	v18 =	vld [tilespmem:s24+$0xFFFFFE20];
	v19 =	vmax.f32 v19, v35;
	v11 =	vadd.f32 v11, v45;
	v35 =	vadd.f32 v62, v61  }
0x87: {  	v44 =	vld [tilespmem:s24+$0xFFFFFF20];
	v19 =	vmul.f32 v19, v3;
	v21 =	vadd.f32 $0.0e+00, v21;
	v25 =	vadd.f32 v55, v54  }
0x88: {  	v45 =	vld [tilespmem:s31+$0xFFFFFF20];
	v12 =	vadd.f32 v12, v15;
	v58 =	vmul.f32 $2.000000030e-01, v14;
	v17 =	vmax.f32 v17, v56  }
0x89: {  	v63 =	vld [tilespmem:s31+$0xFFFFFF40];
	(v2sf) =	vpush v11, $0x0;
	v17 =	vmul.f32 v17, v4;
	v19 =	vadd.f32 $0.0e+00, v19  }
0x8a: {  	v56 =	vld [tilespmem:s31+$0x30];
	(v2sf) =	vpush v11, $0x1;
	v59 =	vmul.f32 $2.000000030e-01, v12;
	v14 =	vmax.f32 v14, v58  }
0x8b: {  	v41 =	vld [tilespmem:s24+$0xFFFFFEF0];
	(v2sf) =	vpush v11, $0x2;
	v14 =	vmul.f32 v14, v3;
	v18 =	vadd.f32 v57, v18  }
0x8c: {  	v52 =	vld [tilespmem:s31+$0xFFFFFE40];
	v57 =	vmul.f32 $2.000000030e-01, v31;
	v17 =	vadd.f32 $0.0e+00, v17;
	(v2sf) =	vpush v11, $0x3  }
0x8d: {  	v62 =	vld [tilespmem:s24+$0xFFFFFF40];
	v12 =	vmax.f32 v12, v59;
	v29 =	vadd.f32 v45, v44;
	v44 =	vmul.f32 $2.000000030e-01, v30  }
0x8e: {  	v58 =	vld [tilespmem:s24+$0xA0];
	(v2sf) =	vpush v11, $0x4;
	v12 =	vmul.f32 v12, v4;
	v49 =	vmul.f32 $2.000000030e-01, v18  }
0x8f: {  	v54 =	vld [tilespmem:s31+$0x40];
	v31 =	vmax.f32 v31, v57;
	v37 =	vadd.f32 v56, v40;
	(v2sf) =	vpush v11, $0x5  }
0x90: {  	v15 =	vld [tilespmem:s24+$0xFFFFFE30];
	v14 =	vadd.f32 $0.0e+00, v14;
	v56 =	vmul.f32 $2.000000030e-01, v35;
	(v2sf) =	vpush v11, $0x6  }
0x91: {  	v17 =	vadd.f32 v32, v17;
	v59 =	vmul.f32 $2.000000030e-01, v29;
	(v2sf) =	vpush v11, $0x7;
	v11 =	vld [tilespmem:s31+$0xFFFFFE30]  }
0x92: {  	v55 =	vld [tilespmem:s24+$0x50];
	v30 =	vmax.f32 v30, v44;
	v31 =	vmul.f32 v31, v6;
	v18 =	vmax.f32 v18, v49  }
0x93: {  	v45 =	vld [tilespmem:s24+$0x120];
	v50 =	vmul.f32 $2.000000030e-01, v37;
	v33 =	vadd.f32 v42, v58;
	v12 =	vadd.f32 $0.0e+00, v12  }
0x94: {  	v57 =	vld [tilespmem:s24+$0xFFFFFEC0];
	v35 =	vmax.f32 v35, v56;
	v30 =	vmul.f32 v30, v5;
	v18 =	vmul.f32 v18, v5  }
0x95: {  	v49 =	vld [tilespmem:s24+$0x130];
	v29 =	vmax.f32 v29, v59;
	v26 =	vadd.f32 v31, v26;
	v35 =	vmul.f32 v35, v6  }
0x96: {  	v58 =	vld [tilespmem:s31+$0xFFFFFEC0];
	v37 =	vmax.f32 v37, v50;
	v53 =	vmul.f32 $2.000000030e-01, v33;
	v11 =	vadd.f32 v11, v15  }
0x97: {  	v29 =	vmul.f32 v29, v5;
	v14 =	vadd.f32 v30, v14;
	v50 =	vmul.f32 $2.000000030e-01, v25;
	v15 =	vld [tilespmem:s31+$0xFFFFFFA0]  }
0x98: {  	v44 =	vld [tilespmem:s24+$0xFFFFFF50];
	v18 =	vadd.f32 v18, v27;
	v27 =	vadd.f32 v47, v45;
	v39 =	vmul.f32 $2.000000030e-01, v11  }
0x99: {  	v42 =	vld [tilespmem:s24+$0xD0];
	v37 =	vmul.f32 v37, v6;
	v24 =	vadd.f32 v35, v24;
	v33 =	vmax.f32 v33, v53  }
0x9a: {  	v28 =	vadd.f32 v29, v28;
	v40 =	vadd.f32 v51, v49;
	v49 =	vld [tilespmem:s24+$0xFFFFFFD0];
	s2 =	spop (v2sf);
	v11 =	vmax.f32 v11, v39  }
0x9b: {  	v61 =	vmul.f32 $2.000000030e-01, v27;
	v31 =	vadd.f32 v58, v57;
	v58 =	vld [tilespmem:s31+$0x50];
	s3 =	spop (v2sf);
	v11 =	vmul.f32 v11, v6  }
0x9c: {  	v25 =	vmax.f32 v25, v50;
	v33 =	vmul.f32 v33, v5;
	v51 =	vld [tilespmem:s31+$0xFFFFFFD0];
	s7 =	spop (v2sf);
	v15 =	vadd.f32 v15, v48  }
0x9d: {  	v25 =	vmul.f32 v25, v8;
	v27 =	vmax.f32 v27, v61;
	s8 =	spop (v2sf);
	v11 =	vadd.f32 v11, v13;
	v13 =	vld [tilespmem:s24+$0xFFFFFE40]  }
0x9e: {  	v59 =	vld [tilespmem:s24+$0xFFFFFED0];
	v12 =	vadd.f32 v37, v12;
	v27 =	vmul.f32 v27, v5;
	s9 =	spop (v2sf);
	v60 =	vmul.f32 $2.000000030e-01, v15  }
0x9f: {  	v45 =	vld [tilespmem:s31+$0xFFFFFF50];
	v57 =	vadd.f32 v63, v62;
	v16 =	vadd.f32 v33, v16;
	v53 =	vmul.f32 $2.000000030e-01, v31;
	s2 =	sadd.f32 s3, s2;
	s26 =	spop (v2sf)  }
0xa0: {  	v21 =	vadd.f32 v27, v21;
	v27 =	vadd.f32 v58, v55;
	s7 =	sadd.f32 s8, s7;
	s5 =	spop (v2sf);
	v15 =	vmax.f32 v15, v60;
	v60 =	vld [tilespmem:s31+$0xFFFFFED0]  }
0xa1: {  	v62 =	vld [tilespmem:s31+$0xC0];
	v61 =	vmul.f32 $2.000000030e-01, v57;
	v37 =	vadd.f32 v51, v49;
	s3 =	sadd.f32 s26, s9;
	s6 =	spop (v2sf);
	v15 =	vmul.f32 v15, v5  }
0xa2: {  	v55 =	vmul.f32 $2.000000030e-01, v27;
	v11 =	vadd.f32 v25, v11;
	s8 =	sadd.f32 s6, s5;
	v13 =	vadd.f32 v52, v13;
	v52 =	vld [tilespmem:s24+$0x40]  }
0xa3: {  	v49 =	vld [tilespmem:s24+$0x150];
	s2 =	sadd.f32 s7, s2;
	v25 =	vmax.f32 v57, v61;
	v15 =	vadd.f32 v15, v19;
	v19 =	vmul.f32 $2.000000030e-01, v40  }
0xa4: {  	v56 =	vmax.f32 v31, v53;
	v57 =	vld [tilespmem:s24+$0xFFFFFE70];
	v25 =	vmul.f32 v25, v7;
	s3 =	sadd.f32 s8, s3;
	v47 =	vmul.f32 $2.000000030e-01, v13  }
0xa5: {  	v27 =	vmax.f32 v27, v55;
	v19 =	vmax.f32 v40, v19;
	v38 =	vadd.f32 v60, v59;
	v60 =	vld [tilespmem:s24+$0xC0]  }
0xa6: {  	v25 =	vadd.f32 v25, v28;
	s2 =	sadd.f32 s3, s2;
	v19 =	vmul.f32 v19, v6;
	v13 =	vmax.f32 v13, v47;
	v47 =	vld [tilespmem:s31+$0x140]  }
0xa7: {  	v59 =	vmul.f32 $2.000000030e-01, v38;
	v13 =	vmul.f32 v13, v7;
	v33 =	vadd.f32 v54, v52;
	v54 =	vld [tilespmem:s24+$0xFFFFFE60]  }
0xa8: {  	v46 =	vmov s2;
	v19 =	vadd.f32 v19, v23;
	v23 =	vmul.f32 v56, v7;
	v56 =	vld [tilespmem:s31+$0xFFFFFE60]  }
0xa9: {  	v48 =	vmul.f32 $1.442695020e+00, v46;
	v46 =	vld [tilespmem:s24+$0xFFFFFFC0];
	v36 =	vmax.f32 v38, v59;
	v13 =	vadd.f32 v13, v18  }
0xaa: {  	v18 =	vadd.f32 v45, v44;
	v22 =	vadd.f32 v23, v22;
	v43 =	vmul.f32 v36, v8;
	v44 =	vld [tilespmem:s31+$0xD0]  }
0xab: {  	v53 =	vmul.f32 $2.000000030e-01, v33;
	v29 =	vadd.f32 v62, v60;
	v60 =	vmul.f32 v27, v8;
	v62 =	vld [tilespmem:s24+$0xFFFFFEE0]  }
0xac: {  	v34 =	vbroadcast v48, $0x0;
	v48 =	vld [tilespmem:s31+$0xFFFFFFC0];
	v63 =	vmul.f32 $2.000000030e-01, v18;
	v23 =	vadd.f32 v43, v26  }
0xad: {  	v33 =	vmax.f32 v33, v53;
	v58 =	vmul.f32 $2.000000030e-01, v29;
	v12 =	vadd.f32 v60, v12;
	v43 =	vld [tilespmem:s31+$0xFFFFFEF0]  }
0xae: {  	v33 =	vmul.f32 v33, v7;
	v32 =	vadd.f32 v56, v54;
	v56 =	vld [tilespmem:s24+$0xFFFFFFE0];
	v18 =	vmax.f32 v18, v63  }
0xaf: {  	(erf) = vpow2.f32 v34;
	v28 =	vmax.f32 v29, v58;
	v63 =	vld [tilespmem:s31+$0xFFFFFEE0];
	v18 =	vmul.f32 v18, v8  }
0xb0: {  	v58 =	vld [tilespmem:s31+$0xFFFFFFE0];
	v31 =	vadd.f32 v44, v42;
	v14 =	vadd.f32 v33, v14;
	v40 =	vmul.f32 v28, v7  }
0xb1: {  	v59 =	vld [tilespmem:s31+$0xFFFFFE70];
	v30 =	vadd.f32 v48, v46;
	v48 =	vmul.f32 $2.000000030e-01, v37;
	v18 =	vadd.f32 v18, v20  }
0xb2: {  	v46 =	vld [tilespmem:s24+$0x140];
	v61 =	vmul.f32 $2.000000030e-01, v31;
	v16 =	vadd.f32 v40, v16;
	v55 =	vadd.f32 v43, v41  }
0xb3: {  	v51 =	vld [tilespmem:s31+$0x150];
	v45 =	vmul.f32 $2.000000030e-01, v30;
	v52 =	vmax.f32 v37, v48;
	v48 =	vmul.f32 $2.000000030e-01, v32  }
0xb4: {  	v20 =	vmul.f32 v52, v8;
	v27 =	vmax.f32 v31, v61;
	v29 =	vadd.f32 v63, v62  }
0xb5: {  	v54 =	vld [tilespmem:s31+$0xFFFFFF70];
	v28 =	vadd.f32 v58, v56;
	v30 =	vmax.f32 v30, v45;
	v44 =	vmul.f32 v27, v8  }
0xb6: {  	v40 =	vld [tilespmem:s24+$0x70];
	v45 =	vadd.f32 v59, v57;
	v53 =	vmax.f32 v32, v48;
	v59 =	vmul.f32 $2.000000030e-01, v55  }
0xb7: {  	v41 =	vld [tilespmem:s31+$0x70];
	v50 =	vmul.f32 v30, v7;
	v17 =	vadd.f32 v20, v17;
	v26 =	vadd.f32 v47, v46  }
0xb8: {  	v52 =	vld [tilespmem:s24+$0xFFFFFF70];
	v30 =	vadd.f32 v51, v49;
	v31 =	vmul.f32 v53, v9;
	v57 =	vmul.f32 $2.000000030e-01, v29  }
0xb9: {  	v46 =	vld [tilespmem:s24+$0xFFFFFF60];
	v43 =	vmul.f32 $2.000000030e-01, v28;
	v20 =	vadd.f32 v44, v24;
	v51 =	vmul.f32 $2.000000030e-01, v45  }
0xba: {  	v49 =	vld [tilespmem:s31+$0xFFFFFF60];
	v27 =	vmax.f32 v55, v59;
	v15 =	vadd.f32 v50, v15;
	v42 =	vmul.f32 $2.000000030e-01, v26  }
0xbb: {  	v47 =	vmul.f32 $2.000000030e-01, v30;
	v13 =	vadd.f32 v31, v13;
	v24 =	vmax.f32 v29, v57  }
0xbc: {  	v27 =	vmul.f32 v27, v10;
	v24 =	vmul.f32 v24, v9;
	v26 =	vmax.f32 v26, v42  }
0xbd: {  	v61 =	vld [tilespmem:s24+$0xFFFFFFF0];
	v63 =	vadd.f32 v54, v52;
	v50 =	vmul.f32 v26, v7;
	v26 =	vmax.f32 v45, v51  }
0xbe: {  	v62 =	vld [tilespmem:s31+$0xFFFFFFF0];
	v30 =	vmax.f32 v30, v47;
	v23 =	vadd.f32 v27, v23;
	v26 =	vmul.f32 v26, v10  }
0xbf: {  	v37 =	vld [tilespmem:s24+$0x60];
	v47 =	vmax.f32 v28, v43;
	v27 =	vadd.f32 v41, v40;
	v60 =	vadd.f32 v49, v46  }
0xc0: {  	v48 =	vld [tilespmem:s31+$0xE0];
	v38 =	vmul.f32 $2.000000030e-01, v63;
	v22 =	vadd.f32 v24, v22;
	v11 =	vadd.f32 v26, v11  }
0xc1: {  	v52 =	vld [tilespmem:s31+$0xF0];
	v30 =	vmul.f32 v30, v8;
	v21 =	vadd.f32 v50, v21;
	v36 =	vmul.f32 $2.000000030e-01, v60  }
0xc2: {  	v45 =	vld [tilespmem:s24+$0xE0];
	v42 =	vmax.f32 v63, v38;
	v22 =	vadd.f32 v23, v22;
	v11 =	vadd.f32 v11, v13  }
0xc3: {  	v19 =	vadd.f32 v30, v19;
	v26 =	vadd.f32 v62, v61;
	v30 =	vmul.f32 v42, v10;
	v13 =	vld [tilespmem:s31+$0x60]  }
0xc4: {  	v50 =	vld [tilespmem:s24+$0xF0];
	v39 =	vmax.f32 v60, v36;
	v51 =	vperm.xlane v22, v2;
	v44 =	vperm.xlane v11, v2  }
0xc5: {  	v56 =	vmul.f32 $2.000000030e-01, v27;
	v24 =	vmul.f32 v39, v9;
	v18 =	vadd.f32 v30, v18  }
0xc6: {  	v49 =	vmul.f32 $2.000000030e-01, v26;
	v22 =	vadd.f32 v22, v51;
	v11 =	vadd.f32 v11, v44  }
0xc7: {  	v46 =	vadd.f32 v24, v25;
	v24 =	vmul.f32 v47, v9;
	v25 =	vadd.f32 v48, v45  }
0xc8: {  	v54 =	vmax.f32 v26, v49;
	v13 =	vadd.f32 v13, v37;
	(v2sf) =	vpush v11, $0x0  }
0xc9: {  	v30 =	vadd.f32 v52, v50;
	v23 =	vmul.f32 v54, v10;
	(v2sf) =	vpush v11, $0x1  }
0xca: {  	v55 =	vld [tilespmem:s24+$0x160];
	v18 =	vadd.f32 v18, v46;
	v53 =	vmul.f32 $2.000000030e-01, v13;
	(v2sf) =	vpush v11, $0x2  }
0xcb: {  	v57 =	vld [tilespmem:s31+$0x160];
	v26 =	vmax.f32 v27, v56;
	v15 =	vadd.f32 v24, v15;
	(v2sf) =	vpush v11, $0x3  }
0xcc: {  	v59 =	vld [tilespmem:s24+$0x170];
	v17 =	vadd.f32 v23, v17;
	v13 =	vmax.f32 v13, v53;
	(v2sf) =	vpush v11, $0x4  }
0xcd: {  	v60 =	vld [tilespmem:s31+$0x170];
	v61 =	vmul.f32 $2.000000030e-01, v30;
	v13 =	vmul.f32 v13, v9;
	(v2sf) =	vpush v11, $0x5  }
0xce: {  	v15 =	vadd.f32 v17, v15;
	v17 =	vmul.f32 $2.000000030e-01, v25;
	(v2sf) =	vpush v11, $0x6  }
0xcf: {  	v13 =	vadd.f32 v13, v14;
	v14 =	vmul.f32 v26, v10;
	(v2sf) =	vpush v11, $0x7  }
0xd0: {  	v11 =	vmax.f32 v25, v17;
	v17 =	vadd.f32 v57, v55;
	(v2sf) =	vpush v22, $0x0  }
0xd1: {  	v58 =	vperm.xlane v18, v2;
	v12 =	vadd.f32 v14, v12;
	(v2sf) =	vpush v22, $0x1  }
0xd2: {  	v11 =	vmul.f32 v11, v9;
	v14 =	vadd.f32 v60, v59;
	(v2sf) =	vpush v22, $0x2  }
0xd3: {  	v62 =	vmax.f32 v30, v61;
	v12 =	vadd.f32 v12, v13;
	(v2sf) =	vpush v22, $0x3  }
0xd4: {  	v13 =	vmul.f32 $2.000000030e-01, v17;
	v11 =	vadd.f32 v11, v16;
	(v2sf) =	vpush v22, $0x4  }
0xd5: {  	v16 =	vmul.f32 v62, v10;
	v63 =	vmul.f32 $2.000000030e-01, v14;
	(v2sf) =	vpush v22, $0x5  }
0xd6: {  	v13 =	vmax.f32 v17, v13;
	v17 =	vadd.f32 v18, v58;
	(v2sf) =	vpush v22, $0x6  }
0xd7: {  	v14 =	vmax.f32 v14, v63;
	v13 =	vmul.f32 v13, v9;
	s8 =	spop (v2sf);
	(v2sf) =	vpush v22, $0x7  }
0xd8: {  	v16 =	vadd.f32 v16, v20;
	v14 =	vmul.f32 v14, v10;
	s9 =	spop (v2sf);
	(v2sf) =	vpush v17, $0x0  }
0xd9: {  	v13 =	vadd.f32 v13, v21;
	s10 =	spop (v2sf);
	(v2sf) =	vpush v17, $0x1  }
0xda: {  	v18 =	vperm.xlane v15, v2;
	v14 =	vadd.f32 v14, v19;
	s11 =	spop (v2sf);
	(v2sf) =	vpush v17, $0x2  }
0xdb: {  	v11 =	vadd.f32 v16, v11;
	v19 =	vperm.xlane v12, v2;
	s0 =	sadd.f32 s9, s8;
	s12 =	spop (v2sf);
	(v2sf) =	vpush v17, $0x3  }
0xdc: {  	v13 =	vadd.f32 v14, v13;
	s3 =	sadd.f32 s11, s10;
	s13 =	spop (v2sf);
	(v2sf) =	vpush v17, $0x4  }
0xdd: {  	v16 =	vadd.f32 v15, v18;
	v14 =	vperm.xlane v11, v2;
	s7 =	sadd.f32 s13, s12;
	s24 =	spop (v2sf);
	(v2sf) =	vpush v17, $0x5  }
0xde: {  	s2 =	simm.s32 $0xEE60;
	v15 =	vadd.f32 v12, v19;
	v18 =	vperm.xlane v13, v2;
	s0 =	sadd.f32 s3, s0;
	s26 =	spop (v2sf);
	(v2sf) =	vpush v17, $0x6  }
0xdf: {  	v19 =	vpop (erf);
	v12 =	vadd.f32 v11, v14;
	s12 =	simm.s32 $0x0;
	s3 =	simm.s32 $0xEE60;
	s9 =	spop (v2sf);
	(v2sf) =	vpush v17, $0x7  }
0xe0: {  	[tilespmem:s2+$0x30] =	vst v19;
	v11 =	vadd.f32 v13, v18;
	s8 =	sadd.f32 s26, s24;
	s26 =	simm.s32 $0x5420;
	s24 =	spop (v2sf);
	(v2sf) =	vpush v16, $0x0  }
.LBB2_5:
0xe1: {  	v13 =	vld [tilespmem:s26+$0x1E0];
	s9 =	sadd.f32 s24, s9;
	s31 =	sadd.s32 $0x400, s31;
	s24 =	spop (v2sf);
	(v2sf) =	vpush v16, $0x1  }
0xe2: {  	s7 =	sadd.f32 s8, s7;
	v14 =	vld [tilespmem:s31+$0x1E0];
	s8 =	spop (v2sf);
	(v2sf) =	vpush v16, $0x2  }
0xe3: {  	v17 =	vld [tilespmem:s26+$0x1F0];
	s8 =	sadd.f32 s8, s24;
	s24 =	spop (v2sf);
	(v2sf) =	vpush v16, $0x3  }
0xe4: {  	s0 =	sadd.f32 s7, s0;
	v18 =	vld [tilespmem:s31+$0x1F0];
	s7 =	spop (v2sf);
	(v2sf) =	vpush v16, $0x4  }
0xe5: {  	v19 =	vld [tilespmem:s26+$0x1C0];
	s7 =	sadd.f32 s7, s24;
	s24 =	spop (v2sf);
	(v2sf) =	vpush v16, $0x5  }
0xe6: {  	v21 =	vmov s0;
	s0 =	sadd.f32 s8, s9;
	v20 =	vld [tilespmem:s31+$0x1C0];
	s8 =	spop (v2sf);
	(v2sf) =	vpush v16, $0x6  }
0xe7: {  	v21 =	vmul.f32 $1.442695020e+00, v21;
	v22 =	vld [tilespmem:s26+$0x1D0];
	s8 =	sadd.f32 s8, s24;
	s9 =	spop (v2sf);
	(v2sf) =	vpush v16, $0x7  }
0xe8: {  	v16 =	vld [tilespmem:s31+$0x1D0];
	s24 =	spop (v2sf);
	(v2sf) =	vpush v15, $0x0  }
0xe9: {  	v21 =	vbroadcast v21, $0x0;
	v23 =	vld [tilespmem:s26+$0x1A0];
	s9 =	sadd.f32 s24, s9;
	s24 =	spop (v2sf);
	(v2sf) =	vpush v15, $0x1  }
0xea: {  	s7 =	sadd.f32 s8, s7;
	v24 =	vld [tilespmem:s31+$0x1A0];
	s8 =	spop (v2sf);
	(v2sf) =	vpush v15, $0x2  }
0xeb: {  	v25 =	vld [tilespmem:s26+$0x180];
	s8 =	sadd.f32 s8, s24;
	(erf) = vpow2.f32 v21;
	s24 =	spop (v2sf);
	(v2sf) =	vpush v15, $0x3  }
0xec: {  	s0 =	sadd.f32 s7, s0;
	v21 =	vld [tilespmem:s31+$0x180];
	s7 =	spop (v2sf);
	(v2sf) =	vpush v15, $0x4  }
0xed: {  	v26 =	vld [tilespmem:s26+$0x190];
	s7 =	sadd.f32 s7, s24;
	s24 =	spop (v2sf);
	(v2sf) =	vpush v15, $0x5  }
0xee: {  	v28 =	vmov s0;
	s0 =	sadd.f32 s8, s9;
	v27 =	vld [tilespmem:s31+$0x190];
	s8 =	spop (v2sf);
	(v2sf) =	vpush v15, $0x6  }
0xef: {  	v28 =	vmul.f32 $1.442695020e+00, v28;
	v29 =	vld [tilespmem:s26+$0x1B0];
	s8 =	sadd.f32 s8, s24;
	s9 =	spop (v2sf);
	(v2sf) =	vpush v15, $0x7  }
0xf0: {  	v30 =	vld [tilespmem:s31+$0x1B0];
	s24 =	spop (v2sf);
	(v2sf) =	vpush v12, $0x0  }
0xf1: {  	v14 =	vadd.f32 v14, v13;
	v17 =	vadd.f32 v18, v17;
	v13 =	vbroadcast v28, $0x0;
	v15 =	vld [tilespmem:s31+$0xFFFFFE00];
	s9 =	sadd.f32 s24, s9;
	s24 =	spop (v2sf)  }
0xf2: {  	v19 =	vadd.f32 v20, v19;
	v16 =	vadd.f32 v16, v22;
	s7 =	sadd.f32 s8, s7;
	v18 =	vld [tilespmem:s26+$0xFFFFFE10];
	s8 =	spop (v2sf)  }
0xf3: {  	v21 =	vadd.f32 v21, v25;
	v25 =	vmul.f32 $2.000000030e-01, v14;
	v20 =	vld [tilespmem:s31+$0xFFFFFE10];
	v22 =	vadd.f32 v27, v26;
	s8 =	sadd.f32 s8, s24;
	s24 =	spop (v2sf)  }
0xf4: {  	v23 =	vadd.f32 v24, v23;
	v24 =	vmul.f32 $2.000000030e-01, v19;
	v27 =	vmul.f32 $2.000000030e-01, v17;
	s7 =	sadd.f32 s7, s0;
	v26 =	vld [tilespmem:s26+$0xFFFFFE80];
	v28 =	vpop (erf);
	s0 =	spop (v2sf)  }
0xf5: {  	s12 =	sadd.s32 $0x8, s12;
	v32 =	vmul.f32 $2.000000030e-01, v21;
	v31 =	vld [tilespmem:s31+$0xFFFFFE80];
	v33 =	vmul.f32 $2.000000030e-01, v22;
	v29 =	vadd.f32 v30, v29;
	[tilespmem:s2+$0xFFFFFFC0] =	vst v28;
	s0 =	sadd.f32 s0, s24;
	s24 =	spop (v2sf)  }
0xf6: {  	p0 =	slt.u32 s12, $0x48;
	v34 =	vmul.f32 $2.000000030e-01, v16;
	v30 =	vmul.f32 $2.000000030e-01, v23;
	s8 =	sadd.f32 s8, s9;
	v28 =	vld [tilespmem:s26+$0xFFFFFE90];
	s9 =	spop (v2sf);
	(v2sf) =	vpush v12, $0x1  }
0xf7: {  	v21 =	vmax.f32 v21, v32;
	v35 =	vld [tilespmem:s31+$0xFFFFFE90];
	v22 =	vmax.f32 v22, v33;
	v32 =	vmul.f32 $2.000000030e-01, v29;
	s9 =	sadd.f32 s9, s24;
	s24 =	spop (v2sf)  }
0xf8: {  	v21 =	vmul.f32 v21, v3;
	v23 =	vmax.f32 v23, v30;
	v33 =	vld [tilespmem:s26+$0xFFFFFF00];
	v22 =	vmul.f32 v22, v4;
	s10 =	spop (v2sf)  }
0xf9: {  	v19 =	vmax.f32 v19, v24;
	v23 =	vmul.f32 v23, v5;
	v30 =	vld [tilespmem:s31+$0xFFFFFF00];
	v29 =	vmax.f32 v29, v32;
	s10 =	sadd.f32 s10, s24;
	s24 =	spop (v2sf)  }
0xfa: {  	v21 =	vadd.f32 $0.0e+00, v21;
	s0 =	sadd.f32 s9, s0;
	v24 =	vld [tilespmem:s26+$0xFFFFFF10];
	v22 =	vadd.f32 $0.0e+00, v22;
	v29 =	vmul.f32 v29, v6;
	s9 =	spop (v2sf)  }
0xfb: {  	v16 =	vmax.f32 v16, v34;
	v19 =	vmul.f32 v19, v7;
	v14 =	vmax.f32 v14, v25;
	v32 =	vld [tilespmem:s31+$0xFFFFFF10];
	s9 =	sadd.f32 s9, s24;
	s24 =	spop (v2sf)  }
0xfc: {  	v16 =	vmul.f32 v16, v8;
	v21 =	vadd.f32 v23, v21;
	s0 =	sadd.f32 s0, s8;
	v25 =	vld [tilespmem:s26+$0xFFFFFF80];
	v22 =	vadd.f32 v29, v22;
	s8 =	spop (v2sf)  }
0xfd: {  	v14 =	vmul.f32 v14, v9;
	v17 =	vmax.f32 v17, v27;
	v18 =	vadd.f32 v20, v18;
	v20 =	vld [tilespmem:s31+$0xFFFFFF80];
	s8 =	sadd.f32 s8, s24;
	s24 =	spop (v2sf)  }
0xfe: {  	v17 =	vmul.f32 v17, v10;
	v19 =	vadd.f32 v19, v21;
	s9 =	sadd.f32 s9, s10;
	v23 =	vld [tilespmem:s26+$0xFFFFFF90];
	v16 =	vadd.f32 v16, v22;
	s10 =	spop (v2sf)  }
0xff: {  	v21 =	vmul.f32 $2.000000030e-01, v18;
	v22 =	vadd.f32 v31, v26;
	v26 =	vadd.f32 v35, v28;
	v27 =	vld [tilespmem:s31+$0xFFFFFF90];
	s10 =	sadd.f32 s10, s24;
	s24 =	spop (v2sf)  }
0x100: {  	v19 =	vadd.f32 v14, v19;
	v14 =	vmov s7;
	v28 =	vld [tilespmem:s26+$0x0];
	v16 =	vadd.f32 v17, v16  }
0x101: {  	v29 =	vadd.f32 v30, v33;
	v17 =	vmul.f32 $2.000000030e-01, v22;
	v24 =	vadd.f32 v32, v24;
	v30 =	vld [tilespmem:s31+$0x0];
	s7 =	sadd.f32 s10, s8  }
0x102: {  	v31 =	vmul.f32 $2.000000030e-01, v26;
	v20 =	vadd.f32 v20, v25;
	v25 =	vld [tilespmem:s26+$0x10];
	v16 =	vadd.f32 v16, v19  }
0x103: {  	v18 =	vmax.f32 v18, v21;
	v19 =	vmul.f32 $2.000000030e-01, v29;
	v21 =	vmul.f32 $2.000000030e-01, v24;
	v32 =	vld [tilespmem:s31+$0x10];
	s7 =	sadd.f32 s7, s9  }
0x104: {  	v33 =	vmul.f32 $2.000000030e-01, v20;
	v23 =	vadd.f32 v27, v23;
	v27 =	vld [tilespmem:s26+$0x80];
	v34 =	vperm.xlane v16, v2  }
0x105: {  	v17 =	vmax.f32 v22, v17;
	v22 =	vmax.f32 v26, v31;
	v19 =	vmax.f32 v29, v19;
	v26 =	vld [tilespmem:s31+$0x80];
	s8 =	spop (v2sf)  }
0x106: {  	v29 =	vmul.f32 $2.000000030e-01, v23;
	v28 =	vadd.f32 v30, v28;
	v30 =	vld [tilespmem:s26+$0x90];
	v16 =	vadd.f32 v16, v34;
	s8 =	sadd.f32 s8, s24  }
0x107: {  	v18 =	vmul.f32 v18, v4;
	v21 =	vmax.f32 v24, v21;
	v20 =	vmax.f32 v20, v33;
	v24 =	vld [tilespmem:s31+$0x90]  }
0x108: {  	v31 =	vmul.f32 $2.000000030e-01, v28;
	v25 =	vadd.f32 v32, v25;
	v32 =	vld [tilespmem:s26+$0x100];
	(v2sf) =	vpush v16, $0x0  }
0x109: {  	v17 =	vmul.f32 v17, v3;
	v23 =	vmax.f32 v23, v29;
	v29 =	vld [tilespmem:s31+$0x100];
	(v2sf) =	vpush v16, $0x1  }
0x10a: {  	v33 =	vmul.f32 $2.000000030e-01, v25;
	v26 =	vadd.f32 v26, v27;
	v27 =	vld [tilespmem:s26+$0x110];
	(v2sf) =	vpush v16, $0x2  }
0x10b: {  	v22 =	vmul.f32 v22, v4;
	v28 =	vmax.f32 v28, v31;
	v31 =	vld [tilespmem:s31+$0x110];
	(v2sf) =	vpush v16, $0x3  }
0x10c: {  	v34 =	vld [tilespmem:s26+$0xFFFFFE00];
	v35 =	vmul.f32 $2.000000030e-01, v26;
	v24 =	vadd.f32 v24, v30;
	(v2sf) =	vpush v16, $0x4  }
0x10d: {  	v19 =	vmul.f32 v19, v3;
	v25 =	vmax.f32 v25, v33;
	v30 =	vld [tilespmem:s26+$0xFFFFFE20];
	(v2sf) =	vpush v16, $0x5  }
0x10e: {  	v33 =	vld [tilespmem:s31+$0xFFFFFE20];
	v36 =	vmul.f32 $2.000000030e-01, v24;
	v29 =	vadd.f32 v29, v32;
	(v2sf) =	vpush v16, $0x6  }
0x10f: {  	v21 =	vmul.f32 v21, v4;
	v26 =	vmax.f32 v26, v35;
	v32 =	vld [tilespmem:s26+$0xFFFFFE30];
	(v2sf) =	vpush v16, $0x7  }
0x110: {  	v16 =	vld [tilespmem:s31+$0xFFFFFE30];
	v24 =	vmax.f32 v24, v36;
	v35 =	vmul.f32 $2.000000030e-01, v29;
	v27 =	vadd.f32 v31, v27  }
0x111: {  	v20 =	vmul.f32 v20, v3;
	v23 =	vmul.f32 v23, v4;
	v15 =	vadd.f32 v15, v34;
	v31 =	vld [tilespmem:s26+$0xFFFFFEA0]  }
0x112: {  	v28 =	vmul.f32 v28, v3;
	v34 =	vld [tilespmem:s31+$0xFFFFFEA0];
	v29 =	vmax.f32 v29, v35;
	v35 =	vmul.f32 $2.000000030e-01, v27  }
0x113: {  	v25 =	vmul.f32 v25, v4;
	v36 =	vmul.f32 $2.000000030e-01, v15;
	v30 =	vadd.f32 v33, v30;
	v33 =	vld [tilespmem:s26+$0xFFFFFEB0]  }
0x114: {  	v26 =	vmul.f32 v26, v3;
	v24 =	vmul.f32 v24, v4;
	v37 =	vld [tilespmem:s31+$0xFFFFFEB0];
	v27 =	vmax.f32 v27, v35  }
0x115: {  	v15 =	vmax.f32 v15, v36;
	v35 =	vmul.f32 $2.000000030e-01, v30;
	v16 =	vadd.f32 v16, v32;
	v32 =	vld [tilespmem:s26+$0xFFFFFF20]  }
0x116: {  	v18 =	vadd.f32 $0.0e+00, v18;
	v29 =	vmul.f32 v29, v3;
	v15 =	vmul.f32 v15, v3;
	v36 =	vld [tilespmem:s31+$0xFFFFFF20]  }
0x117: {  	v27 =	vmul.f32 v27, v4;
	v38 =	vmul.f32 $2.000000030e-01, v16;
	v31 =	vadd.f32 v34, v31;
	v34 =	vld [tilespmem:s26+$0xFFFFFF30];
	s9 =	spop (v2sf)  }
0x118: {  	v17 =	vadd.f32 $0.0e+00, v17;
	v30 =	vmax.f32 v30, v35;
	v15 =	vadd.f32 $0.0e+00, v15;
	v35 =	vld [tilespmem:s31+$0xFFFFFF30];
	s10 =	spop (v2sf)  }
0x119: {  	v16 =	vmax.f32 v16, v38;
	v38 =	vmul.f32 $2.000000030e-01, v31;
	v33 =	vadd.f32 v37, v33;
	v37 =	vld [tilespmem:s26+$0xFFFFFFA0];
	s24 =	spop (v2sf)  }
0x11a: {  	v22 =	vadd.f32 $0.0e+00, v22;
	v19 =	vadd.f32 $0.0e+00, v19;
	v30 =	vmul.f32 v30, v5;
	v39 =	vld [tilespmem:s31+$0xFFFFFFA0];
	s13 =	spop (v2sf)  }
0x11b: {  	v31 =	vmax.f32 v31, v38;
	v38 =	vmul.f32 $2.000000030e-01, v33;
	v32 =	vadd.f32 v36, v32;
	v36 =	vld [tilespmem:s26+$0xFFFFFFB0];
	s6 =	spop (v2sf)  }
0x11c: {  	v21 =	vadd.f32 $0.0e+00, v21;
	v20 =	vadd.f32 $0.0e+00, v20;
	s9 =	sadd.f32 s10, s9;
	v16 =	vmul.f32 v16, v6;
	v40 =	vld [tilespmem:s31+$0xFFFFFFB0];
	s10 =	spop (v2sf)  }
0x11d: {  	s13 =	sadd.f32 s13, s24;
	v33 =	vmax.f32 v33, v38;
	v38 =	vmul.f32 $2.000000030e-01, v32;
	v34 =	vadd.f32 v35, v34;
	v35 =	vld [tilespmem:s26+$0x20];
	s24 =	spop (v2sf)  }
0x11e: {  	v23 =	vadd.f32 $0.0e+00, v23;
	v28 =	vadd.f32 $0.0e+00, v28;
	v31 =	vmul.f32 v31, v5;
	s6 =	sadd.f32 s10, s6;
	v41 =	vld [tilespmem:s31+$0x20];
	s10 =	spop (v2sf)  }
0x11f: {  	v32 =	vmax.f32 v32, v38;
	v38 =	vmul.f32 $2.000000030e-01, v34;
	v37 =	vadd.f32 v39, v37;
	v39 =	vld [tilespmem:s26+$0x30];
	s10 =	sadd.f32 s10, s24  }
0x120: {  	v25 =	vadd.f32 $0.0e+00, v25;
	v26 =	vadd.f32 $0.0e+00, v26;
	s9 =	sadd.f32 s13, s9;
	v33 =	vmul.f32 v33, v6;
	v42 =	vld [tilespmem:s31+$0x30]  }
0x121: {  	v34 =	vmax.f32 v34, v38;
	v38 =	vmul.f32 $2.000000030e-01, v37;
	v36 =	vadd.f32 v40, v36;
	v40 =	vld [tilespmem:s26+$0xA0];
	s6 =	sadd.f32 s10, s6  }
0x122: {  	v24 =	vadd.f32 $0.0e+00, v24;
	v29 =	vadd.f32 $0.0e+00, v29;
	v32 =	vmul.f32 v32, v5;
	v43 =	vld [tilespmem:s31+$0xA0]  }
0x123: {  	v37 =	vmax.f32 v37, v38;
	v38 =	vmul.f32 $2.000000030e-01, v36;
	v35 =	vadd.f32 v41, v35;
	v41 =	vld [tilespmem:s26+$0xB0];
	s6 =	sadd.f32 s6, s9  }
0x124: {  	v27 =	vadd.f32 $0.0e+00, v27;
	v34 =	vmul.f32 v34, v6;
	v37 =	vmul.f32 v37, v5;
	v44 =	vld [tilespmem:s31+$0xB0]  }
0x125: {  	v45 =	vmul.f32 $2.000000030e-01, v35;
	v39 =	vadd.f32 v42, v39;
	v42 =	vld [tilespmem:s26+$0x120];
	v46 =	vmov s6  }
0x126: {  	v15 =	vadd.f32 v30, v15;
	v30 =	vmax.f32 v36, v38;
	v36 =	vld [tilespmem:s31+$0x120];
	v38 =	vmul.f32 $1.442695020e+00, v46  }
0x127: {  	v35 =	vmax.f32 v35, v45;
	v45 =	vmul.f32 $2.000000030e-01, v39;
	v40 =	vadd.f32 v43, v40;
	v43 =	vld [tilespmem:s26+$0x130]  }
0x128: {  	v16 =	vadd.f32 v16, v18;
	v18 =	vmul.f32 v30, v6;
	v30 =	vld [tilespmem:s31+$0x130];
	v38 =	vbroadcast v38, $0x0  }
0x129: {  	v46 =	vld [tilespmem:s26+$0xFFFFFE40];
	v39 =	vmax.f32 v39, v45;
	v45 =	vmul.f32 $2.000000030e-01, v40;
	v41 =	vadd.f32 v44, v41  }
0x12a: {  	v17 =	vadd.f32 v31, v17;
	v31 =	vmul.f32 v35, v5;
	v44 =	vld [tilespmem:s31+$0xFFFFFE40];
	(erf) = vpow2.f32 v38  }
0x12b: {  	v35 =	vld [tilespmem:s26+$0xFFFFFE50];
	v38 =	vmax.f32 v40, v45;
	v40 =	vmul.f32 $2.000000030e-01, v41;
	v36 =	vadd.f32 v36, v42  }
0x12c: {  	v22 =	vadd.f32 v33, v22;
	v33 =	vmul.f32 v39, v6;
	v42 =	vld [tilespmem:s31+$0xFFFFFE50];
	v38 =	vmul.f32 v38, v5  }
0x12d: {  	v39 =	vld [tilespmem:s26+$0xFFFFFEC0];
	v40 =	vmax.f32 v41, v40;
	v41 =	vmul.f32 $2.000000030e-01, v36;
	v30 =	vadd.f32 v30, v43  }
0x12e: {  	v19 =	vadd.f32 v32, v19;
	v21 =	vadd.f32 v34, v21;
	v43 =	vld [tilespmem:s31+$0xFFFFFEC0];
	v32 =	vmul.f32 v40, v6  }
0x12f: {  	v34 =	vadd.f32 v44, v46;
	v40 =	vld [tilespmem:s26+$0xFFFFFED0];
	v36 =	vmax.f32 v36, v41;
	v41 =	vmul.f32 $2.000000030e-01, v30  }
0x130: {  	v37 =	vadd.f32 v37, v20;
	v18 =	vadd.f32 v18, v23;
	v44 =	vld [tilespmem:s31+$0xFFFFFED0];
	v20 =	vmul.f32 v36, v5  }
0x131: {  	v23 =	vmul.f32 $2.000000030e-01, v34;
	v35 =	vadd.f32 v42, v35;
	v36 =	vld [tilespmem:s26+$0xFFFFFF40];
	v30 =	vmax.f32 v30, v41  }
0x132: {  	v28 =	vadd.f32 v31, v28;
	v31 =	vadd.f32 v33, v25;
	v41 =	vld [tilespmem:s31+$0xFFFFFF40];
	v25 =	vmul.f32 v30, v6  }
0x133: {  	s2 =	sadd.s32 $0x80, s2;
	v23 =	vmax.f32 v34, v23;
	v30 =	vmul.f32 $2.000000030e-01, v35;
	v33 =	vadd.f32 v43, v39;
	v34 =	vld [tilespmem:s26+$0xFFFFFF50];
	v39 =	vpop (erf)  }
0x134: {  	v38 =	vadd.f32 v38, v26;
	v32 =	vadd.f32 v32, v24;
	v23 =	vmul.f32 v23, v7;
	v42 =	vld [tilespmem:s31+$0xFFFFFF50];
	[tilespmem:s2+$0x30] =	vst v39  }
0x135: {  	v24 =	vmax.f32 v35, v30;
	v26 =	vmul.f32 $2.000000030e-01, v33;
	v30 =	vadd.f32 v44, v40;
	v35 =	vld [tilespmem:s26+$0xFFFFFFC0]  }
0x136: {  	v29 =	vadd.f32 v20, v29;
	v25 =	vadd.f32 v25, v27;
	v24 =	vmul.f32 v24, v8;
	v39 =	vld [tilespmem:s31+$0xFFFFFFC0]  }
0x137: {  	v20 =	vmax.f32 v33, v26;
	v33 =	vmul.f32 $2.000000030e-01, v30;
	v36 =	vadd.f32 v41, v36;
	v40 =	vld [tilespmem:s26+$0xFFFFFFD0]  }
0x138: {  	v27 =	vadd.f32 v23, v15;
	v26 =	vadd.f32 v24, v16;
	v15 =	vmul.f32 v20, v7;
	v16 =	vld [tilespmem:s31+$0xFFFFFFD0]  }
0x139: {  	v20 =	vmax.f32 v30, v33;
	v23 =	vmul.f32 $2.000000030e-01, v36;
	v30 =	vadd.f32 v42, v34;
	v33 =	vld [tilespmem:s26+$0x40]  }
0x13a: {  	v24 =	vadd.f32 v15, v17;
	v15 =	vmul.f32 v20, v8;
	v17 =	vld [tilespmem:s31+$0x40];
	(v2sf) =	vpush v12, $0x2  }
0x13b: {  	v20 =	vmax.f32 v36, v23;
	v23 =	vmul.f32 $2.000000030e-01, v30;
	v34 =	vadd.f32 v39, v35;
	v35 =	vld [tilespmem:s26+$0x50]  }
0x13c: {  	v22 =	vadd.f32 v15, v22;
	v15 =	vmul.f32 v20, v7;
	v36 =	vld [tilespmem:s31+$0x50];
	(v2sf) =	vpush v12, $0x3  }
0x13d: {  	v23 =	vmax.f32 v30, v23;
	v30 =	vmul.f32 $2.000000030e-01, v34;
	v16 =	vadd.f32 v16, v40;
	v39 =	vld [tilespmem:s26+$0xC0]  }
0x13e: {  	v20 =	vadd.f32 v15, v19;
	v15 =	vmul.f32 v23, v8;
	v23 =	vld [tilespmem:s31+$0xC0];
	(v2sf) =	vpush v12, $0x4  }
0x13f: {  	v30 =	vmax.f32 v34, v30;
	v34 =	vmul.f32 $2.000000030e-01, v16;
	v33 =	vadd.f32 v17, v33;
	v40 =	vld [tilespmem:s26+$0xD0]  }
0x140: {  	v19 =	vadd.f32 v15, v21;
	v15 =	vmul.f32 v30, v7;
	v21 =	vld [tilespmem:s31+$0xD0];
	(v2sf) =	vpush v12, $0x5  }
0x141: {  	v16 =	vmax.f32 v16, v34;
	v30 =	vmul.f32 $2.000000030e-01, v33;
	v34 =	vadd.f32 v36, v35;
	v35 =	vld [tilespmem:s26+$0x140]  }
0x142: {  	v17 =	vadd.f32 v15, v37;
	v15 =	vmul.f32 v16, v8;
	v16 =	vld [tilespmem:s31+$0x140];
	(v2sf) =	vpush v12, $0x6  }
0x143: {  	v30 =	vmax.f32 v33, v30;
	v33 =	vmul.f32 $2.000000030e-01, v34;
	v23 =	vadd.f32 v23, v39;
	v36 =	vld [tilespmem:s26+$0x150]  }
0x144: {  	v15 =	vadd.f32 v15, v18;
	v18 =	vmul.f32 v30, v7;
	v30 =	vld [tilespmem:s31+$0x150];
	(v2sf) =	vpush v12, $0x7  }
0x145: {  	v37 =	vld [tilespmem:s26+$0xFFFFFE60];
	v33 =	vmax.f32 v34, v33;
	v34 =	vmul.f32 $2.000000030e-01, v23;
	v21 =	vadd.f32 v21, v40  }
0x146: {  	v39 =	vld [tilespmem:s31+$0xFFFFFE60];
	v12 =	vadd.f32 v18, v28;
	v18 =	vmul.f32 v33, v8;
	(v2sf) =	vpush v11, $0x0  }
0x147: {  	v28 =	vld [tilespmem:s26+$0xFFFFFE70];
	v23 =	vmax.f32 v23, v34;
	v33 =	vmul.f32 $2.000000030e-01, v21;
	v34 =	vadd.f32 v16, v35  }
0x148: {  	v35 =	vld [tilespmem:s31+$0xFFFFFE70];
	v16 =	vadd.f32 v18, v31;
	v18 =	vmul.f32 v23, v7;
	(v2sf) =	vpush v11, $0x1  }
0x149: {  	v31 =	vld [tilespmem:s26+$0xFFFFFEE0];
	v21 =	vmax.f32 v21, v33;
	v23 =	vmul.f32 $2.000000030e-01, v34;
	v30 =	vadd.f32 v30, v36;
	s6 =	spop (v2sf)  }
0x14a: {  	v33 =	vld [tilespmem:s31+$0xFFFFFEE0];
	v18 =	vadd.f32 v18, v38;
	v21 =	vmul.f32 v21, v8;
	(v2sf) =	vpush v11, $0x2  }
0x14b: {  	v36 =	vadd.f32 v39, v37;
	v37 =	vld [tilespmem:s26+$0xFFFFFEF0];
	v23 =	vmax.f32 v34, v23;
	v34 =	vmul.f32 $2.000000030e-01, v30;
	s9 =	spop (v2sf)  }
0x14c: {  	v38 =	vld [tilespmem:s31+$0xFFFFFEF0];
	v21 =	vadd.f32 v21, v32;
	v23 =	vmul.f32 v23, v7;
	s6 =	sadd.f32 s9, s6;
	(v2sf) =	vpush v11, $0x3  }
0x14d: {  	v32 =	vmul.f32 $2.000000030e-01, v36;
	v28 =	vadd.f32 v35, v28;
	v35 =	vld [tilespmem:s26+$0xFFFFFF60];
	v30 =	vmax.f32 v30, v34;
	s9 =	spop (v2sf)  }
0x14e: {  	v34 =	vld [tilespmem:s31+$0xFFFFFF60];
	v23 =	vadd.f32 v23, v29;
	v29 =	vmul.f32 v30, v8;
	s8 =	sadd.f32 s6, s8;
	(v2sf) =	vpush v11, $0x4  }
0x14f: {  	v30 =	vmax.f32 v36, v32;
	v32 =	vmul.f32 $2.000000030e-01, v28;
	v31 =	vadd.f32 v33, v31;
	v33 =	vld [tilespmem:s26+$0xFFFFFF70];
	s6 =	spop (v2sf)  }
0x150: {  	v30 =	vmul.f32 v30, v9;
	v36 =	vld [tilespmem:s31+$0xFFFFFF70];
	v25 =	vadd.f32 v29, v25;
	s6 =	sadd.f32 s6, s9;
	(v2sf) =	vpush v11, $0x5  }
0x151: {  	v28 =	vmax.f32 v28, v32;
	v29 =	vmul.f32 $2.000000030e-01, v31;
	v32 =	vadd.f32 v38, v37;
	v37 =	vld [tilespmem:s26+$0xFFFFFFE0];
	s9 =	spop (v2sf)  }
0x152: {  	v27 =	vadd.f32 v30, v27;
	v28 =	vmul.f32 v28, v10;
	v30 =	vld [tilespmem:s31+$0xFFFFFFE0];
	(v2sf) =	vpush v11, $0x6  }
0x153: {  	v29 =	vmax.f32 v31, v29;
	v31 =	vmul.f32 $2.000000030e-01, v32;
	v34 =	vadd.f32 v34, v35;
	v35 =	vld [tilespmem:s26+$0xFFFFFFF0];
	s10 =	spop (v2sf)  }
0x154: {  	v26 =	vadd.f32 v28, v26;
	v28 =	vmul.f32 v29, v9;
	v29 =	vld [tilespmem:s31+$0xFFFFFFF0];
	s9 =	sadd.f32 s10, s9;
	(v2sf) =	vpush v11, $0x7  }
0x155: {  	v11 =	vmax.f32 v32, v31;
	v31 =	vmul.f32 $2.000000030e-01, v34;
	v32 =	vadd.f32 v36, v33;
	v33 =	vld [tilespmem:s26+$0x60];
	s10 =	spop (v2sf)  }
0x156: {  	v26 =	vadd.f32 v26, v27;
	v24 =	vadd.f32 v28, v24;
	v11 =	vmul.f32 v11, v10;
	v27 =	vld [tilespmem:s31+$0x60];
	s6 =	sadd.f32 s9, s6  }
0x157: {  	v28 =	vmax.f32 v34, v31;
	v31 =	vmul.f32 $2.000000030e-01, v32;
	v30 =	vadd.f32 v30, v37;
	v34 =	vld [tilespmem:s26+$0x70];
	s9 =	spop (v2sf)  }
0x158: {  	v36 =	vperm.xlane v26, v2;
	v11 =	vadd.f32 v11, v22;
	v22 =	vmul.f32 v28, v9;
	v28 =	vld [tilespmem:s31+$0x70];
	s9 =	sadd.f32 s9, s10  }
0x159: {  	s8 =	sadd.f32 s6, s8;
	v31 =	vmax.f32 v32, v31;
	v32 =	vmul.f32 $2.000000030e-01, v30;
	v29 =	vadd.f32 v29, v35;
	v35 =	vld [tilespmem:s26+$0xE0];
	s6 =	spop (v2sf)  }
0x15a: {  	v11 =	vadd.f32 v11, v24;
	v20 =	vadd.f32 v22, v20;
	v22 =	vmul.f32 v31, v10;
	v24 =	vld [tilespmem:s31+$0xE0]  }
0x15b: {  	v30 =	vmax.f32 v30, v32;
	v31 =	vmul.f32 $2.000000030e-01, v29;
	v27 =	vadd.f32 v27, v33;
	v32 =	vld [tilespmem:s26+$0xF0];
	s10 =	spop (v2sf)  }
0x15c: {  	v33 =	vperm.xlane v11, v2;
	v19 =	vadd.f32 v22, v19;
	v22 =	vmul.f32 v30, v9;
	v30 =	vld [tilespmem:s31+$0xF0];
	s6 =	sadd.f32 s10, s6  }
0x15d: {  	v29 =	vmax.f32 v29, v31;
	v31 =	vmul.f32 $2.000000030e-01, v27;
	v28 =	vadd.f32 v28, v34;
	v34 =	vld [tilespmem:s26+$0x160];
	s10 =	spop (v2sf)  }
0x15e: {  	v19 =	vadd.f32 v19, v20;
	v17 =	vadd.f32 v22, v17;
	v20 =	vmul.f32 v29, v10;
	v22 =	vld [tilespmem:s31+$0x160];
	s6 =	sadd.f32 s6, s9  }
0x15f: {  	v27 =	vmax.f32 v27, v31;
	v29 =	vmul.f32 $2.000000030e-01, v28;
	v24 =	vadd.f32 v24, v35;
	v31 =	vld [tilespmem:s26+$0x170];
	s9 =	spop (v2sf)  }
0x160: {  	v35 =	vperm.xlane v19, v2;
	v15 =	vadd.f32 v20, v15;
	v20 =	vmul.f32 v27, v9;
	v27 =	vld [tilespmem:s31+$0x170];
	s9 =	sadd.f32 s9, s10  }
0x161: {  	v28 =	vmax.f32 v28, v29;
	v29 =	vmul.f32 $2.000000030e-01, v24;
	v30 =	vadd.f32 v30, v32;
	s10 =	spop (v2sf)  }
0x162: {  	v15 =	vadd.f32 v15, v17;
	v12 =	vadd.f32 v20, v12;
	v17 =	vmul.f32 v28, v10  }
0x163: {  	v20 =	vmax.f32 v24, v29;
	v24 =	vmul.f32 $2.000000030e-01, v30;
	v22 =	vadd.f32 v22, v34;
	s13 =	spop (v2sf)  }
0x164: {  	v28 =	vperm.xlane v15, v2;
	v16 =	vadd.f32 v17, v16;
	v17 =	vmul.f32 v20, v9;
	s10 =	sadd.f32 s13, s10  }
0x165: {  	v20 =	vmax.f32 v30, v24;
	v24 =	vmul.f32 $2.000000030e-01, v22;
	v27 =	vadd.f32 v27, v31  }
0x166: {  	v12 =	vadd.f32 v16, v12;
	v16 =	vadd.f32 v17, v18;
	v17 =	vmul.f32 v20, v10;
	s9 =	sadd.f32 s10, s9  }
0x167: {  	v18 =	vadd.f32 v26, v36;
	v20 =	vmax.f32 v22, v24;
	v22 =	vmul.f32 $2.000000030e-01, v27  }
0x168: {  	v24 =	vperm.xlane v12, v2;
	v17 =	vadd.f32 v17, v21;
	v20 =	vmul.f32 v20, v9;
	s6 =	sadd.f32 s9, s6  }
0x169: {  	v19 =	vadd.f32 v19, v35;
	v21 =	vadd.f32 v11, v33;
	v11 =	vmax.f32 v27, v22  }
0x16a: {  	v17 =	vadd.f32 v17, v16;
	v20 =	vadd.f32 v20, v23;
	v11 =	vmul.f32 v11, v10  }
0x16b: {  	v22 =	vmov s0;
	v16 =	vadd.f32 v15, v28;
	v15 =	vadd.f32 v12, v24  }
0x16c: {  	v12 =	vperm.xlane v17, v2;
	v11 =	vadd.f32 v11, v25;
	(v2sf) =	vpush v18, $0x0  }
0x16d: {  	v23 =	vmov s7;
	v24 =	vmov s8;
	(v2sf) =	vpush v18, $0x1  }
0x16e: {  	v12 =	vadd.f32 v17, v12;
	v11 =	vadd.f32 v11, v20;
	v17 =	vmov s6  }
0x16f: {  	v14 =	vmul.f32 $1.442695020e+00, v14;
	v20 =	vmul.f32 $1.442695020e+00, v22;
	(v2sf) =	vpush v18, $0x2  }
0x170: {  	v23 =	vmul.f32 $1.442695020e+00, v23;
	v22 =	vperm.xlane v11, v2;
	(v2sf) =	vpush v18, $0x3  }
0x171: {  	v24 =	vmul.f32 $1.442695020e+00, v24;
	v17 =	vmul.f32 $1.442695020e+00, v17;
	(v2sf) =	vpush v18, $0x4  }
0x172: {  	v14 =	vbroadcast v14, $0x0;
	v11 =	vadd.f32 v11, v22;
	(v2sf) =	vpush v18, $0x5  }
0x173: {  	v20 =	vbroadcast v20, $0x0;
	v22 =	vbroadcast v23, $0x0;
	(v2sf) =	vpush v18, $0x6  }
0x174: {  	v17 =	vbroadcast v17, $0x0;
	(v2sf) =	vpush v18, $0x7;
	v18 =	vbroadcast v24, $0x0  }
0x175: {  	(v2sf) =	vpush v21, $0x0;
	(erf) = vpow2.f32 v13  }
0x176: {  	(v2sf) =	vpush v21, $0x1;
	(erf) = vpow2.f32 v14  }
0x177: {  	(v2sf) =	vpush v21, $0x2;
	(erf) = vpow2.f32 v20  }
0x178: {  	(v2sf) =	vpush v21, $0x3;
	(erf) = vpow2.f32 v22  }
0x179: {  	(v2sf) =	vpush v21, $0x4;
	(erf) = vpow2.f32 v18  }
0x17a: {  	(v2sf) =	vpush v21, $0x5;
	(erf) = vpow2.f32 v17  }
0x17b: {  	s0 =	spop (v2sf);
	(v2sf) =	vpush v21, $0x6  }
0x17c: {  	s6 =	spop (v2sf);
	(v2sf) =	vpush v21, $0x7  }
0x17d: {  	s0 =	sadd.f32 s6, s0;
	(v2sf) =	vpush v19, $0x0  }
0x17e: {  	s6 =	spop (v2sf);
	(v2sf) =	vpush v19, $0x1;
	v13 =	vpop (erf)  }
0x17f: {  	s7 =	spop (v2sf);
	(v2sf) =	vpush v19, $0x2;
	[tilespmem:s3+$0xFFFFFFD0] =	vst v13;
	v13 =	vpop (erf)  }
0x180: {  	s6 =	sadd.f32 s7, s6;
	s7 =	spop (v2sf);
	(v2sf) =	vpush v19, $0x3;
	[tilespmem:s3+$0xFFFFFFE0] =	vst v13;
	v13 =	vpop (erf)  }
.Ltmp1:
0x181: {  	s8 =	spop (v2sf);
	(v2sf) =	vpush v19, $0x4;
	[tilespmem:s3+$0xFFFFFFF0] =	vst v13;
	v13 =	vpop (erf);
	(pc) =	sbr.rel @p0 .LBB2_5-.Ltmp1, $4  }
0x182: {  	s7 =	sadd.f32 s8, s7;
	s8 =	spop (v2sf);
	(v2sf) =	vpush v19, $0x5;
	[tilespmem:s3+$0x0] =	vst v13;
	v13 =	vpop (erf)  }
0x183: {  	s0 =	sadd.f32 s6, s0;
	s6 =	spop (v2sf);
	(v2sf) =	vpush v19, $0x6;
	[tilespmem:s3+$0x10] =	vst v13;
	v13 =	vpop (erf)  }
0x184: {  	s8 =	sadd.f32 s6, s8;
	s9 =	spop (v2sf);
	(v2sf) =	vpush v19, $0x7;
	[tilespmem:s3+$0x20] =	vst v13;
	s3 =	smov.u32 s2  }
0x185: {  	s26 =	sadd.s32 $0x400, s26;
	s24 =	spop (v2sf);
	(v2sf) =	vpush v16, $0x0  }
0x186: {  	s6 =	spop (v2sf);
	(v2sf) =	vpush v16, $0x1  }
0x187: {  	s10 =	spop (v2sf);
	(v2sf) =	vpush v16, $0x2  }
0x188: {  	s12 =	spop (v2sf);
	(v2sf) =	vpush v16, $0x3  }
0x189: {  	s13 =	spop (v2sf);
	(v2sf) =	vpush v16, $0x4  }
0x18a: {  	s26 =	spop (v2sf);
	(v2sf) =	vpush v16, $0x5  }
0x18b: {  	s31 =	spop (v2sf);
	(v2sf) =	vpush v16, $0x6  }
0x18c: {  	s5 =	spop (v2sf);
	(v2sf) =	vpush v16, $0x7  }
0x18d: {  	s9 =	sadd.f32 s24, s9;
	s24 =	spop (v2sf);
	(v2sf) =	vpush v15, $0x0  }
0x18e: {  	s7 =	sadd.f32 s8, s7;
	s8 =	spop (v2sf);
	(v2sf) =	vpush v15, $0x1  }
0x18f: {  	s6 =	sadd.f32 s10, s6;
	s10 =	spop (v2sf);
	(v2sf) =	vpush v15, $0x2  }
0x190: {  	s0 =	sadd.f32 s7, s0;
	s11 =	spop (v2sf);
	(v2sf) =	vpush v15, $0x3  }
0x191: {  	s13 =	sadd.f32 s13, s12;
	s12 =	spop (v2sf);
	(v2sf) =	vpush v15, $0x4  }
0x192: {  	s6 =	sadd.f32 s6, s9;
	s9 =	spop (v2sf);
	(v2sf) =	vpush v15, $0x5  }
0x193: {  	s31 =	sadd.f32 s31, s26;
	s26 =	spop (v2sf);
	(v2sf) =	vpush v15, $0x6  }
0x194: {  	s5 =	sadd.f32 s24, s5;
	s24 =	spop (v2sf);
	(v2sf) =	vpush v15, $0x7  }
0x195: {  	s7 =	sadd.f32 s31, s13;
	s31 =	spop (v2sf);
	(v2sf) =	vpush v12, $0x0  }
0x196: {  	s8 =	sadd.f32 s10, s8;
	s10 =	spop (v2sf);
	(v2sf) =	vpush v12, $0x1  }
0x197: {  	s7 =	sadd.f32 s7, s6;
	s6 =	spop (v2sf);
	(v2sf) =	vpush v12, $0x2  }
0x198: {  	s11 =	sadd.f32 s12, s11;
	s12 =	spop (v2sf);
	(v2sf) =	vpush v12, $0x3  }
0x199: {  	s5 =	sadd.f32 s8, s5;
	s8 =	spop (v2sf);
	(v2sf) =	vpush v12, $0x4  }
0x19a: {  	s9 =	sadd.f32 s26, s9;
	s26 =	spop (v2sf);
	(v2sf) =	vpush v12, $0x5  }
0x19b: {  	s13 =	sadd.f32 s31, s24;
	s31 =	spop (v2sf);
	(v2sf) =	vpush v12, $0x6  }
0x19c: {  	s9 =	sadd.f32 s9, s11;
	s11 =	spop (v2sf);
	(v2sf) =	vpush v12, $0x7  }
0x19d: {  	s6 =	sadd.f32 s6, s10;
	s10 =	spop (v2sf);
	(v2sf) =	vpush v11, $0x0  }
0x19e: {  	s5 =	sadd.f32 s9, s5;
	s9 =	spop (v2sf);
	(v2sf) =	vpush v11, $0x1  }
0x19f: {  	s8 =	sadd.f32 s8, s12;
	s12 =	spop (v2sf);
	(v2sf) =	vpush v11, $0x2  }
0x1a0: {  	s6 =	sadd.f32 s6, s13;
	s13 =	spop (v2sf);
	(v2sf) =	vpush v11, $0x3  }
0x1a1: {  	s24 =	sadd.f32 s31, s26;
	s31 =	spop (v2sf);
	(v2sf) =	vpush v11, $0x4  }
0x1a2: {  	s10 =	sadd.f32 s10, s11;
	s11 =	spop (v2sf);
	(v2sf) =	vpush v11, $0x5  }
0x1a3: {  	s8 =	sadd.f32 s24, s8;
	s24 =	spop (v2sf);
	(v2sf) =	vpush v11, $0x6  }
0x1a4: {  	s9 =	sadd.f32 s12, s9;
	s12 =	spop (v2sf);
	(v2sf) =	vpush v11, $0x7  }
0x1a5: {  	s13 =	sadd.f32 s31, s13;
	s31 =	spop (v2sf)  }
0x1a6: {  	s11 =	sadd.f32 s24, s11;
	s24 =	spop (v2sf)  }
0x1a7: {  	s9 =	sadd.f32 s9, s10;
	s10 =	spop (v2sf)  }
0x1a8: {  	s11 =	sadd.f32 s11, s13;
	s13 =	spop (v2sf)  }
0x1a9: {  	s6 =	sadd.f32 s8, s6;
	s8 =	spop (v2sf)  }
0x1aa: {  	s9 =	sadd.f32 s11, s9;
	s11 =	spop (v2sf)  }
0x1ab: {  	s12 =	sadd.f32 s31, s12;
	s31 =	spop (v2sf)  }
0x1ac: {  	s10 =	sadd.f32 s10, s24;
	s24 =	spop (v2sf)  }
0x1ad: {  	s8 =	sadd.f32 s8, s13;
	s13 =	spop (v2sf)  }
0x1ae: {  	s11 =	sadd.f32 s31, s11;
	s26 =	spop (v2sf)  }
0x1af: {  	s10 =	sadd.f32 s10, s12;
	s31 =	spop (v2sf)  }
0x1b0: {  	s8 =	sadd.f32 s11, s8;
	s11 =	spop (v2sf)  }
0x1b1: {  	v11 =	vmov s0;
	s13 =	sadd.f32 s13, s24;
	s24 =	spop (v2sf)  }
0x1b2: {  	v11 =	vmul.f32 $1.442695020e+00, v11;
	s0 =	sadd.f32 s31, s26;
	s31 =	spop (v2sf)  }
0x1b3: {  	v12 =	vmov s7;
	s11 =	sadd.f32 s24, s11;
	s26 =	spop (v2sf)  }
0x1b4: {  	v12 =	vmul.f32 $1.442695020e+00, v12;
	v13 =	vmov s6;
	v11 =	vbroadcast v11, $0x0;
	s31 =	sadd.f32 s26, s31  }
0x1b5: {  	v13 =	vmul.f32 $1.442695020e+00, v13;
	s0 =	sadd.f32 s0, s13  }
0x1b6: {  	(erf) = vpow2.f32 v11;
	v11 =	vbroadcast v12, $0x0;
	v12 =	vmov s5;
	s7 =	sadd.f32 s31, s11  }
0x1b7: {  	v14 =	vmov s9;
	v12 =	vmul.f32 $1.442695020e+00, v12;
	s8 =	sadd.f32 s8, s10  }
0x1b8: {  	v13 =	vbroadcast v13, $0x0;
	v14 =	vmul.f32 $1.442695020e+00, v14;
	s0 =	sadd.f32 s7, s0  }
0x1b9: {  	(erf) = vpow2.f32 v11;
	v12 =	vbroadcast v12, $0x0;
	v15 =	vmov s8  }
0x1ba: {  	v11 =	vbroadcast v14, $0x0;
	v15 =	vmul.f32 $1.442695020e+00, v15;
	v16 =	vmov s0  }
0x1bb: {  	(erf) = vpow2.f32 v12;
	v16 =	vmul.f32 $1.442695020e+00, v16  }
0x1bc: {  	(erf) = vpow2.f32 v13;
	v12 =	vbroadcast v15, $0x0  }
0x1bd: {  	(erf) = vpow2.f32 v11;
	v13 =	vbroadcast v16, $0x0  }
0x1be: {  	(erf) = vpow2.f32 v12  }
0x1bf: {  	(erf) = vpow2.f32 v13;
	_ =	sdelay $0x2  }
0x1c0: {  	v11 =	vpop (erf)  }
0x1c1: {  	[tilespmem:s2+$0xFFFFFFC0] =	vst v11;
	v11 =	vpop (erf)  }
0x1c2: {  	[tilespmem:s3+$0xFFFFFFD0] =	vst v11;
	v11 =	vpop (erf)  }
0x1c3: {  	[tilespmem:s3+$0xFFFFFFE0] =	vst v11;
	v11 =	vpop (erf)  }
0x1c4: {  	s6 =	smul.u32 $0x280, s28;
	[tilespmem:s3+$0xFFFFFFF0] =	vst v11;
	v11 =	vpop (erf)  }
0x1c5: {  	[tilespmem:s3+$0x0] =	vst v11;
	v11 =	vpop (erf)  }
0x1c6: {  	s0 =	sshra.s32 s6, $0x2;
	[tilespmem:s3+$0x10] =	vst v11;
	v11 =	vpop (erf)  }
0x1c7: {  	s0 =	sadd.s32 $0x2710, s0;
	[tilespmem:s3+$0x20] =	vst v11  }
0x1c8: {  	[spmem:s4] =	stream.indirect.scatter.add.f32 [tilespmem:s21], [sflag:$0x3], $0x10, s0, s14, $0xb8;
	[tilespmem:$0x148A0] =	vst v63  }
0x1c9: {  	s7 =	sadd.s32 $0xA0, s30  }
0x1ca: {  	[tilespmem:s15], [sflag:$0x1] =	stream.indirect.gather [hbm4b:s1+s14], $0x80, s7, s14, $0xb8;
	[tilespmem:$0x148A0] =	vst v63  }
0x1cb: {  	s8 =	sadd.s32 $0x27B0, s30  }
0x1cc: {  	[tilespmem:s16], [sflag:$0x1] =	stream.indirect.gather [hbm4b:s1+s14], $0x80, s8, s14, $0xb8;
	[tilespmem:$0x148A0] =	vst v63  }
0x1cd: {  	_ =	swait.ge [sflag:s22], $0x2800  }
0x1ce: {  	[sflag:s22] =	ssyncset.done $0x0  }
0x1cf: {  	[sflag:s22] =	ssyncadd.s32 $0xFFFFD800  }
0x1d0: {  	_ =	swait.ge [sflag:s22], $0x2800  }
0x1d1: {  	[sflag:s22] =	ssyncset.done $0x0  }
0x1d2: {  	[sflag:s22] =	ssyncadd.s32 $0xFFFFD800  }
0x1d3: {  	_ =	swait.ge [sflag:s23], $0x500  }
0x1d4: {  	[sflag:s23] =	ssyncset.done $0x0  }
0x1d5: {  	s9 =	simm.s32 $0x7A10;
	[sflag:s23] =	ssyncadd.s32 $0xFFFFFB00  }
0x1d6: {  	s30 =	simm.s32 $0xCA10;
	v11 =	vld [tilespmem:s9+$0xFFFFFFF0]  }
0x1d7: {  	v12 =	vld [tilespmem:s30+$0xFFFFFFF0]  }
0x1d8: {  	v13 =	vld [tilespmem:s9+$0x0]  }
0x1d9: {  	v14 =	vld [tilespmem:s30+$0x0]  }
0x1da: {  	v15 =	vld [tilespmem:s9+$0xFFFFFFD0]  }
0x1db: {  	v16 =	vld [tilespmem:s30+$0xFFFFFFD0]  }
0x1dc: {  	v17 =	vld [tilespmem:s9+$0xFFFFFFE0]  }
0x1dd: {  	v18 =	vld [tilespmem:s30+$0xFFFFFFE0]  }
0x1de: {  	v19 =	vld [tilespmem:s9+$0xFFFFFFB0]  }
0x1df: {  	v20 =	vld [tilespmem:s30+$0xFFFFFFB0]  }
0x1e0: {  	v21 =	vld [tilespmem:s9+$0xFFFFFF90]  }
0x1e1: {  	v22 =	vld [tilespmem:s30+$0xFFFFFF90]  }
0x1e2: {  	v23 =	vld [tilespmem:s9+$0xFFFFFFA0]  }
0x1e3: {  	v24 =	vld [tilespmem:s30+$0xFFFFFFA0]  }
0x1e4: {  	v25 =	vld [tilespmem:s9+$0xFFFFFFC0]  }
0x1e5: {  	v26 =	vld [tilespmem:s30+$0xFFFFFFC0]  }
0x1e6: {  	v27 =	vld [tilespmem:s30+$0xFFFFFC10]  }
0x1e7: {  	v61 =	vld [tilespmem:s9+$0xFFFFFC90]  }
0x1e8: {  	v36 =	vld [tilespmem:s30+$0xFFFFFC90]  }
0x1e9: {  	v37 =	vld [tilespmem:s9+$0xFFFFFCA0]  }
0x1ea: {  	v32 =	vld [tilespmem:s30+$0xFFFFFCA0]  }
0x1eb: {  	v39 =	vld [tilespmem:s9+$0xFFFFFD10]  }
0x1ec: {  	v40 =	vld [tilespmem:s30+$0xFFFFFD10]  }
0x1ed: {  	v41 =	vld [tilespmem:s9+$0xFFFFFD20]  }
0x1ee: {  	v42 =	vld [tilespmem:s30+$0xFFFFFD20]  }
0x1ef: {  	v48 =	vld [tilespmem:s9+$0xFFFFFEA0];
	v11 =	vadd.f32 v12, v11  }
0x1f0: {  	v49 =	vld [tilespmem:s30+$0xFFFFFEA0];
	v12 =	vadd.f32 v14, v13;
	v14 =	vadd.f32 v16, v15  }
0x1f1: {  	v51 =	vld [tilespmem:s9+$0xFFFFFF10];
	v15 =	vadd.f32 v18, v17;
	v17 =	vadd.f32 v22, v21  }
0x1f2: {  	v52 =	vld [tilespmem:s30+$0xFFFFFF10];
	v18 =	vadd.f32 v24, v23;
	v19 =	vadd.f32 v20, v19  }
0x1f3: {  	v55 =	vld [tilespmem:s9+$0xFFFFFC10];
	v25 =	vadd.f32 v26, v25;
	v22 =	vadd.f32 v36, v61;
	v60 =	vmul.f32 $2.000000030e-01, v11  }
0x1f4: {  	v43 =	vld [tilespmem:s9+$0xFFFFFD90];
	v26 =	vadd.f32 v32, v37;
	v62 =	vmul.f32 $2.000000030e-01, v14;
	v63 =	vmul.f32 $2.000000030e-01, v12  }
0x1f5: {  	v44 =	vld [tilespmem:s9+$0xFFFFFDA0];
	v20 =	vadd.f32 v42, v41;
	v28 =	vmul.f32 $2.000000030e-01, v17;
	v29 =	vmul.f32 $2.000000030e-01, v18  }
0x1f6: {  	v46 =	vld [tilespmem:s30+$0xFFFFFE90];
	v24 =	vadd.f32 v49, v48;
	v30 =	vmul.f32 $2.000000030e-01, v19;
	v31 =	vmul.f32 $2.000000030e-01, v15  }
0x1f7: {  	v53 =	vld [tilespmem:s30+$0xFFFFFF20];
	v21 =	vadd.f32 v52, v51;
	v38 =	vmul.f32 $2.000000030e-01, v25;
	v33 =	vmul.f32 $2.000000030e-01, v22  }
0x1f8: {  	v13 =	vld [tilespmem:s9+$0xFFFFFC20];
	v27 =	vadd.f32 v27, v55;
	v50 =	vmul.f32 $2.000000030e-01, v26;
	v34 =	vmul.f32 $2.000000030e-01, v20  }
0x1f9: {  	v16 =	vld [tilespmem:s30+$0xFFFFFC20];
	v41 =	vmul.f32 $2.000000030e-01, v24;
	v17 =	vmax.f32 v17, v28;
	v18 =	vmax.f32 v18, v29  }
0x1fa: {  	v36 =	vld [tilespmem:s9+$0xFFFFFF20];
	v19 =	vmax.f32 v19, v30;
	v25 =	vmax.f32 v25, v38;
	v14 =	vmax.f32 v14, v62  }
0x1fb: {  	v61 =	vld [tilespmem:s30+$0xFFFFFCB0];
	v15 =	vmax.f32 v15, v31;
	v11 =	vmax.f32 v11, v60;
	v12 =	vmax.f32 v12, v63  }
0x1fc: {  	v42 =	vld [tilespmem:s30+$0xFFFFFCC0];
	v29 =	vadd.f32 v40, v39;
	v22 =	vmax.f32 v22, v33;
	v17 =	vmul.f32 v17, v3  }
0x1fd: {  	v37 =	vld [tilespmem:s9+$0xFFFFFD40];
	v26 =	vmax.f32 v26, v50;
	v18 =	vmul.f32 v18, v4;
	v19 =	vmul.f32 v19, v5  }
0x1fe: {  	v51 =	vld [tilespmem:s30+$0xFFFFFDC0];
	v20 =	vmax.f32 v20, v34;
	v25 =	vmul.f32 v25, v6;
	v14 =	vmul.f32 v14, v7  }
0x1ff: {  	v60 =	vld [tilespmem:s9+$0xFFFFFCB0];
	v24 =	vmax.f32 v24, v41;
	v15 =	vmul.f32 v15, v8;
	v11 =	vmul.f32 v11, v9  }
0x200: {  	v63 =	vld [tilespmem:s9+$0xFFFFFCC0];
	v12 =	vmul.f32 v12, v10;
	v13 =	vadd.f32 v16, v13;
	v22 =	vmul.f32 v22, v3  }
0x201: {  	v38 =	vld [tilespmem:s30+$0xFFFFFD40];
	v26 =	vmul.f32 v26, v4;
	v20 =	vmul.f32 v20, v4;
	v23 =	vadd.f32 v53, v36  }
0x202: {  	v50 =	vld [tilespmem:s9+$0xFFFFFDC0];
	v24 =	vmul.f32 v24, v4;
	v17 =	vadd.f32 $0.0e+00, v17;
	v18 =	vadd.f32 $0.0e+00, v18  }
0x203: {  	v16 =	vld [tilespmem:s9+$0xFFFFFE90];
	v30 =	vmul.f32 $2.000000030e-01, v29;
	v22 =	vadd.f32 $0.0e+00, v22;
	v26 =	vadd.f32 $0.0e+00, v26  }
0x204: {  	v57 =	vld [tilespmem:s30+$0xFFFFFC30];
	v47 =	vmul.f32 $2.000000030e-01, v13;
	v20 =	vadd.f32 $0.0e+00, v20;
	v24 =	vadd.f32 $0.0e+00, v24  }
0x205: {  	v48 =	vld [tilespmem:s9+$0xFFFFFDB0];
	v54 =	vmax.f32 v29, v30;
	v17 =	vadd.f32 v19, v17;
	v18 =	vadd.f32 v25, v18  }
0x206: {  	v52 =	vld [tilespmem:s9+$0xFFFFFE30];
	v13 =	vmax.f32 v13, v47;
	v28 =	vmul.f32 v54, v3;
	v25 =	vadd.f32 v61, v60  }
0x207: {  	v40 =	vld [tilespmem:s9+$0xFFFFFE40];
	v47 =	vmul.f32 $2.000000030e-01, v27;
	v31 =	vadd.f32 v42, v63;
	v55 =	vadd.f32 v38, v37  }
0x208: {  	v19 =	vld [tilespmem:s30+$0xFFFFFD90];
	v32 =	vadd.f32 v51, v50;
	v13 =	vmul.f32 v13, v4;
	v16 =	vadd.f32 v46, v16  }
0x209: {  	v54 =	vld [tilespmem:s30+$0xFFFFFE30];
	v46 =	vmul.f32 $2.000000030e-01, v23;
	v14 =	vadd.f32 v14, v17;
	v15 =	vadd.f32 v15, v18  }
0x20a: {  	v42 =	vld [tilespmem:s30+$0xFFFFFEB0];
	v27 =	vmax.f32 v27, v47;
	v53 =	vmul.f32 $2.000000030e-01, v25;
	v41 =	vmul.f32 $2.000000030e-01, v55  }
0x20b: {  	v61 =	vld [tilespmem:s9+$0xFFFFFEC0];
	v28 =	vadd.f32 $0.0e+00, v28;
	v63 =	vmul.f32 $2.000000030e-01, v32;
	v62 =	vmul.f32 $2.000000030e-01, v16  }
0x20c: {  	v17 =	vld [tilespmem:s30+$0xFFFFFDA0];
	v23 =	vmax.f32 v23, v46;
	v27 =	vmul.f32 v27, v3;
	v13 =	vadd.f32 $0.0e+00, v13  }
0x20d: {  	v18 =	vld [tilespmem:s9+$0xFFFFFE10];
	v11 =	vadd.f32 v11, v14;
	v12 =	vadd.f32 v12, v15;
	v25 =	vmax.f32 v25, v53  }
0x20e: {  	v14 =	vld [tilespmem:s30+$0xFFFFFE10];
	v36 =	vmax.f32 v55, v41;
	v32 =	vmax.f32 v32, v63;
	v23 =	vmul.f32 v23, v4  }
0x20f: {  	v15 =	vld [tilespmem:s9+$0xFFFFFE20];
	v19 =	vadd.f32 v19, v43;
	v16 =	vmax.f32 v16, v62;
	v43 =	vmul.f32 $2.000000030e-01, v21  }
0x210: {  	v55 =	vld [tilespmem:s30+$0xFFFFFC60];
	v27 =	vadd.f32 $0.0e+00, v27;
	v30 =	vadd.f32 v54, v52;
	v25 =	vmul.f32 v25, v5  }
0x211: {  	v62 =	vld [tilespmem:s30+$0xFFFFFEC0];
	v36 =	vmul.f32 v36, v6;
	v32 =	vmul.f32 v32, v6;
	v11 =	vadd.f32 v12, v11  }
0x212: {  	v54 =	vld [tilespmem:s9+$0xFFFFFC60];
	v16 =	vmul.f32 v16, v3;
	v23 =	vadd.f32 $0.0e+00, v23;
	v35 =	vmul.f32 $2.000000030e-01, v19  }
0x213: {  	v12 =	vld [tilespmem:s30+$0xFFFFFE20];
	v17 =	vadd.f32 v17, v44;
	v21 =	vmax.f32 v21, v43;
	v22 =	vadd.f32 v25, v22  }
0x214: {  	v51 =	vld [tilespmem:s30+$0xFFFFFF40];
	v20 =	vadd.f32 v36, v20;
	v45 =	vperm.xlane v11, v2;
	v21 =	vmul.f32 v21, v3  }
0x215: {  	v47 =	vld [tilespmem:s30+$0xFFFFFF30];
	v16 =	vadd.f32 $0.0e+00, v16;
	v56 =	vmul.f32 $2.000000030e-01, v17;
	v14 =	vadd.f32 v14, v18  }
0x216: {  	v18 =	vld [tilespmem:s9+$0xFFFFFC30];
	v19 =	vmax.f32 v19, v35;
	v11 =	vadd.f32 v11, v45;
	v35 =	vadd.f32 v62, v61  }
0x217: {  	v44 =	vld [tilespmem:s9+$0xFFFFFD30];
	v19 =	vmul.f32 v19, v3;
	v21 =	vadd.f32 $0.0e+00, v21;
	v25 =	vadd.f32 v55, v54  }
0x218: {  	v45 =	vld [tilespmem:s30+$0xFFFFFD30];
	v12 =	vadd.f32 v12, v15;
	v58 =	vmul.f32 $2.000000030e-01, v14;
	v17 =	vmax.f32 v17, v56  }
0x219: {  	v63 =	vld [tilespmem:s30+$0xFFFFFD50];
	(v2sf) =	vpush v11, $0x0;
	v17 =	vmul.f32 v17, v4;
	v19 =	vadd.f32 $0.0e+00, v19  }
0x21a: {  	v56 =	vld [tilespmem:s30+$0xFFFFFE40];
	(v2sf) =	vpush v11, $0x1;
	v59 =	vmul.f32 $2.000000030e-01, v12;
	v14 =	vmax.f32 v14, v58  }
0x21b: {  	v41 =	vld [tilespmem:s9+$0xFFFFFD00];
	(v2sf) =	vpush v11, $0x2;
	v14 =	vmul.f32 v14, v3;
	v18 =	vadd.f32 v57, v18  }
0x21c: {  	v52 =	vld [tilespmem:s30+$0xFFFFFC50];
	v57 =	vmul.f32 $2.000000030e-01, v31;
	v17 =	vadd.f32 $0.0e+00, v17;
	(v2sf) =	vpush v11, $0x3  }
0x21d: {  	v62 =	vld [tilespmem:s9+$0xFFFFFD50];
	v12 =	vmax.f32 v12, v59;
	v29 =	vadd.f32 v45, v44;
	v44 =	vmul.f32 $2.000000030e-01, v30  }
0x21e: {  	v58 =	vld [tilespmem:s9+$0xFFFFFEB0];
	(v2sf) =	vpush v11, $0x4;
	v12 =	vmul.f32 v12, v4;
	v49 =	vmul.f32 $2.000000030e-01, v18  }
0x21f: {  	v54 =	vld [tilespmem:s30+$0xFFFFFE50];
	v31 =	vmax.f32 v31, v57;
	v37 =	vadd.f32 v56, v40;
	(v2sf) =	vpush v11, $0x5  }
0x220: {  	v15 =	vld [tilespmem:s9+$0xFFFFFC40];
	v14 =	vadd.f32 $0.0e+00, v14;
	v56 =	vmul.f32 $2.000000030e-01, v35;
	(v2sf) =	vpush v11, $0x6  }
0x221: {  	v17 =	vadd.f32 v32, v17;
	v59 =	vmul.f32 $2.000000030e-01, v29;
	(v2sf) =	vpush v11, $0x7;
	v11 =	vld [tilespmem:s30+$0xFFFFFC40]  }
0x222: {  	v55 =	vld [tilespmem:s9+$0xFFFFFE60];
	v30 =	vmax.f32 v30, v44;
	v31 =	vmul.f32 v31, v6;
	v18 =	vmax.f32 v18, v49  }
0x223: {  	v45 =	vld [tilespmem:s9+$0xFFFFFF30];
	v50 =	vmul.f32 $2.000000030e-01, v37;
	v33 =	vadd.f32 v42, v58;
	v12 =	vadd.f32 $0.0e+00, v12  }
0x224: {  	v57 =	vld [tilespmem:s9+$0xFFFFFCD0];
	v35 =	vmax.f32 v35, v56;
	v30 =	vmul.f32 v30, v5;
	v18 =	vmul.f32 v18, v5  }
0x225: {  	v49 =	vld [tilespmem:s9+$0xFFFFFF40];
	v29 =	vmax.f32 v29, v59;
	v26 =	vadd.f32 v31, v26;
	v35 =	vmul.f32 v35, v6  }
0x226: {  	v58 =	vld [tilespmem:s30+$0xFFFFFCD0];
	v37 =	vmax.f32 v37, v50;
	v53 =	vmul.f32 $2.000000030e-01, v33;
	v11 =	vadd.f32 v11, v15  }
0x227: {  	v29 =	vmul.f32 v29, v5;
	v14 =	vadd.f32 v30, v14;
	v50 =	vmul.f32 $2.000000030e-01, v25;
	v15 =	vld [tilespmem:s30+$0xFFFFFDB0]  }
0x228: {  	v44 =	vld [tilespmem:s9+$0xFFFFFD60];
	v18 =	vadd.f32 v18, v27;
	v27 =	vadd.f32 v47, v45;
	v39 =	vmul.f32 $2.000000030e-01, v11  }
0x229: {  	v42 =	vld [tilespmem:s9+$0xFFFFFEE0];
	v37 =	vmul.f32 v37, v6;
	v24 =	vadd.f32 v35, v24;
	v33 =	vmax.f32 v33, v53  }
0x22a: {  	v28 =	vadd.f32 v29, v28;
	v40 =	vadd.f32 v51, v49;
	v49 =	vld [tilespmem:s9+$0xFFFFFDE0];
	s10 =	spop (v2sf);
	v11 =	vmax.f32 v11, v39  }
0x22b: {  	v61 =	vmul.f32 $2.000000030e-01, v27;
	v31 =	vadd.f32 v58, v57;
	v58 =	vld [tilespmem:s30+$0xFFFFFE60];
	s11 =	spop (v2sf);
	v11 =	vmul.f32 v11, v6  }
0x22c: {  	v25 =	vmax.f32 v25, v50;
	v33 =	vmul.f32 v33, v5;
	v51 =	vld [tilespmem:s30+$0xFFFFFDE0];
	s12 =	spop (v2sf);
	v15 =	vadd.f32 v15, v48  }
0x22d: {  	v25 =	vmul.f32 v25, v8;
	v27 =	vmax.f32 v27, v61;
	s13 =	spop (v2sf);
	v11 =	vadd.f32 v11, v13;
	v13 =	vld [tilespmem:s9+$0xFFFFFC50]  }
0x22e: {  	v59 =	vld [tilespmem:s9+$0xFFFFFCE0];
	v12 =	vadd.f32 v37, v12;
	v27 =	vmul.f32 v27, v5;
	s24 =	spop (v2sf);
	v60 =	vmul.f32 $2.000000030e-01, v15  }
0x22f: {  	v45 =	vld [tilespmem:s30+$0xFFFFFD60];
	v57 =	vadd.f32 v63, v62;
	v16 =	vadd.f32 v33, v16;
	v53 =	vmul.f32 $2.000000030e-01, v31;
	s2 =	sadd.f32 s11, s10;
	s26 =	spop (v2sf)  }
0x230: {  	v21 =	vadd.f32 v27, v21;
	v27 =	vadd.f32 v58, v55;
	s5 =	sadd.f32 s13, s12;
	s31 =	spop (v2sf);
	v15 =	vmax.f32 v15, v60;
	v60 =	vld [tilespmem:s30+$0xFFFFFCE0]  }
0x231: {  	v62 =	vld [tilespmem:s30+$0xFFFFFED0];
	v61 =	vmul.f32 $2.000000030e-01, v57;
	v37 =	vadd.f32 v51, v49;
	s3 =	sadd.f32 s26, s24;
	s8 =	spop (v2sf);
	v15 =	vmul.f32 v15, v5  }
0x232: {  	v55 =	vmul.f32 $2.000000030e-01, v27;
	v11 =	vadd.f32 v25, v11;
	s6 =	sadd.f32 s8, s31;
	v13 =	vadd.f32 v52, v13;
	v52 =	vld [tilespmem:s9+$0xFFFFFE50]  }
0x233: {  	v49 =	vld [tilespmem:s9+$0xFFFFFF60];
	s2 =	sadd.f32 s5, s2;
	v25 =	vmax.f32 v57, v61;
	v15 =	vadd.f32 v15, v19;
	v19 =	vmul.f32 $2.000000030e-01, v40  }
0x234: {  	v56 =	vmax.f32 v31, v53;
	v57 =	vld [tilespmem:s9+$0xFFFFFC80];
	v25 =	vmul.f32 v25, v7;
	s3 =	sadd.f32 s6, s3;
	v47 =	vmul.f32 $2.000000030e-01, v13  }
0x235: {  	v27 =	vmax.f32 v27, v55;
	v19 =	vmax.f32 v40, v19;
	v38 =	vadd.f32 v60, v59;
	v60 =	vld [tilespmem:s9+$0xFFFFFED0]  }
0x236: {  	v25 =	vadd.f32 v25, v28;
	s2 =	sadd.f32 s3, s2;
	v19 =	vmul.f32 v19, v6;
	v13 =	vmax.f32 v13, v47;
	v47 =	vld [tilespmem:s30+$0xFFFFFF50]  }
0x237: {  	v59 =	vmul.f32 $2.000000030e-01, v38;
	v13 =	vmul.f32 v13, v7;
	v33 =	vadd.f32 v54, v52;
	v54 =	vld [tilespmem:s9+$0xFFFFFC70]  }
0x238: {  	v46 =	vmov s2;
	v19 =	vadd.f32 v19, v23;
	v23 =	vmul.f32 v56, v7;
	v56 =	vld [tilespmem:s30+$0xFFFFFC70]  }
0x239: {  	v48 =	vmul.f32 $1.442695020e+00, v46;
	v46 =	vld [tilespmem:s9+$0xFFFFFDD0];
	v36 =	vmax.f32 v38, v59;
	v13 =	vadd.f32 v13, v18  }
0x23a: {  	v18 =	vadd.f32 v45, v44;
	v22 =	vadd.f32 v23, v22;
	v43 =	vmul.f32 v36, v8;
	v44 =	vld [tilespmem:s30+$0xFFFFFEE0]  }
0x23b: {  	v53 =	vmul.f32 $2.000000030e-01, v33;
	v29 =	vadd.f32 v62, v60;
	v60 =	vmul.f32 v27, v8;
	v62 =	vld [tilespmem:s9+$0xFFFFFCF0]  }
0x23c: {  	v34 =	vbroadcast v48, $0x0;
	v48 =	vld [tilespmem:s30+$0xFFFFFDD0];
	v63 =	vmul.f32 $2.000000030e-01, v18;
	v23 =	vadd.f32 v43, v26  }
0x23d: {  	v33 =	vmax.f32 v33, v53;
	v58 =	vmul.f32 $2.000000030e-01, v29;
	v12 =	vadd.f32 v60, v12;
	v43 =	vld [tilespmem:s30+$0xFFFFFD00]  }
0x23e: {  	v33 =	vmul.f32 v33, v7;
	v32 =	vadd.f32 v56, v54;
	v56 =	vld [tilespmem:s9+$0xFFFFFDF0];
	v18 =	vmax.f32 v18, v63  }
0x23f: {  	(erf) = vpow2.f32 v34;
	v28 =	vmax.f32 v29, v58;
	v63 =	vld [tilespmem:s30+$0xFFFFFCF0];
	v18 =	vmul.f32 v18, v8  }
0x240: {  	v58 =	vld [tilespmem:s30+$0xFFFFFDF0];
	v31 =	vadd.f32 v44, v42;
	v14 =	vadd.f32 v33, v14;
	v40 =	vmul.f32 v28, v7  }
0x241: {  	v59 =	vld [tilespmem:s30+$0xFFFFFC80];
	v30 =	vadd.f32 v48, v46;
	v48 =	vmul.f32 $2.000000030e-01, v37;
	v18 =	vadd.f32 v18, v20  }
0x242: {  	v46 =	vld [tilespmem:s9+$0xFFFFFF50];
	v61 =	vmul.f32 $2.000000030e-01, v31;
	v16 =	vadd.f32 v40, v16;
	v55 =	vadd.f32 v43, v41  }
0x243: {  	v51 =	vld [tilespmem:s30+$0xFFFFFF60];
	v45 =	vmul.f32 $2.000000030e-01, v30;
	v52 =	vmax.f32 v37, v48;
	v48 =	vmul.f32 $2.000000030e-01, v32  }
0x244: {  	v20 =	vmul.f32 v52, v8;
	v27 =	vmax.f32 v31, v61;
	v29 =	vadd.f32 v63, v62  }
0x245: {  	v54 =	vld [tilespmem:s30+$0xFFFFFD80];
	v28 =	vadd.f32 v58, v56;
	v30 =	vmax.f32 v30, v45;
	v44 =	vmul.f32 v27, v8  }
0x246: {  	v40 =	vld [tilespmem:s9+$0xFFFFFE80];
	v45 =	vadd.f32 v59, v57;
	v53 =	vmax.f32 v32, v48;
	v59 =	vmul.f32 $2.000000030e-01, v55  }
0x247: {  	v41 =	vld [tilespmem:s30+$0xFFFFFE80];
	v50 =	vmul.f32 v30, v7;
	v17 =	vadd.f32 v20, v17;
	v26 =	vadd.f32 v47, v46  }
0x248: {  	v52 =	vld [tilespmem:s9+$0xFFFFFD80];
	v30 =	vadd.f32 v51, v49;
	v31 =	vmul.f32 v53, v9;
	v57 =	vmul.f32 $2.000000030e-01, v29  }
0x249: {  	v46 =	vld [tilespmem:s9+$0xFFFFFD70];
	v43 =	vmul.f32 $2.000000030e-01, v28;
	v20 =	vadd.f32 v44, v24;
	v51 =	vmul.f32 $2.000000030e-01, v45  }
0x24a: {  	v49 =	vld [tilespmem:s30+$0xFFFFFD70];
	v27 =	vmax.f32 v55, v59;
	v15 =	vadd.f32 v50, v15;
	v42 =	vmul.f32 $2.000000030e-01, v26  }
0x24b: {  	v47 =	vmul.f32 $2.000000030e-01, v30;
	v13 =	vadd.f32 v31, v13;
	v24 =	vmax.f32 v29, v57  }
0x24c: {  	v27 =	vmul.f32 v27, v10;
	v24 =	vmul.f32 v24, v9;
	v26 =	vmax.f32 v26, v42  }
0x24d: {  	v61 =	vld [tilespmem:s9+$0xFFFFFE00];
	v63 =	vadd.f32 v54, v52;
	v50 =	vmul.f32 v26, v7;
	v26 =	vmax.f32 v45, v51  }
0x24e: {  	v62 =	vld [tilespmem:s30+$0xFFFFFE00];
	v30 =	vmax.f32 v30, v47;
	v23 =	vadd.f32 v27, v23;
	v26 =	vmul.f32 v26, v10  }
0x24f: {  	v37 =	vld [tilespmem:s9+$0xFFFFFE70];
	v47 =	vmax.f32 v28, v43;
	v27 =	vadd.f32 v41, v40;
	v60 =	vadd.f32 v49, v46  }
0x250: {  	v48 =	vld [tilespmem:s30+$0xFFFFFEF0];
	v38 =	vmul.f32 $2.000000030e-01, v63;
	v22 =	vadd.f32 v24, v22;
	v11 =	vadd.f32 v26, v11  }
0x251: {  	v52 =	vld [tilespmem:s30+$0xFFFFFF00];
	v30 =	vmul.f32 v30, v8;
	v21 =	vadd.f32 v50, v21;
	v36 =	vmul.f32 $2.000000030e-01, v60  }
0x252: {  	v45 =	vld [tilespmem:s9+$0xFFFFFEF0];
	v42 =	vmax.f32 v63, v38;
	v22 =	vadd.f32 v23, v22;
	v11 =	vadd.f32 v11, v13  }
0x253: {  	v19 =	vadd.f32 v30, v19;
	v26 =	vadd.f32 v62, v61;
	v30 =	vmul.f32 v42, v10;
	v13 =	vld [tilespmem:s30+$0xFFFFFE70]  }
0x254: {  	v50 =	vld [tilespmem:s9+$0xFFFFFF00];
	v39 =	vmax.f32 v60, v36;
	v51 =	vperm.xlane v22, v2;
	v44 =	vperm.xlane v11, v2  }
0x255: {  	v56 =	vmul.f32 $2.000000030e-01, v27;
	v24 =	vmul.f32 v39, v9;
	v18 =	vadd.f32 v30, v18  }
0x256: {  	v49 =	vmul.f32 $2.000000030e-01, v26;
	v22 =	vadd.f32 v22, v51;
	v11 =	vadd.f32 v11, v44  }
0x257: {  	v46 =	vadd.f32 v24, v25;
	v24 =	vmul.f32 v47, v9;
	v25 =	vadd.f32 v48, v45  }
0x258: {  	v54 =	vmax.f32 v26, v49;
	v13 =	vadd.f32 v13, v37;
	(v2sf) =	vpush v11, $0x0  }
0x259: {  	v30 =	vadd.f32 v52, v50;
	v23 =	vmul.f32 v54, v10;
	(v2sf) =	vpush v11, $0x1  }
0x25a: {  	v55 =	vld [tilespmem:s9+$0xFFFFFF70];
	v18 =	vadd.f32 v18, v46;
	v53 =	vmul.f32 $2.000000030e-01, v13;
	(v2sf) =	vpush v11, $0x2  }
0x25b: {  	v57 =	vld [tilespmem:s30+$0xFFFFFF70];
	v26 =	vmax.f32 v27, v56;
	v15 =	vadd.f32 v24, v15;
	(v2sf) =	vpush v11, $0x3  }
0x25c: {  	v59 =	vld [tilespmem:s9+$0xFFFFFF80];
	v17 =	vadd.f32 v23, v17;
	v13 =	vmax.f32 v13, v53;
	(v2sf) =	vpush v11, $0x4  }
0x25d: {  	v60 =	vld [tilespmem:s30+$0xFFFFFF80];
	v61 =	vmul.f32 $2.000000030e-01, v30;
	v13 =	vmul.f32 v13, v9;
	(v2sf) =	vpush v11, $0x5  }
0x25e: {  	v15 =	vadd.f32 v17, v15;
	v17 =	vmul.f32 $2.000000030e-01, v25;
	(v2sf) =	vpush v11, $0x6  }
0x25f: {  	v13 =	vadd.f32 v13, v14;
	v14 =	vmul.f32 v26, v10;
	(v2sf) =	vpush v11, $0x7  }
0x260: {  	v11 =	vmax.f32 v25, v17;
	v17 =	vadd.f32 v57, v55;
	(v2sf) =	vpush v22, $0x0  }
0x261: {  	v58 =	vperm.xlane v18, v2;
	v12 =	vadd.f32 v14, v12;
	(v2sf) =	vpush v22, $0x1  }
0x262: {  	v11 =	vmul.f32 v11, v9;
	v14 =	vadd.f32 v60, v59;
	(v2sf) =	vpush v22, $0x2  }
0x263: {  	v62 =	vmax.f32 v30, v61;
	v12 =	vadd.f32 v12, v13;
	(v2sf) =	vpush v22, $0x3  }
0x264: {  	v13 =	vmul.f32 $2.000000030e-01, v17;
	v11 =	vadd.f32 v11, v16;
	(v2sf) =	vpush v22, $0x4  }
0x265: {  	v16 =	vmul.f32 v62, v10;
	v63 =	vmul.f32 $2.000000030e-01, v14;
	(v2sf) =	vpush v22, $0x5  }
0x266: {  	v13 =	vmax.f32 v17, v13;
	v17 =	vadd.f32 v18, v58;
	(v2sf) =	vpush v22, $0x6  }
0x267: {  	v14 =	vmax.f32 v14, v63;
	v13 =	vmul.f32 v13, v9;
	s9 =	spop (v2sf);
	(v2sf) =	vpush v22, $0x7  }
0x268: {  	v16 =	vadd.f32 v16, v20;
	v14 =	vmul.f32 v14, v10;
	s10 =	spop (v2sf);
	(v2sf) =	vpush v17, $0x0  }
0x269: {  	v13 =	vadd.f32 v13, v21;
	s11 =	spop (v2sf);
	(v2sf) =	vpush v17, $0x1  }
0x26a: {  	v18 =	vperm.xlane v15, v2;
	v14 =	vadd.f32 v14, v19;
	s12 =	spop (v2sf);
	(v2sf) =	vpush v17, $0x2  }
0x26b: {  	v11 =	vadd.f32 v16, v11;
	v19 =	vperm.xlane v12, v2;
	s13 =	spop (v2sf);
	(v2sf) =	vpush v17, $0x3  }
0x26c: {  	s0 =	sadd.f32 s10, s9;
	v13 =	vadd.f32 v14, v13;
	s24 =	spop (v2sf);
	(v2sf) =	vpush v17, $0x4  }
0x26d: {  	s2 =	simm.s32 $0xF390;
	v16 =	vadd.f32 v15, v18;
	v14 =	vperm.xlane v11, v2;
	s3 =	sadd.f32 s12, s11;
	s26 =	spop (v2sf);
	(v2sf) =	vpush v17, $0x5  }
0x26e: {  	v15 =	vadd.f32 v12, v19;
	v18 =	vperm.xlane v13, v2;
	s12 =	simm.s32 $0x0;
	s7 =	sadd.f32 s24, s13;
	s31 =	spop (v2sf);
	(v2sf) =	vpush v17, $0x6  }
0x26f: {  	v19 =	vpop (erf);
	v12 =	vadd.f32 v11, v14;
	s0 =	sadd.f32 s3, s0;
	s3 =	simm.s32 $0xF390;
	s9 =	spop (v2sf);
	(v2sf) =	vpush v17, $0x7  }
0x270: {  	[tilespmem:s2+$0x0] =	vst v19;
	v11 =	vadd.f32 v13, v18;
	s8 =	sadd.f32 s31, s26;
	s26 =	simm.s32 $0x7E10;
	s24 =	spop (v2sf);
	(v2sf) =	vpush v16, $0x0  }
.LBB2_7:
0x271: {  	v13 =	vld [tilespmem:s26+$0xFFFFFFF0];
	s5 =	sadd.f32 s24, s9;
	s30 =	sadd.s32 $0x400, s30;
	s6 =	spop (v2sf);
	(v2sf) =	vpush v16, $0x1  }
0x272: {  	s7 =	sadd.f32 s8, s7;
	v14 =	vld [tilespmem:s30+$0xFFFFFFF0];
	s8 =	spop (v2sf);
	(v2sf) =	vpush v16, $0x2  }
0x273: {  	v17 =	vld [tilespmem:s26+$0x0];
	s6 =	sadd.f32 s8, s6;
	s8 =	spop (v2sf);
	(v2sf) =	vpush v16, $0x3  }
0x274: {  	s0 =	sadd.f32 s7, s0;
	v18 =	vld [tilespmem:s30+$0x0];
	s7 =	spop (v2sf);
	(v2sf) =	vpush v16, $0x4  }
0x275: {  	v19 =	vld [tilespmem:s26+$0xFFFFFFD0];
	s7 =	sadd.f32 s7, s8;
	s8 =	spop (v2sf);
	(v2sf) =	vpush v16, $0x5  }
0x276: {  	v21 =	vmov s0;
	s0 =	sadd.f32 s6, s5;
	v20 =	vld [tilespmem:s30+$0xFFFFFFD0];
	s5 =	spop (v2sf);
	(v2sf) =	vpush v16, $0x6  }
0x277: {  	v21 =	vmul.f32 $1.442695020e+00, v21;
	v22 =	vld [tilespmem:s26+$0xFFFFFFE0];
	s5 =	sadd.f32 s5, s8;
	s6 =	spop (v2sf);
	(v2sf) =	vpush v16, $0x7  }
0x278: {  	v16 =	vld [tilespmem:s30+$0xFFFFFFE0];
	s8 =	spop (v2sf);
	(v2sf) =	vpush v15, $0x0  }
0x279: {  	v21 =	vbroadcast v21, $0x0;
	v23 =	vld [tilespmem:s26+$0xFFFFFFB0];
	s6 =	sadd.f32 s8, s6;
	s8 =	spop (v2sf);
	(v2sf) =	vpush v15, $0x1  }
0x27a: {  	s5 =	sadd.f32 s5, s7;
	v24 =	vld [tilespmem:s30+$0xFFFFFFB0];
	s7 =	spop (v2sf);
	(v2sf) =	vpush v15, $0x2  }
0x27b: {  	v25 =	vld [tilespmem:s26+$0xFFFFFF90];
	s7 =	sadd.f32 s7, s8;
	(erf) = vpow2.f32 v21;
	s8 =	spop (v2sf);
	(v2sf) =	vpush v15, $0x3  }
0x27c: {  	s0 =	sadd.f32 s5, s0;
	v21 =	vld [tilespmem:s30+$0xFFFFFF90];
	s5 =	spop (v2sf);
	(v2sf) =	vpush v15, $0x4  }
0x27d: {  	v26 =	vld [tilespmem:s26+$0xFFFFFFA0];
	s5 =	sadd.f32 s5, s8;
	s8 =	spop (v2sf);
	(v2sf) =	vpush v15, $0x5  }
0x27e: {  	v28 =	vmov s0;
	s0 =	sadd.f32 s7, s6;
	v27 =	vld [tilespmem:s30+$0xFFFFFFA0];
	s6 =	spop (v2sf);
	(v2sf) =	vpush v15, $0x6  }
0x27f: {  	v28 =	vmul.f32 $1.442695020e+00, v28;
	v29 =	vld [tilespmem:s26+$0xFFFFFFC0];
	s6 =	sadd.f32 s6, s8;
	s7 =	spop (v2sf);
	(v2sf) =	vpush v15, $0x7  }
0x280: {  	v30 =	vld [tilespmem:s30+$0xFFFFFFC0];
	s8 =	spop (v2sf);
	(v2sf) =	vpush v12, $0x0  }
0x281: {  	v14 =	vadd.f32 v14, v13;
	v17 =	vadd.f32 v18, v17;
	v13 =	vbroadcast v28, $0x0;
	v15 =	vld [tilespmem:s30+$0xFFFFFC10];
	s8 =	sadd.f32 s8, s7;
	s7 =	spop (v2sf)  }
0x282: {  	v19 =	vadd.f32 v20, v19;
	v16 =	vadd.f32 v16, v22;
	s5 =	sadd.f32 s6, s5;
	v18 =	vld [tilespmem:s26+$0xFFFFFC20];
	s6 =	spop (v2sf)  }
0x283: {  	v21 =	vadd.f32 v21, v25;
	v25 =	vmul.f32 $2.000000030e-01, v14;
	v20 =	vld [tilespmem:s30+$0xFFFFFC20];
	v22 =	vadd.f32 v27, v26;
	s6 =	sadd.f32 s6, s7;
	s9 =	spop (v2sf)  }
0x284: {  	v23 =	vadd.f32 v24, v23;
	v24 =	vmul.f32 $2.000000030e-01, v19;
	v27 =	vmul.f32 $2.000000030e-01, v17;
	s7 =	sadd.f32 s5, s0;
	v26 =	vld [tilespmem:s26+$0xFFFFFC90];
	v28 =	vpop (erf);
	s0 =	spop (v2sf)  }
0x285: {  	s12 =	sadd.s32 $0x8, s12;
	v32 =	vmul.f32 $2.000000030e-01, v21;
	v31 =	vld [tilespmem:s30+$0xFFFFFC90];
	v33 =	vmul.f32 $2.000000030e-01, v22;
	v29 =	vadd.f32 v30, v29;
	[tilespmem:s2+$0xFFFFFF90] =	vst v28;
	s0 =	sadd.f32 s0, s9;
	s5 =	spop (v2sf)  }
0x286: {  	p0 =	slt.u32 s12, $0x48;
	v34 =	vmul.f32 $2.000000030e-01, v16;
	v30 =	vmul.f32 $2.000000030e-01, v23;
	s6 =	sadd.f32 s6, s8;
	v28 =	vld [tilespmem:s26+$0xFFFFFCA0];
	s8 =	spop (v2sf);
	(v2sf) =	vpush v12, $0x1  }
0x287: {  	v21 =	vmax.f32 v21, v32;
	v35 =	vld [tilespmem:s30+$0xFFFFFCA0];
	v22 =	vmax.f32 v22, v33;
	v32 =	vmul.f32 $2.000000030e-01, v29;
	s5 =	sadd.f32 s8, s5;
	s8 =	spop (v2sf)  }
0x288: {  	v21 =	vmul.f32 v21, v3;
	v23 =	vmax.f32 v23, v30;
	v33 =	vld [tilespmem:s26+$0xFFFFFD10];
	v22 =	vmul.f32 v22, v4;
	s9 =	spop (v2sf)  }
0x289: {  	v19 =	vmax.f32 v19, v24;
	v23 =	vmul.f32 v23, v5;
	v30 =	vld [tilespmem:s30+$0xFFFFFD10];
	v29 =	vmax.f32 v29, v32;
	s8 =	sadd.f32 s9, s8;
	s9 =	spop (v2sf)  }
0x28a: {  	v21 =	vadd.f32 $0.0e+00, v21;
	s0 =	sadd.f32 s5, s0;
	v24 =	vld [tilespmem:s26+$0xFFFFFD20];
	v22 =	vadd.f32 $0.0e+00, v22;
	v29 =	vmul.f32 v29, v6;
	s5 =	spop (v2sf)  }
0x28b: {  	v16 =	vmax.f32 v16, v34;
	v19 =	vmul.f32 v19, v7;
	v14 =	vmax.f32 v14, v25;
	v32 =	vld [tilespmem:s30+$0xFFFFFD20];
	s5 =	sadd.f32 s5, s9;
	s9 =	spop (v2sf)  }
0x28c: {  	v16 =	vmul.f32 v16, v8;
	v21 =	vadd.f32 v23, v21;
	s0 =	sadd.f32 s0, s6;
	v25 =	vld [tilespmem:s26+$0xFFFFFD90];
	v22 =	vadd.f32 v29, v22;
	s6 =	spop (v2sf)  }
0x28d: {  	v14 =	vmul.f32 v14, v9;
	v17 =	vmax.f32 v17, v27;
	v18 =	vadd.f32 v20, v18;
	v20 =	vld [tilespmem:s30+$0xFFFFFD90];
	s6 =	sadd.f32 s6, s9;
	s9 =	spop (v2sf)  }
0x28e: {  	v17 =	vmul.f32 v17, v10;
	v19 =	vadd.f32 v19, v21;
	s5 =	sadd.f32 s5, s8;
	v23 =	vld [tilespmem:s26+$0xFFFFFDA0];
	v16 =	vadd.f32 v16, v22;
	s8 =	spop (v2sf)  }
0x28f: {  	v21 =	vmul.f32 $2.000000030e-01, v18;
	v22 =	vadd.f32 v31, v26;
	v26 =	vadd.f32 v35, v28;
	v27 =	vld [tilespmem:s30+$0xFFFFFDA0];
	s8 =	sadd.f32 s8, s9;
	s9 =	spop (v2sf)  }
0x290: {  	v19 =	vadd.f32 v14, v19;
	v14 =	vmov s7;
	v28 =	vld [tilespmem:s26+$0xFFFFFE10];
	v16 =	vadd.f32 v17, v16  }
0x291: {  	v29 =	vadd.f32 v30, v33;
	v17 =	vmul.f32 $2.000000030e-01, v22;
	v24 =	vadd.f32 v32, v24;
	v30 =	vld [tilespmem:s30+$0xFFFFFE10];
	s6 =	sadd.f32 s8, s6  }
0x292: {  	v31 =	vmul.f32 $2.000000030e-01, v26;
	v20 =	vadd.f32 v20, v25;
	v25 =	vld [tilespmem:s26+$0xFFFFFE20];
	v16 =	vadd.f32 v16, v19  }
0x293: {  	v18 =	vmax.f32 v18, v21;
	v19 =	vmul.f32 $2.000000030e-01, v29;
	v21 =	vmul.f32 $2.000000030e-01, v24;
	v32 =	vld [tilespmem:s30+$0xFFFFFE20];
	s7 =	sadd.f32 s6, s5  }
0x294: {  	v33 =	vmul.f32 $2.000000030e-01, v20;
	v23 =	vadd.f32 v27, v23;
	v27 =	vld [tilespmem:s26+$0xFFFFFE90];
	v34 =	vperm.xlane v16, v2  }
0x295: {  	v17 =	vmax.f32 v22, v17;
	v22 =	vmax.f32 v26, v31;
	v19 =	vmax.f32 v29, v19;
	v26 =	vld [tilespmem:s30+$0xFFFFFE90];
	s5 =	spop (v2sf)  }
0x296: {  	v29 =	vmul.f32 $2.000000030e-01, v23;
	v28 =	vadd.f32 v30, v28;
	v30 =	vld [tilespmem:s26+$0xFFFFFEA0];
	v16 =	vadd.f32 v16, v34;
	s8 =	sadd.f32 s5, s9  }
0x297: {  	v18 =	vmul.f32 v18, v4;
	v21 =	vmax.f32 v24, v21;
	v20 =	vmax.f32 v20, v33;
	v24 =	vld [tilespmem:s30+$0xFFFFFEA0]  }
0x298: {  	v31 =	vmul.f32 $2.000000030e-01, v28;
	v25 =	vadd.f32 v32, v25;
	v32 =	vld [tilespmem:s26+$0xFFFFFF10];
	(v2sf) =	vpush v16, $0x0  }
0x299: {  	v17 =	vmul.f32 v17, v3;
	v23 =	vmax.f32 v23, v29;
	v29 =	vld [tilespmem:s30+$0xFFFFFF10];
	(v2sf) =	vpush v16, $0x1  }
0x29a: {  	v33 =	vmul.f32 $2.000000030e-01, v25;
	v26 =	vadd.f32 v26, v27;
	v27 =	vld [tilespmem:s26+$0xFFFFFF20];
	(v2sf) =	vpush v16, $0x2  }
0x29b: {  	v22 =	vmul.f32 v22, v4;
	v28 =	vmax.f32 v28, v31;
	v31 =	vld [tilespmem:s30+$0xFFFFFF20];
	(v2sf) =	vpush v16, $0x3  }
0x29c: {  	v34 =	vld [tilespmem:s26+$0xFFFFFC10];
	v35 =	vmul.f32 $2.000000030e-01, v26;
	v24 =	vadd.f32 v24, v30;
	(v2sf) =	vpush v16, $0x4  }
0x29d: {  	v19 =	vmul.f32 v19, v3;
	v25 =	vmax.f32 v25, v33;
	v30 =	vld [tilespmem:s26+$0xFFFFFC30];
	(v2sf) =	vpush v16, $0x5  }
0x29e: {  	v33 =	vld [tilespmem:s30+$0xFFFFFC30];
	v36 =	vmul.f32 $2.000000030e-01, v24;
	v29 =	vadd.f32 v29, v32;
	(v2sf) =	vpush v16, $0x6  }
0x29f: {  	v21 =	vmul.f32 v21, v4;
	v26 =	vmax.f32 v26, v35;
	v32 =	vld [tilespmem:s26+$0xFFFFFC40];
	(v2sf) =	vpush v16, $0x7  }
0x2a0: {  	v16 =	vld [tilespmem:s30+$0xFFFFFC40];
	v24 =	vmax.f32 v24, v36;
	v35 =	vmul.f32 $2.000000030e-01, v29;
	v27 =	vadd.f32 v31, v27  }
0x2a1: {  	v20 =	vmul.f32 v20, v3;
	v23 =	vmul.f32 v23, v4;
	v15 =	vadd.f32 v15, v34;
	v31 =	vld [tilespmem:s26+$0xFFFFFCB0]  }
0x2a2: {  	v28 =	vmul.f32 v28, v3;
	v34 =	vld [tilespmem:s30+$0xFFFFFCB0];
	v29 =	vmax.f32 v29, v35;
	v35 =	vmul.f32 $2.000000030e-01, v27  }
0x2a3: {  	v25 =	vmul.f32 v25, v4;
	v36 =	vmul.f32 $2.000000030e-01, v15;
	v30 =	vadd.f32 v33, v30;
	v33 =	vld [tilespmem:s26+$0xFFFFFCC0]  }
0x2a4: {  	v26 =	vmul.f32 v26, v3;
	v24 =	vmul.f32 v24, v4;
	v37 =	vld [tilespmem:s30+$0xFFFFFCC0];
	v27 =	vmax.f32 v27, v35  }
0x2a5: {  	v15 =	vmax.f32 v15, v36;
	v35 =	vmul.f32 $2.000000030e-01, v30;
	v16 =	vadd.f32 v16, v32;
	v32 =	vld [tilespmem:s26+$0xFFFFFD30]  }
0x2a6: {  	v18 =	vadd.f32 $0.0e+00, v18;
	v29 =	vmul.f32 v29, v3;
	v15 =	vmul.f32 v15, v3;
	v36 =	vld [tilespmem:s30+$0xFFFFFD30]  }
0x2a7: {  	v27 =	vmul.f32 v27, v4;
	v38 =	vmul.f32 $2.000000030e-01, v16;
	v31 =	vadd.f32 v34, v31;
	v34 =	vld [tilespmem:s26+$0xFFFFFD40];
	s5 =	spop (v2sf)  }
0x2a8: {  	v17 =	vadd.f32 $0.0e+00, v17;
	v30 =	vmax.f32 v30, v35;
	v15 =	vadd.f32 $0.0e+00, v15;
	v35 =	vld [tilespmem:s30+$0xFFFFFD40];
	s6 =	spop (v2sf)  }
0x2a9: {  	v16 =	vmax.f32 v16, v38;
	v38 =	vmul.f32 $2.000000030e-01, v31;
	v33 =	vadd.f32 v37, v33;
	v37 =	vld [tilespmem:s26+$0xFFFFFDB0];
	s9 =	spop (v2sf)  }
0x2aa: {  	v22 =	vadd.f32 $0.0e+00, v22;
	v19 =	vadd.f32 $0.0e+00, v19;
	v30 =	vmul.f32 v30, v5;
	v39 =	vld [tilespmem:s30+$0xFFFFFDB0];
	s10 =	spop (v2sf)  }
0x2ab: {  	v31 =	vmax.f32 v31, v38;
	v38 =	vmul.f32 $2.000000030e-01, v33;
	v32 =	vadd.f32 v36, v32;
	v36 =	vld [tilespmem:s26+$0xFFFFFDC0];
	s11 =	spop (v2sf)  }
0x2ac: {  	v21 =	vadd.f32 $0.0e+00, v21;
	v20 =	vadd.f32 $0.0e+00, v20;
	s5 =	sadd.f32 s6, s5;
	v16 =	vmul.f32 v16, v6;
	v40 =	vld [tilespmem:s30+$0xFFFFFDC0];
	s6 =	spop (v2sf)  }
0x2ad: {  	s9 =	sadd.f32 s10, s9;
	v33 =	vmax.f32 v33, v38;
	v38 =	vmul.f32 $2.000000030e-01, v32;
	v34 =	vadd.f32 v35, v34;
	v35 =	vld [tilespmem:s26+$0xFFFFFE30];
	s10 =	spop (v2sf)  }
0x2ae: {  	v23 =	vadd.f32 $0.0e+00, v23;
	v28 =	vadd.f32 $0.0e+00, v28;
	v31 =	vmul.f32 v31, v5;
	s6 =	sadd.f32 s6, s11;
	v41 =	vld [tilespmem:s30+$0xFFFFFE30];
	s11 =	spop (v2sf)  }
0x2af: {  	v32 =	vmax.f32 v32, v38;
	v38 =	vmul.f32 $2.000000030e-01, v34;
	v37 =	vadd.f32 v39, v37;
	v39 =	vld [tilespmem:s26+$0xFFFFFE40];
	s10 =	sadd.f32 s11, s10  }
0x2b0: {  	v25 =	vadd.f32 $0.0e+00, v25;
	v26 =	vadd.f32 $0.0e+00, v26;
	s5 =	sadd.f32 s9, s5;
	v33 =	vmul.f32 v33, v6;
	v42 =	vld [tilespmem:s30+$0xFFFFFE40]  }
0x2b1: {  	v34 =	vmax.f32 v34, v38;
	v38 =	vmul.f32 $2.000000030e-01, v37;
	v36 =	vadd.f32 v40, v36;
	v40 =	vld [tilespmem:s26+$0xFFFFFEB0];
	s6 =	sadd.f32 s10, s6  }
0x2b2: {  	v24 =	vadd.f32 $0.0e+00, v24;
	v29 =	vadd.f32 $0.0e+00, v29;
	v32 =	vmul.f32 v32, v5;
	v43 =	vld [tilespmem:s30+$0xFFFFFEB0]  }
0x2b3: {  	v37 =	vmax.f32 v37, v38;
	v38 =	vmul.f32 $2.000000030e-01, v36;
	v35 =	vadd.f32 v41, v35;
	v41 =	vld [tilespmem:s26+$0xFFFFFEC0];
	s5 =	sadd.f32 s6, s5  }
0x2b4: {  	v27 =	vadd.f32 $0.0e+00, v27;
	v34 =	vmul.f32 v34, v6;
	v37 =	vmul.f32 v37, v5;
	v44 =	vld [tilespmem:s30+$0xFFFFFEC0]  }
0x2b5: {  	v45 =	vmul.f32 $2.000000030e-01, v35;
	v39 =	vadd.f32 v42, v39;
	v42 =	vld [tilespmem:s26+$0xFFFFFF30];
	v46 =	vmov s5  }
0x2b6: {  	v15 =	vadd.f32 v30, v15;
	v30 =	vmax.f32 v36, v38;
	v36 =	vld [tilespmem:s30+$0xFFFFFF30];
	v38 =	vmul.f32 $1.442695020e+00, v46  }
0x2b7: {  	v35 =	vmax.f32 v35, v45;
	v45 =	vmul.f32 $2.000000030e-01, v39;
	v40 =	vadd.f32 v43, v40;
	v43 =	vld [tilespmem:s26+$0xFFFFFF40]  }
0x2b8: {  	v16 =	vadd.f32 v16, v18;
	v18 =	vmul.f32 v30, v6;
	v30 =	vld [tilespmem:s30+$0xFFFFFF40];
	v38 =	vbroadcast v38, $0x0  }
0x2b9: {  	v46 =	vld [tilespmem:s26+$0xFFFFFC50];
	v39 =	vmax.f32 v39, v45;
	v45 =	vmul.f32 $2.000000030e-01, v40;
	v41 =	vadd.f32 v44, v41  }
0x2ba: {  	v17 =	vadd.f32 v31, v17;
	v31 =	vmul.f32 v35, v5;
	v44 =	vld [tilespmem:s30+$0xFFFFFC50];
	(erf) = vpow2.f32 v38  }
0x2bb: {  	v35 =	vld [tilespmem:s26+$0xFFFFFC60];
	v38 =	vmax.f32 v40, v45;
	v40 =	vmul.f32 $2.000000030e-01, v41;
	v36 =	vadd.f32 v36, v42  }
0x2bc: {  	v22 =	vadd.f32 v33, v22;
	v33 =	vmul.f32 v39, v6;
	v42 =	vld [tilespmem:s30+$0xFFFFFC60];
	v38 =	vmul.f32 v38, v5  }
0x2bd: {  	v39 =	vld [tilespmem:s26+$0xFFFFFCD0];
	v40 =	vmax.f32 v41, v40;
	v41 =	vmul.f32 $2.000000030e-01, v36;
	v30 =	vadd.f32 v30, v43  }
0x2be: {  	v19 =	vadd.f32 v32, v19;
	v21 =	vadd.f32 v34, v21;
	v43 =	vld [tilespmem:s30+$0xFFFFFCD0];
	v32 =	vmul.f32 v40, v6  }
0x2bf: {  	v34 =	vadd.f32 v44, v46;
	v40 =	vld [tilespmem:s26+$0xFFFFFCE0];
	v36 =	vmax.f32 v36, v41;
	v41 =	vmul.f32 $2.000000030e-01, v30  }
0x2c0: {  	v37 =	vadd.f32 v37, v20;
	v18 =	vadd.f32 v18, v23;
	v44 =	vld [tilespmem:s30+$0xFFFFFCE0];
	v20 =	vmul.f32 v36, v5  }
0x2c1: {  	v23 =	vmul.f32 $2.000000030e-01, v34;
	v35 =	vadd.f32 v42, v35;
	v36 =	vld [tilespmem:s26+$0xFFFFFD50];
	v30 =	vmax.f32 v30, v41  }
0x2c2: {  	v28 =	vadd.f32 v31, v28;
	v31 =	vadd.f32 v33, v25;
	v41 =	vld [tilespmem:s30+$0xFFFFFD50];
	v25 =	vmul.f32 v30, v6  }
0x2c3: {  	s2 =	sadd.s32 $0x80, s2;
	v23 =	vmax.f32 v34, v23;
	v30 =	vmul.f32 $2.000000030e-01, v35;
	v33 =	vadd.f32 v43, v39;
	v34 =	vld [tilespmem:s26+$0xFFFFFD60];
	v39 =	vpop (erf)  }
0x2c4: {  	v38 =	vadd.f32 v38, v26;
	v32 =	vadd.f32 v32, v24;
	v23 =	vmul.f32 v23, v7;
	v42 =	vld [tilespmem:s30+$0xFFFFFD60];
	[tilespmem:s2+$0x0] =	vst v39  }
0x2c5: {  	v24 =	vmax.f32 v35, v30;
	v26 =	vmul.f32 $2.000000030e-01, v33;
	v30 =	vadd.f32 v44, v40;
	v35 =	vld [tilespmem:s26+$0xFFFFFDD0]  }
0x2c6: {  	v29 =	vadd.f32 v20, v29;
	v25 =	vadd.f32 v25, v27;
	v24 =	vmul.f32 v24, v8;
	v39 =	vld [tilespmem:s30+$0xFFFFFDD0]  }
0x2c7: {  	v20 =	vmax.f32 v33, v26;
	v33 =	vmul.f32 $2.000000030e-01, v30;
	v36 =	vadd.f32 v41, v36;
	v40 =	vld [tilespmem:s26+$0xFFFFFDE0]  }
0x2c8: {  	v27 =	vadd.f32 v23, v15;
	v26 =	vadd.f32 v24, v16;
	v15 =	vmul.f32 v20, v7;
	v16 =	vld [tilespmem:s30+$0xFFFFFDE0]  }
0x2c9: {  	v20 =	vmax.f32 v30, v33;
	v23 =	vmul.f32 $2.000000030e-01, v36;
	v30 =	vadd.f32 v42, v34;
	v33 =	vld [tilespmem:s26+$0xFFFFFE50]  }
0x2ca: {  	v24 =	vadd.f32 v15, v17;
	v15 =	vmul.f32 v20, v8;
	v17 =	vld [tilespmem:s30+$0xFFFFFE50];
	(v2sf) =	vpush v12, $0x2  }
0x2cb: {  	v20 =	vmax.f32 v36, v23;
	v23 =	vmul.f32 $2.000000030e-01, v30;
	v34 =	vadd.f32 v39, v35;
	v35 =	vld [tilespmem:s26+$0xFFFFFE60]  }
0x2cc: {  	v22 =	vadd.f32 v15, v22;
	v15 =	vmul.f32 v20, v7;
	v36 =	vld [tilespmem:s30+$0xFFFFFE60];
	(v2sf) =	vpush v12, $0x3  }
0x2cd: {  	v23 =	vmax.f32 v30, v23;
	v30 =	vmul.f32 $2.000000030e-01, v34;
	v16 =	vadd.f32 v16, v40;
	v39 =	vld [tilespmem:s26+$0xFFFFFED0]  }
0x2ce: {  	v20 =	vadd.f32 v15, v19;
	v15 =	vmul.f32 v23, v8;
	v23 =	vld [tilespmem:s30+$0xFFFFFED0];
	(v2sf) =	vpush v12, $0x4  }
0x2cf: {  	v30 =	vmax.f32 v34, v30;
	v34 =	vmul.f32 $2.000000030e-01, v16;
	v33 =	vadd.f32 v17, v33;
	v40 =	vld [tilespmem:s26+$0xFFFFFEE0]  }
0x2d0: {  	v19 =	vadd.f32 v15, v21;
	v15 =	vmul.f32 v30, v7;
	v21 =	vld [tilespmem:s30+$0xFFFFFEE0];
	(v2sf) =	vpush v12, $0x5  }
0x2d1: {  	v16 =	vmax.f32 v16, v34;
	v30 =	vmul.f32 $2.000000030e-01, v33;
	v34 =	vadd.f32 v36, v35;
	v35 =	vld [tilespmem:s26+$0xFFFFFF50]  }
0x2d2: {  	v17 =	vadd.f32 v15, v37;
	v15 =	vmul.f32 v16, v8;
	v16 =	vld [tilespmem:s30+$0xFFFFFF50];
	(v2sf) =	vpush v12, $0x6  }
0x2d3: {  	v30 =	vmax.f32 v33, v30;
	v33 =	vmul.f32 $2.000000030e-01, v34;
	v23 =	vadd.f32 v23, v39;
	v36 =	vld [tilespmem:s26+$0xFFFFFF60]  }
0x2d4: {  	v15 =	vadd.f32 v15, v18;
	v18 =	vmul.f32 v30, v7;
	v30 =	vld [tilespmem:s30+$0xFFFFFF60];
	(v2sf) =	vpush v12, $0x7  }
0x2d5: {  	v37 =	vld [tilespmem:s26+$0xFFFFFC70];
	v33 =	vmax.f32 v34, v33;
	v34 =	vmul.f32 $2.000000030e-01, v23;
	v21 =	vadd.f32 v21, v40  }
0x2d6: {  	v39 =	vld [tilespmem:s30+$0xFFFFFC70];
	v12 =	vadd.f32 v18, v28;
	v18 =	vmul.f32 v33, v8;
	(v2sf) =	vpush v11, $0x0  }
0x2d7: {  	v28 =	vld [tilespmem:s26+$0xFFFFFC80];
	v23 =	vmax.f32 v23, v34;
	v33 =	vmul.f32 $2.000000030e-01, v21;
	v34 =	vadd.f32 v16, v35  }
0x2d8: {  	v35 =	vld [tilespmem:s30+$0xFFFFFC80];
	v16 =	vadd.f32 v18, v31;
	v18 =	vmul.f32 v23, v7;
	(v2sf) =	vpush v11, $0x1  }
0x2d9: {  	v31 =	vld [tilespmem:s26+$0xFFFFFCF0];
	v21 =	vmax.f32 v21, v33;
	v23 =	vmul.f32 $2.000000030e-01, v34;
	v30 =	vadd.f32 v30, v36;
	s5 =	spop (v2sf)  }
0x2da: {  	v33 =	vld [tilespmem:s30+$0xFFFFFCF0];
	v18 =	vadd.f32 v18, v38;
	v21 =	vmul.f32 v21, v8;
	(v2sf) =	vpush v11, $0x2  }
0x2db: {  	v36 =	vadd.f32 v39, v37;
	v37 =	vld [tilespmem:s26+$0xFFFFFD00];
	v23 =	vmax.f32 v34, v23;
	v34 =	vmul.f32 $2.000000030e-01, v30;
	s6 =	spop (v2sf)  }
0x2dc: {  	v38 =	vld [tilespmem:s30+$0xFFFFFD00];
	v21 =	vadd.f32 v21, v32;
	v23 =	vmul.f32 v23, v7;
	s5 =	sadd.f32 s6, s5;
	(v2sf) =	vpush v11, $0x3  }
0x2dd: {  	v32 =	vmul.f32 $2.000000030e-01, v36;
	v28 =	vadd.f32 v35, v28;
	v35 =	vld [tilespmem:s26+$0xFFFFFD70];
	v30 =	vmax.f32 v30, v34;
	s6 =	spop (v2sf)  }
0x2de: {  	v34 =	vld [tilespmem:s30+$0xFFFFFD70];
	v23 =	vadd.f32 v23, v29;
	v29 =	vmul.f32 v30, v8;
	s8 =	sadd.f32 s5, s8;
	(v2sf) =	vpush v11, $0x4  }
0x2df: {  	v30 =	vmax.f32 v36, v32;
	v32 =	vmul.f32 $2.000000030e-01, v28;
	v31 =	vadd.f32 v33, v31;
	v33 =	vld [tilespmem:s26+$0xFFFFFD80];
	s5 =	spop (v2sf)  }
0x2e0: {  	v30 =	vmul.f32 v30, v9;
	v36 =	vld [tilespmem:s30+$0xFFFFFD80];
	v25 =	vadd.f32 v29, v25;
	s5 =	sadd.f32 s5, s6;
	(v2sf) =	vpush v11, $0x5  }
0x2e1: {  	v28 =	vmax.f32 v28, v32;
	v29 =	vmul.f32 $2.000000030e-01, v31;
	v32 =	vadd.f32 v38, v37;
	v37 =	vld [tilespmem:s26+$0xFFFFFDF0];
	s6 =	spop (v2sf)  }
0x2e2: {  	v27 =	vadd.f32 v30, v27;
	v28 =	vmul.f32 v28, v10;
	v30 =	vld [tilespmem:s30+$0xFFFFFDF0];
	(v2sf) =	vpush v11, $0x6  }
0x2e3: {  	v29 =	vmax.f32 v31, v29;
	v31 =	vmul.f32 $2.000000030e-01, v32;
	v34 =	vadd.f32 v34, v35;
	v35 =	vld [tilespmem:s26+$0xFFFFFE00];
	s9 =	spop (v2sf)  }
0x2e4: {  	v26 =	vadd.f32 v28, v26;
	v28 =	vmul.f32 v29, v9;
	v29 =	vld [tilespmem:s30+$0xFFFFFE00];
	s6 =	sadd.f32 s9, s6;
	(v2sf) =	vpush v11, $0x7  }
0x2e5: {  	v11 =	vmax.f32 v32, v31;
	v31 =	vmul.f32 $2.000000030e-01, v34;
	v32 =	vadd.f32 v36, v33;
	v33 =	vld [tilespmem:s26+$0xFFFFFE70];
	s9 =	spop (v2sf)  }
0x2e6: {  	v26 =	vadd.f32 v26, v27;
	v24 =	vadd.f32 v28, v24;
	v11 =	vmul.f32 v11, v10;
	v27 =	vld [tilespmem:s30+$0xFFFFFE70];
	s5 =	sadd.f32 s6, s5  }
0x2e7: {  	v28 =	vmax.f32 v34, v31;
	v31 =	vmul.f32 $2.000000030e-01, v32;
	v30 =	vadd.f32 v30, v37;
	v34 =	vld [tilespmem:s26+$0xFFFFFE80];
	s6 =	spop (v2sf)  }
0x2e8: {  	v36 =	vperm.xlane v26, v2;
	v11 =	vadd.f32 v11, v22;
	v22 =	vmul.f32 v28, v9;
	v28 =	vld [tilespmem:s30+$0xFFFFFE80];
	s6 =	sadd.f32 s6, s9  }
0x2e9: {  	s8 =	sadd.f32 s5, s8;
	v31 =	vmax.f32 v32, v31;
	v32 =	vmul.f32 $2.000000030e-01, v30;
	v29 =	vadd.f32 v29, v35;
	v35 =	vld [tilespmem:s26+$0xFFFFFEF0];
	s5 =	spop (v2sf)  }
0x2ea: {  	v11 =	vadd.f32 v11, v24;
	v20 =	vadd.f32 v22, v20;
	v22 =	vmul.f32 v31, v10;
	v24 =	vld [tilespmem:s30+$0xFFFFFEF0]  }
0x2eb: {  	v30 =	vmax.f32 v30, v32;
	v31 =	vmul.f32 $2.000000030e-01, v29;
	v27 =	vadd.f32 v27, v33;
	v32 =	vld [tilespmem:s26+$0xFFFFFF00];
	s9 =	spop (v2sf)  }
0x2ec: {  	v33 =	vperm.xlane v11, v2;
	v19 =	vadd.f32 v22, v19;
	v22 =	vmul.f32 v30, v9;
	v30 =	vld [tilespmem:s30+$0xFFFFFF00];
	s5 =	sadd.f32 s9, s5  }
0x2ed: {  	v29 =	vmax.f32 v29, v31;
	v31 =	vmul.f32 $2.000000030e-01, v27;
	v28 =	vadd.f32 v28, v34;
	v34 =	vld [tilespmem:s26+$0xFFFFFF70];
	s9 =	spop (v2sf)  }
0x2ee: {  	v19 =	vadd.f32 v19, v20;
	v17 =	vadd.f32 v22, v17;
	v20 =	vmul.f32 v29, v10;
	v22 =	vld [tilespmem:s30+$0xFFFFFF70];
	s5 =	sadd.f32 s5, s6  }
0x2ef: {  	v27 =	vmax.f32 v27, v31;
	v29 =	vmul.f32 $2.000000030e-01, v28;
	v24 =	vadd.f32 v24, v35;
	v31 =	vld [tilespmem:s26+$0xFFFFFF80];
	s6 =	spop (v2sf)  }
0x2f0: {  	v35 =	vperm.xlane v19, v2;
	v15 =	vadd.f32 v20, v15;
	v20 =	vmul.f32 v27, v9;
	v27 =	vld [tilespmem:s30+$0xFFFFFF80];
	s6 =	sadd.f32 s6, s9  }
0x2f1: {  	v28 =	vmax.f32 v28, v29;
	v29 =	vmul.f32 $2.000000030e-01, v24;
	v30 =	vadd.f32 v30, v32;
	s9 =	spop (v2sf)  }
0x2f2: {  	v15 =	vadd.f32 v15, v17;
	v12 =	vadd.f32 v20, v12;
	v17 =	vmul.f32 v28, v10  }
0x2f3: {  	v20 =	vmax.f32 v24, v29;
	v24 =	vmul.f32 $2.000000030e-01, v30;
	v22 =	vadd.f32 v22, v34;
	s10 =	spop (v2sf)  }
0x2f4: {  	v28 =	vperm.xlane v15, v2;
	v16 =	vadd.f32 v17, v16;
	v17 =	vmul.f32 v20, v9;
	s9 =	sadd.f32 s10, s9  }
0x2f5: {  	v20 =	vmax.f32 v30, v24;
	v24 =	vmul.f32 $2.000000030e-01, v22;
	v27 =	vadd.f32 v27, v31  }
0x2f6: {  	v12 =	vadd.f32 v16, v12;
	v16 =	vadd.f32 v17, v18;
	v17 =	vmul.f32 v20, v10;
	s6 =	sadd.f32 s9, s6  }
0x2f7: {  	v18 =	vadd.f32 v26, v36;
	v20 =	vmax.f32 v22, v24;
	v22 =	vmul.f32 $2.000000030e-01, v27  }
0x2f8: {  	v24 =	vperm.xlane v12, v2;
	v17 =	vadd.f32 v17, v21;
	v20 =	vmul.f32 v20, v9;
	s5 =	sadd.f32 s6, s5  }
0x2f9: {  	v19 =	vadd.f32 v19, v35;
	v21 =	vadd.f32 v11, v33;
	v11 =	vmax.f32 v27, v22  }
0x2fa: {  	v17 =	vadd.f32 v17, v16;
	v20 =	vadd.f32 v20, v23;
	v11 =	vmul.f32 v11, v10  }
0x2fb: {  	v22 =	vmov s0;
	v16 =	vadd.f32 v15, v28;
	v15 =	vadd.f32 v12, v24  }
0x2fc: {  	v12 =	vperm.xlane v17, v2;
	v11 =	vadd.f32 v11, v25;
	(v2sf) =	vpush v18, $0x0  }
0x2fd: {  	v23 =	vmov s7;
	v24 =	vmov s8;
	(v2sf) =	vpush v18, $0x1  }
0x2fe: {  	v12 =	vadd.f32 v17, v12;
	v11 =	vadd.f32 v11, v20;
	v17 =	vmov s5  }
0x2ff: {  	v14 =	vmul.f32 $1.442695020e+00, v14;
	v20 =	vmul.f32 $1.442695020e+00, v22;
	(v2sf) =	vpush v18, $0x2  }
0x300: {  	v23 =	vmul.f32 $1.442695020e+00, v23;
	v22 =	vperm.xlane v11, v2;
	(v2sf) =	vpush v18, $0x3  }
0x301: {  	v24 =	vmul.f32 $1.442695020e+00, v24;
	v17 =	vmul.f32 $1.442695020e+00, v17;
	(v2sf) =	vpush v18, $0x4  }
0x302: {  	v14 =	vbroadcast v14, $0x0;
	v11 =	vadd.f32 v11, v22;
	(v2sf) =	vpush v18, $0x5  }
0x303: {  	v20 =	vbroadcast v20, $0x0;
	v22 =	vbroadcast v23, $0x0;
	(v2sf) =	vpush v18, $0x6  }
0x304: {  	v17 =	vbroadcast v17, $0x0;
	(v2sf) =	vpush v18, $0x7;
	v18 =	vbroadcast v24, $0x0  }
0x305: {  	(v2sf) =	vpush v21, $0x0;
	(erf) = vpow2.f32 v13  }
0x306: {  	(v2sf) =	vpush v21, $0x1;
	(erf) = vpow2.f32 v14  }
0x307: {  	(v2sf) =	vpush v21, $0x2;
	(erf) = vpow2.f32 v20  }
0x308: {  	(v2sf) =	vpush v21, $0x3;
	(erf) = vpow2.f32 v22  }
0x309: {  	(v2sf) =	vpush v21, $0x4;
	(erf) = vpow2.f32 v18  }
0x30a: {  	(v2sf) =	vpush v21, $0x5;
	(erf) = vpow2.f32 v17  }
0x30b: {  	s0 =	spop (v2sf);
	(v2sf) =	vpush v21, $0x6  }
0x30c: {  	s5 =	spop (v2sf);
	(v2sf) =	vpush v21, $0x7  }
0x30d: {  	s0 =	sadd.f32 s5, s0;
	(v2sf) =	vpush v19, $0x0  }
0x30e: {  	s5 =	spop (v2sf);
	(v2sf) =	vpush v19, $0x1;
	v13 =	vpop (erf)  }
0x30f: {  	s6 =	spop (v2sf);
	(v2sf) =	vpush v19, $0x2;
	[tilespmem:s3+$0xFFFFFFA0] =	vst v13;
	v13 =	vpop (erf)  }
0x310: {  	s5 =	sadd.f32 s6, s5;
	s6 =	spop (v2sf);
	(v2sf) =	vpush v19, $0x3;
	[tilespmem:s3+$0xFFFFFFB0] =	vst v13;
	v13 =	vpop (erf)  }
.Ltmp2:
0x311: {  	s7 =	spop (v2sf);
	(v2sf) =	vpush v19, $0x4;
	[tilespmem:s3+$0xFFFFFFC0] =	vst v13;
	v13 =	vpop (erf);
	(pc) =	sbr.rel @p0 .LBB2_7-.Ltmp2, $4  }
0x312: {  	s7 =	sadd.f32 s7, s6;
	s6 =	spop (v2sf);
	(v2sf) =	vpush v19, $0x5;
	[tilespmem:s3+$0xFFFFFFD0] =	vst v13;
	v13 =	vpop (erf)  }
0x313: {  	s0 =	sadd.f32 s5, s0;
	s5 =	spop (v2sf);
	(v2sf) =	vpush v19, $0x6;
	[tilespmem:s3+$0xFFFFFFE0] =	vst v13;
	v13 =	vpop (erf)  }
0x314: {  	s8 =	sadd.f32 s5, s6;
	s9 =	spop (v2sf);
	(v2sf) =	vpush v19, $0x7;
	[tilespmem:s3+$0xFFFFFFF0] =	vst v13;
	s3 =	smov.u32 s2  }
0x315: {  	s26 =	sadd.s32 $0x400, s26;
	s24 =	spop (v2sf);
	(v2sf) =	vpush v16, $0x0  }
0x316: {  	s5 =	spop (v2sf);
	(v2sf) =	vpush v16, $0x1  }
0x317: {  	s6 =	spop (v2sf);
	(v2sf) =	vpush v16, $0x2  }
0x318: {  	s10 =	spop (v2sf);
	(v2sf) =	vpush v16, $0x3  }
0x319: {  	s11 =	spop (v2sf);
	(v2sf) =	vpush v16, $0x4  }
0x31a: {  	s12 =	spop (v2sf);
	(v2sf) =	vpush v16, $0x5  }
0x31b: {  	s13 =	spop (v2sf);
	(v2sf) =	vpush v16, $0x6  }
0x31c: {  	s26 =	spop (v2sf);
	(v2sf) =	vpush v16, $0x7  }
0x31d: {  	s9 =	sadd.f32 s24, s9;
	s24 =	spop (v2sf);
	(v2sf) =	vpush v15, $0x0  }
0x31e: {  	s7 =	sadd.f32 s8, s7;
	s8 =	spop (v2sf);
	(v2sf) =	vpush v15, $0x1  }
0x31f: {  	s5 =	sadd.f32 s6, s5;
	s6 =	spop (v2sf);
	(v2sf) =	vpush v15, $0x2  }
0x320: {  	s0 =	sadd.f32 s7, s0;
	s30 =	spop (v2sf);
	(v2sf) =	vpush v15, $0x3  }
0x321: {  	s11 =	sadd.f32 s11, s10;
	s10 =	spop (v2sf);
	(v2sf) =	vpush v15, $0x4  }
0x322: {  	s5 =	sadd.f32 s5, s9;
	s9 =	spop (v2sf);
	(v2sf) =	vpush v15, $0x5  }
0x323: {  	s31 =	sadd.f32 s13, s12;
	s12 =	spop (v2sf);
	(v2sf) =	vpush v15, $0x6  }
0x324: {  	s13 =	sadd.f32 s24, s26;
	s24 =	spop (v2sf);
	(v2sf) =	vpush v15, $0x7  }
0x325: {  	s7 =	sadd.f32 s31, s11;
	s11 =	spop (v2sf);
	(v2sf) =	vpush v12, $0x0  }
0x326: {  	s6 =	sadd.f32 s6, s8;
	s8 =	spop (v2sf);
	(v2sf) =	vpush v12, $0x1  }
0x327: {  	s7 =	sadd.f32 s7, s5;
	s31 =	spop (v2sf);
	(v2sf) =	vpush v12, $0x2  }
0x328: {  	s10 =	sadd.f32 s10, s30;
	s26 =	spop (v2sf);
	(v2sf) =	vpush v12, $0x3  }
0x329: {  	s6 =	sadd.f32 s6, s13;
	s13 =	spop (v2sf);
	(v2sf) =	vpush v12, $0x4  }
0x32a: {  	s9 =	sadd.f32 s12, s9;
	s12 =	spop (v2sf);
	(v2sf) =	vpush v12, $0x5  }
0x32b: {  	s11 =	sadd.f32 s11, s24;
	s30 =	spop (v2sf);
	(v2sf) =	vpush v12, $0x6  }
0x32c: {  	s9 =	sadd.f32 s9, s10;
	s10 =	spop (v2sf);
	(v2sf) =	vpush v12, $0x7  }
0x32d: {  	s5 =	sadd.f32 s31, s8;
	s31 =	spop (v2sf);
	(v2sf) =	vpush v11, $0x0  }
0x32e: {  	s6 =	sadd.f32 s9, s6;
	s9 =	spop (v2sf);
	(v2sf) =	vpush v11, $0x1  }
0x32f: {  	s13 =	sadd.f32 s13, s26;
	s26 =	spop (v2sf);
	(v2sf) =	vpush v11, $0x2  }
0x330: {  	s5 =	sadd.f32 s5, s11;
	s11 =	spop (v2sf);
	(v2sf) =	vpush v11, $0x3  }
0x331: {  	s12 =	sadd.f32 s30, s12;
	s30 =	spop (v2sf);
	(v2sf) =	vpush v11, $0x4  }
0x332: {  	s8 =	sadd.f32 s31, s10;
	s10 =	spop (v2sf);
	(v2sf) =	vpush v11, $0x5  }
0x333: {  	s12 =	sadd.f32 s12, s13;
	s31 =	spop (v2sf);
	(v2sf) =	vpush v11, $0x6  }
0x334: {  	s9 =	sadd.f32 s26, s9;
	s26 =	spop (v2sf);
	(v2sf) =	vpush v11, $0x7  }
0x335: {  	s11 =	sadd.f32 s30, s11;
	s30 =	spop (v2sf)  }
0x336: {  	s10 =	sadd.f32 s31, s10;
	s13 =	spop (v2sf)  }
0x337: {  	s8 =	sadd.f32 s9, s8;
	s9 =	spop (v2sf)  }
0x338: {  	s10 =	sadd.f32 s10, s11;
	s11 =	spop (v2sf)  }
0x339: {  	s5 =	sadd.f32 s12, s5;
	s31 =	spop (v2sf)  }
0x33a: {  	s8 =	sadd.f32 s10, s8;
	s10 =	spop (v2sf)  }
0x33b: {  	s24 =	sadd.f32 s30, s26;
	s30 =	spop (v2sf)  }
0x33c: {  	s9 =	sadd.f32 s9, s13;
	s13 =	spop (v2sf)  }
0x33d: {  	s11 =	sadd.f32 s31, s11;
	s31 =	spop (v2sf)  }
0x33e: {  	s10 =	sadd.f32 s30, s10;
	s26 =	spop (v2sf)  }
0x33f: {  	s9 =	sadd.f32 s9, s24;
	s24 =	spop (v2sf)  }
0x340: {  	s10 =	sadd.f32 s10, s11;
	s30 =	spop (v2sf)  }
0x341: {  	v11 =	vmov s0;
	s12 =	sadd.f32 s31, s13;
	s31 =	spop (v2sf)  }
0x342: {  	v11 =	vmul.f32 $1.442695020e+00, v11;
	s0 =	sadd.f32 s24, s26;
	s26 =	spop (v2sf)  }
0x343: {  	s11 =	sadd.f32 s31, s30;
	s30 =	spop (v2sf)  }
0x344: {  	v58 =	vmov s7;
	v11 =	vbroadcast v11, $0x0;
	s31 =	sadd.f32 s30, s26  }
0x345: {  	v12 =	vmul.f32 $1.442695020e+00, v58;
	v13 =	vmov s5;
	s0 =	sadd.f32 s0, s12  }
0x346: {  	v59 =	vmov s6;
	v13 =	vmul.f32 $1.442695020e+00, v13;
	(erf) = vpow2.f32 v11;
	s7 =	sadd.f32 s31, s11  }
0x347: {  	v11 =	vbroadcast v12, $0x0;
	v12 =	vmul.f32 $1.442695020e+00, v59;
	v14 =	vmov s8;
	s9 =	sadd.f32 s10, s9  }
0x348: {  	v13 =	vbroadcast v13, $0x0;
	v14 =	vmul.f32 $1.442695020e+00, v14;
	s0 =	sadd.f32 s7, s0  }
0x349: {  	v12 =	vbroadcast v12, $0x0;
	(erf) = vpow2.f32 v11;
	v60 =	vmov s9  }
0x34a: {  	v11 =	vbroadcast v14, $0x0;
	v15 =	vmul.f32 $1.442695020e+00, v60;
	v61 =	vmov s0  }
0x34b: {  	(erf) = vpow2.f32 v12;
	v16 =	vmul.f32 $1.442695020e+00, v61  }
0x34c: {  	(erf) = vpow2.f32 v13;
	v62 =	vbroadcast v15, $0x0  }
0x34d: {  	(erf) = vpow2.f32 v11;
	v63 =	vbroadcast v16, $0x0  }
0x34e: {  	(erf) = vpow2.f32 v62  }
0x34f: {  	(erf) = vpow2.f32 v63;
	_ =	sdelay $0x2  }
0x350: {  	v11 =	vpop (erf)  }
0x351: {  	[tilespmem:s2+$0xFFFFFF90] =	vst v11;
	v11 =	vpop (erf)  }
0x352: {  	s28 =	sadd.s32 $0x1, s28;
	[tilespmem:s3+$0xFFFFFFA0] =	vst v11;
	v11 =	vpop (erf)  }
0x353: {  	p0 =	sne.s32 s28, $0x3E;
	[tilespmem:s3+$0xFFFFFFB0] =	vst v11;
	v11 =	vpop (erf)  }
.Ltmp3:
0x354: {  	[tilespmem:s3+$0xFFFFFFC0] =	vst v11;
	v11 =	vpop (erf);
	(pc) =	sbr.rel @p0 .LBB2_4-.Ltmp3, $4  }
0x355: {  	[tilespmem:s3+$0xFFFFFFD0] =	vst v11;
	v11 =	vpop (erf)  }
0x356: {  	[tilespmem:s3+$0xFFFFFFE0] =	vst v11;
	v11 =	vpop (erf)  }
0x357: {  	[tilespmem:s3+$0xFFFFFFF0] =	vst v11  }
0x358: {  	[spmem:s4] =	stream.indirect.scatter.add.f32 [tilespmem:s25], [sflag:$0x4], $0x10, s29, s14, $0xb8;
	[tilespmem:$0x148A0] =	vst v63  }
0x359: {  	_ =	swait.ge [sflag:s19], $0x2800  }
0x35a: {  	[sflag:s19] =	ssyncset.done $0x0  }
0x35b: {  	[sflag:s19] =	ssyncadd.s32 $0xFFFFD800  }
0x35c: {  	_ =	swait.ge [sflag:s19], $0x2800  }
0x35d: {  	[sflag:s19] =	ssyncset.done $0x0  }
0x35e: {  	[sflag:s19] =	ssyncadd.s32 $0xFFFFD800  }
0x35f: {  	_ =	swait.ge [sflag:s20], $0x500  }
0x360: {  	[sflag:s20] =	ssyncset.done $0x0  }
0x361: {  	s0 =	simm.s32 $0x5020;
	[sflag:s20] =	ssyncadd.s32 $0xFFFFFB00  }
0x362: {  	s28 =	simm.s32 $0xA020;
	v11 =	vld [tilespmem:s0+$0x1E0]  }
0x363: {  	v12 =	vld [tilespmem:s28+$0x1E0]  }
0x364: {  	v13 =	vld [tilespmem:s0+$0x1F0]  }
0x365: {  	v14 =	vld [tilespmem:s28+$0x1F0]  }
0x366: {  	v15 =	vld [tilespmem:s0+$0x1C0]  }
0x367: {  	v16 =	vld [tilespmem:s28+$0x1C0]  }
0x368: {  	v17 =	vld [tilespmem:s0+$0x1D0]  }
0x369: {  	v18 =	vld [tilespmem:s28+$0x1D0]  }
0x36a: {  	v19 =	vld [tilespmem:s0+$0x1A0]  }
0x36b: {  	v20 =	vld [tilespmem:s28+$0x1A0]  }
0x36c: {  	v21 =	vld [tilespmem:s0+$0x180]  }
0x36d: {  	v22 =	vld [tilespmem:s28+$0x180]  }
0x36e: {  	v23 =	vld [tilespmem:s0+$0x190]  }
0x36f: {  	v24 =	vld [tilespmem:s28+$0x190]  }
0x370: {  	v25 =	vld [tilespmem:s0+$0x1B0]  }
0x371: {  	v26 =	vld [tilespmem:s28+$0x1B0]  }
0x372: {  	v27 =	vld [tilespmem:s28+$0xFFFFFE00]  }
0x373: {  	v61 =	vld [tilespmem:s0+$0xFFFFFE80]  }
0x374: {  	v36 =	vld [tilespmem:s28+$0xFFFFFE80]  }
0x375: {  	v37 =	vld [tilespmem:s0+$0xFFFFFE90]  }
0x376: {  	v32 =	vld [tilespmem:s28+$0xFFFFFE90]  }
0x377: {  	v39 =	vld [tilespmem:s0+$0xFFFFFF00]  }
0x378: {  	v40 =	vld [tilespmem:s28+$0xFFFFFF00]  }
0x379: {  	v41 =	vld [tilespmem:s0+$0xFFFFFF10]  }
0x37a: {  	v42 =	vld [tilespmem:s28+$0xFFFFFF10]  }
0x37b: {  	v48 =	vld [tilespmem:s0+$0x90];
	v11 =	vadd.f32 v12, v11  }
0x37c: {  	v49 =	vld [tilespmem:s28+$0x90];
	v12 =	vadd.f32 v14, v13;
	v14 =	vadd.f32 v16, v15  }
0x37d: {  	v51 =	vld [tilespmem:s0+$0x100];
	v15 =	vadd.f32 v18, v17;
	v17 =	vadd.f32 v22, v21  }
0x37e: {  	v52 =	vld [tilespmem:s28+$0x100];
	v18 =	vadd.f32 v24, v23;
	v19 =	vadd.f32 v20, v19  }
0x37f: {  	v55 =	vld [tilespmem:s0+$0xFFFFFE00];
	v25 =	vadd.f32 v26, v25;
	v22 =	vadd.f32 v36, v61;
	v60 =	vmul.f32 $2.000000030e-01, v11  }
0x380: {  	v43 =	vld [tilespmem:s0+$0xFFFFFF80];
	v26 =	vadd.f32 v32, v37;
	v62 =	vmul.f32 $2.000000030e-01, v14;
	v63 =	vmul.f32 $2.000000030e-01, v12  }
0x381: {  	v44 =	vld [tilespmem:s0+$0xFFFFFF90];
	v20 =	vadd.f32 v42, v41;
	v28 =	vmul.f32 $2.000000030e-01, v17;
	v29 =	vmul.f32 $2.000000030e-01, v18  }
0x382: {  	v46 =	vld [tilespmem:s28+$0x80];
	v24 =	vadd.f32 v49, v48;
	v30 =	vmul.f32 $2.000000030e-01, v19;
	v31 =	vmul.f32 $2.000000030e-01, v15  }
0x383: {  	v53 =	vld [tilespmem:s28+$0x110];
	v21 =	vadd.f32 v52, v51;
	v38 =	vmul.f32 $2.000000030e-01, v25;
	v33 =	vmul.f32 $2.000000030e-01, v22  }
0x384: {  	v13 =	vld [tilespmem:s0+$0xFFFFFE10];
	v27 =	vadd.f32 v27, v55;
	v50 =	vmul.f32 $2.000000030e-01, v26;
	v34 =	vmul.f32 $2.000000030e-01, v20  }
0x385: {  	v16 =	vld [tilespmem:s28+$0xFFFFFE10];
	v41 =	vmul.f32 $2.000000030e-01, v24;
	v17 =	vmax.f32 v17, v28;
	v18 =	vmax.f32 v18, v29  }
0x386: {  	v36 =	vld [tilespmem:s0+$0x110];
	v19 =	vmax.f32 v19, v30;
	v25 =	vmax.f32 v25, v38;
	v14 =	vmax.f32 v14, v62  }
0x387: {  	v61 =	vld [tilespmem:s28+$0xFFFFFEA0];
	v15 =	vmax.f32 v15, v31;
	v11 =	vmax.f32 v11, v60;
	v12 =	vmax.f32 v12, v63  }
0x388: {  	v42 =	vld [tilespmem:s28+$0xFFFFFEB0];
	v29 =	vadd.f32 v40, v39;
	v22 =	vmax.f32 v22, v33;
	v17 =	vmul.f32 v17, v3  }
0x389: {  	v37 =	vld [tilespmem:s0+$0xFFFFFF30];
	v26 =	vmax.f32 v26, v50;
	v18 =	vmul.f32 v18, v4;
	v19 =	vmul.f32 v19, v5  }
0x38a: {  	v51 =	vld [tilespmem:s28+$0xFFFFFFB0];
	v20 =	vmax.f32 v20, v34;
	v25 =	vmul.f32 v25, v6;
	v14 =	vmul.f32 v14, v7  }
0x38b: {  	v60 =	vld [tilespmem:s0+$0xFFFFFEA0];
	v24 =	vmax.f32 v24, v41;
	v15 =	vmul.f32 v15, v8;
	v11 =	vmul.f32 v11, v9  }
0x38c: {  	v63 =	vld [tilespmem:s0+$0xFFFFFEB0];
	v12 =	vmul.f32 v12, v10;
	v13 =	vadd.f32 v16, v13;
	v22 =	vmul.f32 v22, v3  }
0x38d: {  	v38 =	vld [tilespmem:s28+$0xFFFFFF30];
	v26 =	vmul.f32 v26, v4;
	v20 =	vmul.f32 v20, v4;
	v23 =	vadd.f32 v53, v36  }
0x38e: {  	v50 =	vld [tilespmem:s0+$0xFFFFFFB0];
	v24 =	vmul.f32 v24, v4;
	v17 =	vadd.f32 $0.0e+00, v17;
	v18 =	vadd.f32 $0.0e+00, v18  }
0x38f: {  	v16 =	vld [tilespmem:s0+$0x80];
	v30 =	vmul.f32 $2.000000030e-01, v29;
	v22 =	vadd.f32 $0.0e+00, v22;
	v26 =	vadd.f32 $0.0e+00, v26  }
0x390: {  	v57 =	vld [tilespmem:s28+$0xFFFFFE20];
	v47 =	vmul.f32 $2.000000030e-01, v13;
	v20 =	vadd.f32 $0.0e+00, v20;
	v24 =	vadd.f32 $0.0e+00, v24  }
0x391: {  	v48 =	vld [tilespmem:s0+$0xFFFFFFA0];
	v54 =	vmax.f32 v29, v30;
	v17 =	vadd.f32 v19, v17;
	v18 =	vadd.f32 v25, v18  }
0x392: {  	v52 =	vld [tilespmem:s0+$0x20];
	v13 =	vmax.f32 v13, v47;
	v28 =	vmul.f32 v54, v3;
	v25 =	vadd.f32 v61, v60  }
0x393: {  	v40 =	vld [tilespmem:s0+$0x30];
	v47 =	vmul.f32 $2.000000030e-01, v27;
	v31 =	vadd.f32 v42, v63;
	v55 =	vadd.f32 v38, v37  }
0x394: {  	v19 =	vld [tilespmem:s28+$0xFFFFFF80];
	v32 =	vadd.f32 v51, v50;
	v13 =	vmul.f32 v13, v4;
	v16 =	vadd.f32 v46, v16  }
0x395: {  	v54 =	vld [tilespmem:s28+$0x20];
	v46 =	vmul.f32 $2.000000030e-01, v23;
	v14 =	vadd.f32 v14, v17;
	v15 =	vadd.f32 v15, v18  }
0x396: {  	v42 =	vld [tilespmem:s28+$0xA0];
	v27 =	vmax.f32 v27, v47;
	v53 =	vmul.f32 $2.000000030e-01, v25;
	v41 =	vmul.f32 $2.000000030e-01, v55  }
0x397: {  	v61 =	vld [tilespmem:s0+$0xB0];
	v28 =	vadd.f32 $0.0e+00, v28;
	v63 =	vmul.f32 $2.000000030e-01, v32;
	v62 =	vmul.f32 $2.000000030e-01, v16  }
0x398: {  	v17 =	vld [tilespmem:s28+$0xFFFFFF90];
	v23 =	vmax.f32 v23, v46;
	v27 =	vmul.f32 v27, v3;
	v13 =	vadd.f32 $0.0e+00, v13  }
0x399: {  	v18 =	vld [tilespmem:s0+$0x0];
	v11 =	vadd.f32 v11, v14;
	v12 =	vadd.f32 v12, v15;
	v25 =	vmax.f32 v25, v53  }
0x39a: {  	v14 =	vld [tilespmem:s28+$0x0];
	v36 =	vmax.f32 v55, v41;
	v32 =	vmax.f32 v32, v63;
	v23 =	vmul.f32 v23, v4  }
0x39b: {  	v15 =	vld [tilespmem:s0+$0x10];
	v19 =	vadd.f32 v19, v43;
	v16 =	vmax.f32 v16, v62;
	v43 =	vmul.f32 $2.000000030e-01, v21  }
0x39c: {  	v55 =	vld [tilespmem:s28+$0xFFFFFE50];
	v27 =	vadd.f32 $0.0e+00, v27;
	v30 =	vadd.f32 v54, v52;
	v25 =	vmul.f32 v25, v5  }
0x39d: {  	v62 =	vld [tilespmem:s28+$0xB0];
	v36 =	vmul.f32 v36, v6;
	v32 =	vmul.f32 v32, v6;
	v11 =	vadd.f32 v12, v11  }
0x39e: {  	v54 =	vld [tilespmem:s0+$0xFFFFFE50];
	v16 =	vmul.f32 v16, v3;
	v23 =	vadd.f32 $0.0e+00, v23;
	v35 =	vmul.f32 $2.000000030e-01, v19  }
0x39f: {  	v12 =	vld [tilespmem:s28+$0x10];
	v17 =	vadd.f32 v17, v44;
	v21 =	vmax.f32 v21, v43;
	v22 =	vadd.f32 v25, v22  }
0x3a0: {  	v51 =	vld [tilespmem:s28+$0x130];
	v20 =	vadd.f32 v36, v20;
	v45 =	vperm.xlane v11, v2;
	v21 =	vmul.f32 v21, v3  }
0x3a1: {  	v47 =	vld [tilespmem:s28+$0x120];
	v16 =	vadd.f32 $0.0e+00, v16;
	v56 =	vmul.f32 $2.000000030e-01, v17;
	v14 =	vadd.f32 v14, v18  }
0x3a2: {  	v18 =	vld [tilespmem:s0+$0xFFFFFE20];
	v19 =	vmax.f32 v19, v35;
	v11 =	vadd.f32 v11, v45;
	v35 =	vadd.f32 v62, v61  }
0x3a3: {  	v44 =	vld [tilespmem:s0+$0xFFFFFF20];
	v19 =	vmul.f32 v19, v3;
	v21 =	vadd.f32 $0.0e+00, v21;
	v25 =	vadd.f32 v55, v54  }
0x3a4: {  	v45 =	vld [tilespmem:s28+$0xFFFFFF20];
	v12 =	vadd.f32 v12, v15;
	v58 =	vmul.f32 $2.000000030e-01, v14;
	v17 =	vmax.f32 v17, v56  }
0x3a5: {  	v63 =	vld [tilespmem:s28+$0xFFFFFF40];
	(v2sf) =	vpush v11, $0x0;
	v17 =	vmul.f32 v17, v4;
	v19 =	vadd.f32 $0.0e+00, v19  }
0x3a6: {  	v56 =	vld [tilespmem:s28+$0x30];
	(v2sf) =	vpush v11, $0x1;
	v59 =	vmul.f32 $2.000000030e-01, v12;
	v14 =	vmax.f32 v14, v58  }
0x3a7: {  	v41 =	vld [tilespmem:s0+$0xFFFFFEF0];
	(v2sf) =	vpush v11, $0x2;
	v14 =	vmul.f32 v14, v3;
	v18 =	vadd.f32 v57, v18  }
0x3a8: {  	v52 =	vld [tilespmem:s28+$0xFFFFFE40];
	v57 =	vmul.f32 $2.000000030e-01, v31;
	v17 =	vadd.f32 $0.0e+00, v17;
	(v2sf) =	vpush v11, $0x3  }
0x3a9: {  	v62 =	vld [tilespmem:s0+$0xFFFFFF40];
	v12 =	vmax.f32 v12, v59;
	v29 =	vadd.f32 v45, v44;
	v44 =	vmul.f32 $2.000000030e-01, v30  }
0x3aa: {  	v58 =	vld [tilespmem:s0+$0xA0];
	(v2sf) =	vpush v11, $0x4;
	v12 =	vmul.f32 v12, v4;
	v49 =	vmul.f32 $2.000000030e-01, v18  }
0x3ab: {  	v54 =	vld [tilespmem:s28+$0x40];
	v31 =	vmax.f32 v31, v57;
	v37 =	vadd.f32 v56, v40;
	(v2sf) =	vpush v11, $0x5  }
0x3ac: {  	v15 =	vld [tilespmem:s0+$0xFFFFFE30];
	v14 =	vadd.f32 $0.0e+00, v14;
	v56 =	vmul.f32 $2.000000030e-01, v35;
	(v2sf) =	vpush v11, $0x6  }
0x3ad: {  	v17 =	vadd.f32 v32, v17;
	v59 =	vmul.f32 $2.000000030e-01, v29;
	(v2sf) =	vpush v11, $0x7;
	v11 =	vld [tilespmem:s28+$0xFFFFFE30]  }
0x3ae: {  	v55 =	vld [tilespmem:s0+$0x50];
	v30 =	vmax.f32 v30, v44;
	v31 =	vmul.f32 v31, v6;
	v18 =	vmax.f32 v18, v49  }
0x3af: {  	v45 =	vld [tilespmem:s0+$0x120];
	v50 =	vmul.f32 $2.000000030e-01, v37;
	v33 =	vadd.f32 v42, v58;
	v12 =	vadd.f32 $0.0e+00, v12  }
0x3b0: {  	v57 =	vld [tilespmem:s0+$0xFFFFFEC0];
	v35 =	vmax.f32 v35, v56;
	v30 =	vmul.f32 v30, v5;
	v18 =	vmul.f32 v18, v5  }
0x3b1: {  	v49 =	vld [tilespmem:s0+$0x130];
	v29 =	vmax.f32 v29, v59;
	v26 =	vadd.f32 v31, v26;
	v35 =	vmul.f32 v35, v6  }
0x3b2: {  	v58 =	vld [tilespmem:s28+$0xFFFFFEC0];
	v37 =	vmax.f32 v37, v50;
	v53 =	vmul.f32 $2.000000030e-01, v33;
	v11 =	vadd.f32 v11, v15  }
0x3b3: {  	v29 =	vmul.f32 v29, v5;
	v14 =	vadd.f32 v30, v14;
	v50 =	vmul.f32 $2.000000030e-01, v25;
	v15 =	vld [tilespmem:s28+$0xFFFFFFA0]  }
0x3b4: {  	v44 =	vld [tilespmem:s0+$0xFFFFFF50];
	v18 =	vadd.f32 v18, v27;
	v27 =	vadd.f32 v47, v45;
	v39 =	vmul.f32 $2.000000030e-01, v11  }
0x3b5: {  	v42 =	vld [tilespmem:s0+$0xD0];
	v37 =	vmul.f32 v37, v6;
	v24 =	vadd.f32 v35, v24;
	v33 =	vmax.f32 v33, v53  }
0x3b6: {  	v28 =	vadd.f32 v29, v28;
	v40 =	vadd.f32 v51, v49;
	v49 =	vld [tilespmem:s0+$0xFFFFFFD0];
	s2 =	spop (v2sf);
	v11 =	vmax.f32 v11, v39  }
0x3b7: {  	v61 =	vmul.f32 $2.000000030e-01, v27;
	v31 =	vadd.f32 v58, v57;
	v58 =	vld [tilespmem:s28+$0x50];
	s3 =	spop (v2sf);
	v11 =	vmul.f32 v11, v6  }
0x3b8: {  	v25 =	vmax.f32 v25, v50;
	v33 =	vmul.f32 v33, v5;
	v51 =	vld [tilespmem:s28+$0xFFFFFFD0];
	s5 =	spop (v2sf);
	v15 =	vadd.f32 v15, v48  }
0x3b9: {  	v25 =	vmul.f32 v25, v8;
	v27 =	vmax.f32 v27, v61;
	s6 =	spop (v2sf);
	v11 =	vadd.f32 v11, v13;
	v13 =	vld [tilespmem:s0+$0xFFFFFE40]  }
0x3ba: {  	v59 =	vld [tilespmem:s0+$0xFFFFFED0];
	v12 =	vadd.f32 v37, v12;
	v27 =	vmul.f32 v27, v5;
	s7 =	spop (v2sf);
	v60 =	vmul.f32 $2.000000030e-01, v15  }
0x3bb: {  	v45 =	vld [tilespmem:s28+$0xFFFFFF50];
	v57 =	vadd.f32 v63, v62;
	v16 =	vadd.f32 v33, v16;
	v53 =	vmul.f32 $2.000000030e-01, v31;
	s2 =	sadd.f32 s3, s2;
	s8 =	spop (v2sf)  }
0x3bc: {  	v21 =	vadd.f32 v27, v21;
	v27 =	vadd.f32 v58, v55;
	s5 =	sadd.f32 s6, s5;
	s9 =	spop (v2sf);
	v15 =	vmax.f32 v15, v60;
	v60 =	vld [tilespmem:s28+$0xFFFFFED0]  }
0x3bd: {  	v62 =	vld [tilespmem:s28+$0xC0];
	v61 =	vmul.f32 $2.000000030e-01, v57;
	v37 =	vadd.f32 v51, v49;
	s3 =	sadd.f32 s8, s7;
	s10 =	spop (v2sf);
	v15 =	vmul.f32 v15, v5  }
0x3be: {  	v55 =	vmul.f32 $2.000000030e-01, v27;
	v11 =	vadd.f32 v25, v11;
	s6 =	sadd.f32 s10, s9;
	v13 =	vadd.f32 v52, v13;
	v52 =	vld [tilespmem:s0+$0x40]  }
0x3bf: {  	v49 =	vld [tilespmem:s0+$0x150];
	s2 =	sadd.f32 s5, s2;
	v25 =	vmax.f32 v57, v61;
	v15 =	vadd.f32 v15, v19;
	v19 =	vmul.f32 $2.000000030e-01, v40  }
0x3c0: {  	v56 =	vmax.f32 v31, v53;
	v57 =	vld [tilespmem:s0+$0xFFFFFE70];
	v25 =	vmul.f32 v25, v7;
	s3 =	sadd.f32 s6, s3;
	v47 =	vmul.f32 $2.000000030e-01, v13  }
0x3c1: {  	v27 =	vmax.f32 v27, v55;
	v19 =	vmax.f32 v40, v19;
	v38 =	vadd.f32 v60, v59;
	v60 =	vld [tilespmem:s0+$0xC0]  }
0x3c2: {  	v25 =	vadd.f32 v25, v28;
	s2 =	sadd.f32 s3, s2;
	v19 =	vmul.f32 v19, v6;
	v13 =	vmax.f32 v13, v47;
	v47 =	vld [tilespmem:s28+$0x140]  }
0x3c3: {  	v59 =	vmul.f32 $2.000000030e-01, v38;
	v13 =	vmul.f32 v13, v7;
	v33 =	vadd.f32 v54, v52;
	v54 =	vld [tilespmem:s0+$0xFFFFFE60]  }
0x3c4: {  	v46 =	vmov s2;
	v19 =	vadd.f32 v19, v23;
	v23 =	vmul.f32 v56, v7;
	v56 =	vld [tilespmem:s28+$0xFFFFFE60]  }
0x3c5: {  	v48 =	vmul.f32 $1.442695020e+00, v46;
	v46 =	vld [tilespmem:s0+$0xFFFFFFC0];
	v36 =	vmax.f32 v38, v59;
	v13 =	vadd.f32 v13, v18  }
0x3c6: {  	v18 =	vadd.f32 v45, v44;
	v22 =	vadd.f32 v23, v22;
	v43 =	vmul.f32 v36, v8;
	v44 =	vld [tilespmem:s28+$0xD0]  }
0x3c7: {  	v53 =	vmul.f32 $2.000000030e-01, v33;
	v29 =	vadd.f32 v62, v60;
	v60 =	vmul.f32 v27, v8;
	v62 =	vld [tilespmem:s0+$0xFFFFFEE0]  }
0x3c8: {  	v34 =	vbroadcast v48, $0x0;
	v48 =	vld [tilespmem:s28+$0xFFFFFFC0];
	v63 =	vmul.f32 $2.000000030e-01, v18;
	v23 =	vadd.f32 v43, v26  }
0x3c9: {  	v33 =	vmax.f32 v33, v53;
	v58 =	vmul.f32 $2.000000030e-01, v29;
	v12 =	vadd.f32 v60, v12;
	v43 =	vld [tilespmem:s28+$0xFFFFFEF0]  }
0x3ca: {  	v33 =	vmul.f32 v33, v7;
	v32 =	vadd.f32 v56, v54;
	v56 =	vld [tilespmem:s0+$0xFFFFFFE0];
	v18 =	vmax.f32 v18, v63  }
0x3cb: {  	(erf) = vpow2.f32 v34;
	v28 =	vmax.f32 v29, v58;
	v63 =	vld [tilespmem:s28+$0xFFFFFEE0];
	v18 =	vmul.f32 v18, v8  }
0x3cc: {  	v58 =	vld [tilespmem:s28+$0xFFFFFFE0];
	v31 =	vadd.f32 v44, v42;
	v14 =	vadd.f32 v33, v14;
	v40 =	vmul.f32 v28, v7  }
0x3cd: {  	v59 =	vld [tilespmem:s28+$0xFFFFFE70];
	v30 =	vadd.f32 v48, v46;
	v48 =	vmul.f32 $2.000000030e-01, v37;
	v18 =	vadd.f32 v18, v20  }
0x3ce: {  	v46 =	vld [tilespmem:s0+$0x140];
	v61 =	vmul.f32 $2.000000030e-01, v31;
	v16 =	vadd.f32 v40, v16;
	v55 =	vadd.f32 v43, v41  }
0x3cf: {  	v51 =	vld [tilespmem:s28+$0x150];
	v45 =	vmul.f32 $2.000000030e-01, v30;
	v52 =	vmax.f32 v37, v48;
	v48 =	vmul.f32 $2.000000030e-01, v32  }
0x3d0: {  	v20 =	vmul.f32 v52, v8;
	v27 =	vmax.f32 v31, v61;
	v29 =	vadd.f32 v63, v62  }
0x3d1: {  	v54 =	vld [tilespmem:s28+$0xFFFFFF70];
	v28 =	vadd.f32 v58, v56;
	v30 =	vmax.f32 v30, v45;
	v44 =	vmul.f32 v27, v8  }
0x3d2: {  	v40 =	vld [tilespmem:s0+$0x70];
	v45 =	vadd.f32 v59, v57;
	v53 =	vmax.f32 v32, v48;
	v59 =	vmul.f32 $2.000000030e-01, v55  }
0x3d3: {  	v41 =	vld [tilespmem:s28+$0x70];
	v50 =	vmul.f32 v30, v7;
	v17 =	vadd.f32 v20, v17;
	v26 =	vadd.f32 v47, v46  }
0x3d4: {  	v52 =	vld [tilespmem:s0+$0xFFFFFF70];
	v30 =	vadd.f32 v51, v49;
	v31 =	vmul.f32 v53, v9;
	v57 =	vmul.f32 $2.000000030e-01, v29  }
0x3d5: {  	v46 =	vld [tilespmem:s0+$0xFFFFFF60];
	v43 =	vmul.f32 $2.000000030e-01, v28;
	v20 =	vadd.f32 v44, v24;
	v51 =	vmul.f32 $2.000000030e-01, v45  }
0x3d6: {  	v49 =	vld [tilespmem:s28+$0xFFFFFF60];
	v27 =	vmax.f32 v55, v59;
	v15 =	vadd.f32 v50, v15;
	v42 =	vmul.f32 $2.000000030e-01, v26  }
0x3d7: {  	v47 =	vmul.f32 $2.000000030e-01, v30;
	v13 =	vadd.f32 v31, v13;
	v24 =	vmax.f32 v29, v57  }
0x3d8: {  	v27 =	vmul.f32 v27, v10;
	v24 =	vmul.f32 v24, v9;
	v26 =	vmax.f32 v26, v42  }
0x3d9: {  	v61 =	vld [tilespmem:s0+$0xFFFFFFF0];
	v63 =	vadd.f32 v54, v52;
	v50 =	vmul.f32 v26, v7;
	v26 =	vmax.f32 v45, v51  }
0x3da: {  	v62 =	vld [tilespmem:s28+$0xFFFFFFF0];
	v30 =	vmax.f32 v30, v47;
	v23 =	vadd.f32 v27, v23;
	v26 =	vmul.f32 v26, v10  }
0x3db: {  	v37 =	vld [tilespmem:s0+$0x60];
	v47 =	vmax.f32 v28, v43;
	v27 =	vadd.f32 v41, v40;
	v60 =	vadd.f32 v49, v46  }
0x3dc: {  	v48 =	vld [tilespmem:s28+$0xE0];
	v38 =	vmul.f32 $2.000000030e-01, v63;
	v22 =	vadd.f32 v24, v22;
	v11 =	vadd.f32 v26, v11  }
0x3dd: {  	v52 =	vld [tilespmem:s28+$0xF0];
	v30 =	vmul.f32 v30, v8;
	v21 =	vadd.f32 v50, v21;
	v36 =	vmul.f32 $2.000000030e-01, v60  }
0x3de: {  	v45 =	vld [tilespmem:s0+$0xE0];
	v42 =	vmax.f32 v63, v38;
	v22 =	vadd.f32 v23, v22;
	v11 =	vadd.f32 v11, v13  }
0x3df: {  	v19 =	vadd.f32 v30, v19;
	v26 =	vadd.f32 v62, v61;
	v30 =	vmul.f32 v42, v10;
	v13 =	vld [tilespmem:s28+$0x60]  }
0x3e0: {  	v50 =	vld [tilespmem:s0+$0xF0];
	v39 =	vmax.f32 v60, v36;
	v51 =	vperm.xlane v22, v2;
	v44 =	vperm.xlane v11, v2  }
0x3e1: {  	v56 =	vmul.f32 $2.000000030e-01, v27;
	v24 =	vmul.f32 v39, v9;
	v18 =	vadd.f32 v30, v18  }
0x3e2: {  	v49 =	vmul.f32 $2.000000030e-01, v26;
	v22 =	vadd.f32 v22, v51;
	v11 =	vadd.f32 v11, v44  }
0x3e3: {  	v46 =	vadd.f32 v24, v25;
	v24 =	vmul.f32 v47, v9;
	v25 =	vadd.f32 v48, v45  }
0x3e4: {  	v54 =	vmax.f32 v26, v49;
	v13 =	vadd.f32 v13, v37;
	(v2sf) =	vpush v11, $0x0  }
0x3e5: {  	v30 =	vadd.f32 v52, v50;
	v23 =	vmul.f32 v54, v10;
	(v2sf) =	vpush v11, $0x1  }
0x3e6: {  	v55 =	vld [tilespmem:s0+$0x160];
	v18 =	vadd.f32 v18, v46;
	v53 =	vmul.f32 $2.000000030e-01, v13;
	(v2sf) =	vpush v11, $0x2  }
0x3e7: {  	v57 =	vld [tilespmem:s28+$0x160];
	v26 =	vmax.f32 v27, v56;
	v15 =	vadd.f32 v24, v15;
	(v2sf) =	vpush v11, $0x3  }
0x3e8: {  	v59 =	vld [tilespmem:s0+$0x170];
	v17 =	vadd.f32 v23, v17;
	v13 =	vmax.f32 v13, v53;
	(v2sf) =	vpush v11, $0x4  }
0x3e9: {  	v60 =	vld [tilespmem:s28+$0x170];
	v61 =	vmul.f32 $2.000000030e-01, v30;
	v13 =	vmul.f32 v13, v9;
	(v2sf) =	vpush v11, $0x5  }
0x3ea: {  	v15 =	vadd.f32 v17, v15;
	v17 =	vmul.f32 $2.000000030e-01, v25;
	(v2sf) =	vpush v11, $0x6  }
0x3eb: {  	v13 =	vadd.f32 v13, v14;
	v14 =	vmul.f32 v26, v10;
	(v2sf) =	vpush v11, $0x7  }
0x3ec: {  	v11 =	vmax.f32 v25, v17;
	v17 =	vadd.f32 v57, v55;
	(v2sf) =	vpush v22, $0x0  }
0x3ed: {  	v58 =	vperm.xlane v18, v2;
	v12 =	vadd.f32 v14, v12;
	(v2sf) =	vpush v22, $0x1  }
0x3ee: {  	v11 =	vmul.f32 v11, v9;
	v14 =	vadd.f32 v60, v59;
	(v2sf) =	vpush v22, $0x2  }
0x3ef: {  	v62 =	vmax.f32 v30, v61;
	v12 =	vadd.f32 v12, v13;
	(v2sf) =	vpush v22, $0x3  }
0x3f0: {  	v13 =	vmul.f32 $2.000000030e-01, v17;
	v11 =	vadd.f32 v11, v16;
	(v2sf) =	vpush v22, $0x4  }
0x3f1: {  	v16 =	vmul.f32 v62, v10;
	v63 =	vmul.f32 $2.000000030e-01, v14;
	(v2sf) =	vpush v22, $0x5  }
0x3f2: {  	v13 =	vmax.f32 v17, v13;
	v17 =	vadd.f32 v18, v58;
	(v2sf) =	vpush v22, $0x6  }
0x3f3: {  	v14 =	vmax.f32 v14, v63;
	v13 =	vmul.f32 v13, v9;
	s11 =	spop (v2sf);
	(v2sf) =	vpush v22, $0x7  }
0x3f4: {  	v16 =	vadd.f32 v16, v20;
	v14 =	vmul.f32 v14, v10;
	s12 =	spop (v2sf);
	(v2sf) =	vpush v17, $0x0  }
0x3f5: {  	v13 =	vadd.f32 v13, v21;
	s13 =	spop (v2sf);
	(v2sf) =	vpush v17, $0x1  }
0x3f6: {  	v18 =	vperm.xlane v15, v2;
	v14 =	vadd.f32 v14, v19;
	s24 =	spop (v2sf);
	(v2sf) =	vpush v17, $0x2  }
0x3f7: {  	v11 =	vadd.f32 v16, v11;
	v19 =	vperm.xlane v12, v2;
	s26 =	spop (v2sf);
	(v2sf) =	vpush v17, $0x3  }
0x3f8: {  	s0 =	sadd.f32 s12, s11;
	v13 =	vadd.f32 v14, v13;
	s29 =	spop (v2sf);
	(v2sf) =	vpush v17, $0x4  }
0x3f9: {  	s2 =	simm.s32 $0xEE60;
	v16 =	vadd.f32 v15, v18;
	v14 =	vperm.xlane v11, v2;
	s3 =	sadd.f32 s24, s13;
	s30 =	spop (v2sf);
	(v2sf) =	vpush v17, $0x5  }
0x3fa: {  	v15 =	vadd.f32 v12, v19;
	s12 =	simm.s32 $0x0;
	v18 =	vperm.xlane v13, v2;
	s7 =	sadd.f32 s29, s26;
	s31 =	spop (v2sf);
	(v2sf) =	vpush v17, $0x6  }
0x3fb: {  	v19 =	vpop (erf);
	v12 =	vadd.f32 v11, v14;
	s0 =	sadd.f32 s3, s0;
	s26 =	simm.s32 $0x5420;
	s9 =	spop (v2sf);
	(v2sf) =	vpush v17, $0x7  }
0x3fc: {  	[tilespmem:s2+$0x30] =	vst v19;
	v11 =	vadd.f32 v13, v18;
	s3 =	simm.s32 $0xEE60;
	s8 =	sadd.f32 s31, s30;
	s24 =	spop (v2sf);
	(v2sf) =	vpush v16, $0x0  }
.LBB2_10:
0x3fd: {  	v13 =	vld [tilespmem:s26+$0x1E0];
	s5 =	sadd.f32 s24, s9;
	s28 =	sadd.s32 $0x400, s28;
	s6 =	spop (v2sf);
	(v2sf) =	vpush v16, $0x1  }
0x3fe: {  	s7 =	sadd.f32 s8, s7;
	v14 =	vld [tilespmem:s28+$0x1E0];
	s8 =	spop (v2sf);
	(v2sf) =	vpush v16, $0x2  }
0x3ff: {  	v17 =	vld [tilespmem:s26+$0x1F0];
	s6 =	sadd.f32 s8, s6;
	s8 =	spop (v2sf);
	(v2sf) =	vpush v16, $0x3  }
0x400: {  	s0 =	sadd.f32 s7, s0;
	v18 =	vld [tilespmem:s28+$0x1F0];
	s7 =	spop (v2sf);
	(v2sf) =	vpush v16, $0x4  }
0x401: {  	v19 =	vld [tilespmem:s26+$0x1C0];
	s7 =	sadd.f32 s7, s8;
	s8 =	spop (v2sf);
	(v2sf) =	vpush v16, $0x5  }
0x402: {  	v21 =	vmov s0;
	s0 =	sadd.f32 s6, s5;
	v20 =	vld [tilespmem:s28+$0x1C0];
	s5 =	spop (v2sf);
	(v2sf) =	vpush v16, $0x6  }
0x403: {  	v21 =	vmul.f32 $1.442695020e+00, v21;
	v22 =	vld [tilespmem:s26+$0x1D0];
	s5 =	sadd.f32 s5, s8;
	s6 =	spop (v2sf);
	(v2sf) =	vpush v16, $0x7  }
0x404: {  	v16 =	vld [tilespmem:s28+$0x1D0];
	s8 =	spop (v2sf);
	(v2sf) =	vpush v15, $0x0  }
0x405: {  	v21 =	vbroadcast v21, $0x0;
	v23 =	vld [tilespmem:s26+$0x1A0];
	s6 =	sadd.f32 s8, s6;
	s8 =	spop (v2sf);
	(v2sf) =	vpush v15, $0x1  }
0x406: {  	s5 =	sadd.f32 s5, s7;
	v24 =	vld [tilespmem:s28+$0x1A0];
	s7 =	spop (v2sf);
	(v2sf) =	vpush v15, $0x2  }
0x407: {  	v25 =	vld [tilespmem:s26+$0x180];
	s7 =	sadd.f32 s7, s8;
	(erf) = vpow2.f32 v21;
	s8 =	spop (v2sf);
	(v2sf) =	vpush v15, $0x3  }
0x408: {  	s0 =	sadd.f32 s5, s0;
	v21 =	vld [tilespmem:s28+$0x180];
	s5 =	spop (v2sf);
	(v2sf) =	vpush v15, $0x4  }
0x409: {  	v26 =	vld [tilespmem:s26+$0x190];
	s5 =	sadd.f32 s5, s8;
	s8 =	spop (v2sf);
	(v2sf) =	vpush v15, $0x5  }
0x40a: {  	v28 =	vmov s0;
	s0 =	sadd.f32 s7, s6;
	v27 =	vld [tilespmem:s28+$0x190];
	s6 =	spop (v2sf);
	(v2sf) =	vpush v15, $0x6  }
0x40b: {  	v28 =	vmul.f32 $1.442695020e+00, v28;
	v29 =	vld [tilespmem:s26+$0x1B0];
	s6 =	sadd.f32 s6, s8;
	s7 =	spop (v2sf);
	(v2sf) =	vpush v15, $0x7  }
0x40c: {  	v30 =	vld [tilespmem:s28+$0x1B0];
	s8 =	spop (v2sf);
	(v2sf) =	vpush v12, $0x0  }
0x40d: {  	v14 =	vadd.f32 v14, v13;
	v17 =	vadd.f32 v18, v17;
	v13 =	vbroadcast v28, $0x0;
	v15 =	vld [tilespmem:s28+$0xFFFFFE00];
	s8 =	sadd.f32 s8, s7;
	s7 =	spop (v2sf)  }
0x40e: {  	v19 =	vadd.f32 v20, v19;
	v16 =	vadd.f32 v16, v22;
	s5 =	sadd.f32 s6, s5;
	v18 =	vld [tilespmem:s26+$0xFFFFFE10];
	s6 =	spop (v2sf)  }
0x40f: {  	v21 =	vadd.f32 v21, v25;
	v25 =	vmul.f32 $2.000000030e-01, v14;
	v20 =	vld [tilespmem:s28+$0xFFFFFE10];
	v22 =	vadd.f32 v27, v26;
	s6 =	sadd.f32 s6, s7;
	s9 =	spop (v2sf)  }
0x410: {  	v23 =	vadd.f32 v24, v23;
	v24 =	vmul.f32 $2.000000030e-01, v19;
	v27 =	vmul.f32 $2.000000030e-01, v17;
	s7 =	sadd.f32 s5, s0;
	v26 =	vld [tilespmem:s26+$0xFFFFFE80];
	v28 =	vpop (erf);
	s0 =	spop (v2sf)  }
0x411: {  	s12 =	sadd.s32 $0x8, s12;
	v32 =	vmul.f32 $2.000000030e-01, v21;
	v31 =	vld [tilespmem:s28+$0xFFFFFE80];
	v33 =	vmul.f32 $2.000000030e-01, v22;
	v29 =	vadd.f32 v30, v29;
	[tilespmem:s2+$0xFFFFFFC0] =	vst v28;
	s0 =	sadd.f32 s0, s9;
	s5 =	spop (v2sf)  }
0x412: {  	p0 =	slt.u32 s12, $0x48;
	v34 =	vmul.f32 $2.000000030e-01, v16;
	v30 =	vmul.f32 $2.000000030e-01, v23;
	s6 =	sadd.f32 s6, s8;
	v28 =	vld [tilespmem:s26+$0xFFFFFE90];
	s8 =	spop (v2sf);
	(v2sf) =	vpush v12, $0x1  }
0x413: {  	v21 =	vmax.f32 v21, v32;
	v35 =	vld [tilespmem:s28+$0xFFFFFE90];
	v22 =	vmax.f32 v22, v33;
	v32 =	vmul.f32 $2.000000030e-01, v29;
	s5 =	sadd.f32 s8, s5;
	s8 =	spop (v2sf)  }
0x414: {  	v21 =	vmul.f32 v21, v3;
	v23 =	vmax.f32 v23, v30;
	v33 =	vld [tilespmem:s26+$0xFFFFFF00];
	v22 =	vmul.f32 v22, v4;
	s9 =	spop (v2sf)  }
0x415: {  	v19 =	vmax.f32 v19, v24;
	v23 =	vmul.f32 v23, v5;
	v30 =	vld [tilespmem:s28+$0xFFFFFF00];
	v29 =	vmax.f32 v29, v32;
	s8 =	sadd.f32 s9, s8;
	s9 =	spop (v2sf)  }
0x416: {  	v21 =	vadd.f32 $0.0e+00, v21;
	s0 =	sadd.f32 s5, s0;
	v24 =	vld [tilespmem:s26+$0xFFFFFF10];
	v22 =	vadd.f32 $0.0e+00, v22;
	v29 =	vmul.f32 v29, v6;
	s5 =	spop (v2sf)  }
0x417: {  	v16 =	vmax.f32 v16, v34;
	v19 =	vmul.f32 v19, v7;
	v14 =	vmax.f32 v14, v25;
	v32 =	vld [tilespmem:s28+$0xFFFFFF10];
	s5 =	sadd.f32 s5, s9;
	s9 =	spop (v2sf)  }
0x418: {  	v16 =	vmul.f32 v16, v8;
	v21 =	vadd.f32 v23, v21;
	s0 =	sadd.f32 s0, s6;
	v25 =	vld [tilespmem:s26+$0xFFFFFF80];
	v22 =	vadd.f32 v29, v22;
	s6 =	spop (v2sf)  }
0x419: {  	v14 =	vmul.f32 v14, v9;
	v17 =	vmax.f32 v17, v27;
	v18 =	vadd.f32 v20, v18;
	v20 =	vld [tilespmem:s28+$0xFFFFFF80];
	s6 =	sadd.f32 s6, s9;
	s9 =	spop (v2sf)  }
0x41a: {  	v17 =	vmul.f32 v17, v10;
	v19 =	vadd.f32 v19, v21;
	s5 =	sadd.f32 s5, s8;
	v23 =	vld [tilespmem:s26+$0xFFFFFF90];
	v16 =	vadd.f32 v16, v22;
	s8 =	spop (v2sf)  }
0x41b: {  	v21 =	vmul.f32 $2.000000030e-01, v18;
	v22 =	vadd.f32 v31, v26;
	v26 =	vadd.f32 v35, v28;
	v27 =	vld [tilespmem:s28+$0xFFFFFF90];
	s8 =	sadd.f32 s8, s9;
	s9 =	spop (v2sf)  }
0x41c: {  	v19 =	vadd.f32 v14, v19;
	v14 =	vmov s7;
	v28 =	vld [tilespmem:s26+$0x0];
	v16 =	vadd.f32 v17, v16  }
0x41d: {  	v29 =	vadd.f32 v30, v33;
	v17 =	vmul.f32 $2.000000030e-01, v22;
	v24 =	vadd.f32 v32, v24;
	v30 =	vld [tilespmem:s28+$0x0];
	s6 =	sadd.f32 s8, s6  }
0x41e: {  	v31 =	vmul.f32 $2.000000030e-01, v26;
	v20 =	vadd.f32 v20, v25;
	v25 =	vld [tilespmem:s26+$0x10];
	v16 =	vadd.f32 v16, v19  }
0x41f: {  	v18 =	vmax.f32 v18, v21;
	v19 =	vmul.f32 $2.000000030e-01, v29;
	v21 =	vmul.f32 $2.000000030e-01, v24;
	v32 =	vld [tilespmem:s28+$0x10];
	s7 =	sadd.f32 s6, s5  }
0x420: {  	v33 =	vmul.f32 $2.000000030e-01, v20;
	v23 =	vadd.f32 v27, v23;
	v27 =	vld [tilespmem:s26+$0x80];
	v34 =	vperm.xlane v16, v2  }
0x421: {  	v17 =	vmax.f32 v22, v17;
	v22 =	vmax.f32 v26, v31;
	v19 =	vmax.f32 v29, v19;
	v26 =	vld [tilespmem:s28+$0x80];
	s5 =	spop (v2sf)  }
0x422: {  	v29 =	vmul.f32 $2.000000030e-01, v23;
	v28 =	vadd.f32 v30, v28;
	v30 =	vld [tilespmem:s26+$0x90];
	v16 =	vadd.f32 v16, v34;
	s8 =	sadd.f32 s5, s9  }
0x423: {  	v18 =	vmul.f32 v18, v4;
	v21 =	vmax.f32 v24, v21;
	v20 =	vmax.f32 v20, v33;
	v24 =	vld [tilespmem:s28+$0x90]  }
0x424: {  	v31 =	vmul.f32 $2.000000030e-01, v28;
	v25 =	vadd.f32 v32, v25;
	v32 =	vld [tilespmem:s26+$0x100];
	(v2sf) =	vpush v16, $0x0  }
0x425: {  	v17 =	vmul.f32 v17, v3;
	v23 =	vmax.f32 v23, v29;
	v29 =	vld [tilespmem:s28+$0x100];
	(v2sf) =	vpush v16, $0x1  }
0x426: {  	v33 =	vmul.f32 $2.000000030e-01, v25;
	v26 =	vadd.f32 v26, v27;
	v27 =	vld [tilespmem:s26+$0x110];
	(v2sf) =	vpush v16, $0x2  }
0x427: {  	v22 =	vmul.f32 v22, v4;
	v28 =	vmax.f32 v28, v31;
	v31 =	vld [tilespmem:s28+$0x110];
	(v2sf) =	vpush v16, $0x3  }
0x428: {  	v34 =	vld [tilespmem:s26+$0xFFFFFE00];
	v35 =	vmul.f32 $2.000000030e-01, v26;
	v24 =	vadd.f32 v24, v30;
	(v2sf) =	vpush v16, $0x4  }
0x429: {  	v19 =	vmul.f32 v19, v3;
	v25 =	vmax.f32 v25, v33;
	v30 =	vld [tilespmem:s26+$0xFFFFFE20];
	(v2sf) =	vpush v16, $0x5  }
0x42a: {  	v33 =	vld [tilespmem:s28+$0xFFFFFE20];
	v36 =	vmul.f32 $2.000000030e-01, v24;
	v29 =	vadd.f32 v29, v32;
	(v2sf) =	vpush v16, $0x6  }
0x42b: {  	v21 =	vmul.f32 v21, v4;
	v26 =	vmax.f32 v26, v35;
	v32 =	vld [tilespmem:s26+$0xFFFFFE30];
	(v2sf) =	vpush v16, $0x7  }
0x42c: {  	v16 =	vld [tilespmem:s28+$0xFFFFFE30];
	v24 =	vmax.f32 v24, v36;
	v35 =	vmul.f32 $2.000000030e-01, v29;
	v27 =	vadd.f32 v31, v27  }
0x42d: {  	v20 =	vmul.f32 v20, v3;
	v23 =	vmul.f32 v23, v4;
	v15 =	vadd.f32 v15, v34;
	v31 =	vld [tilespmem:s26+$0xFFFFFEA0]  }
0x42e: {  	v28 =	vmul.f32 v28, v3;
	v34 =	vld [tilespmem:s28+$0xFFFFFEA0];
	v29 =	vmax.f32 v29, v35;
	v35 =	vmul.f32 $2.000000030e-01, v27  }
0x42f: {  	v25 =	vmul.f32 v25, v4;
	v36 =	vmul.f32 $2.000000030e-01, v15;
	v30 =	vadd.f32 v33, v30;
	v33 =	vld [tilespmem:s26+$0xFFFFFEB0]  }
0x430: {  	v26 =	vmul.f32 v26, v3;
	v24 =	vmul.f32 v24, v4;
	v37 =	vld [tilespmem:s28+$0xFFFFFEB0];
	v27 =	vmax.f32 v27, v35  }
0x431: {  	v15 =	vmax.f32 v15, v36;
	v35 =	vmul.f32 $2.000000030e-01, v30;
	v16 =	vadd.f32 v16, v32;
	v32 =	vld [tilespmem:s26+$0xFFFFFF20]  }
0x432: {  	v18 =	vadd.f32 $0.0e+00, v18;
	v29 =	vmul.f32 v29, v3;
	v15 =	vmul.f32 v15, v3;
	v36 =	vld [tilespmem:s28+$0xFFFFFF20]  }
0x433: {  	v27 =	vmul.f32 v27, v4;
	v38 =	vmul.f32 $2.000000030e-01, v16;
	v31 =	vadd.f32 v34, v31;
	v34 =	vld [tilespmem:s26+$0xFFFFFF30];
	s5 =	spop (v2sf)  }
0x434: {  	v17 =	vadd.f32 $0.0e+00, v17;
	v30 =	vmax.f32 v30, v35;
	v15 =	vadd.f32 $0.0e+00, v15;
	v35 =	vld [tilespmem:s28+$0xFFFFFF30];
	s6 =	spop (v2sf)  }
0x435: {  	v16 =	vmax.f32 v16, v38;
	v38 =	vmul.f32 $2.000000030e-01, v31;
	v33 =	vadd.f32 v37, v33;
	v37 =	vld [tilespmem:s26+$0xFFFFFFA0];
	s9 =	spop (v2sf)  }
0x436: {  	v22 =	vadd.f32 $0.0e+00, v22;
	v19 =	vadd.f32 $0.0e+00, v19;
	v30 =	vmul.f32 v30, v5;
	v39 =	vld [tilespmem:s28+$0xFFFFFFA0];
	s10 =	spop (v2sf)  }
0x437: {  	v31 =	vmax.f32 v31, v38;
	v38 =	vmul.f32 $2.000000030e-01, v33;
	v32 =	vadd.f32 v36, v32;
	v36 =	vld [tilespmem:s26+$0xFFFFFFB0];
	s11 =	spop (v2sf)  }
0x438: {  	v21 =	vadd.f32 $0.0e+00, v21;
	v20 =	vadd.f32 $0.0e+00, v20;
	s5 =	sadd.f32 s6, s5;
	v16 =	vmul.f32 v16, v6;
	v40 =	vld [tilespmem:s28+$0xFFFFFFB0];
	s6 =	spop (v2sf)  }
0x439: {  	s9 =	sadd.f32 s10, s9;
	v33 =	vmax.f32 v33, v38;
	v38 =	vmul.f32 $2.000000030e-01, v32;
	v34 =	vadd.f32 v35, v34;
	v35 =	vld [tilespmem:s26+$0x20];
	s10 =	spop (v2sf)  }
0x43a: {  	v23 =	vadd.f32 $0.0e+00, v23;
	v28 =	vadd.f32 $0.0e+00, v28;
	v31 =	vmul.f32 v31, v5;
	s6 =	sadd.f32 s6, s11;
	v41 =	vld [tilespmem:s28+$0x20];
	s11 =	spop (v2sf)  }
0x43b: {  	v32 =	vmax.f32 v32, v38;
	v38 =	vmul.f32 $2.000000030e-01, v34;
	v37 =	vadd.f32 v39, v37;
	v39 =	vld [tilespmem:s26+$0x30];
	s10 =	sadd.f32 s11, s10  }
0x43c: {  	v25 =	vadd.f32 $0.0e+00, v25;
	v26 =	vadd.f32 $0.0e+00, v26;
	s5 =	sadd.f32 s9, s5;
	v33 =	vmul.f32 v33, v6;
	v42 =	vld [tilespmem:s28+$0x30]  }
0x43d: {  	v34 =	vmax.f32 v34, v38;
	v38 =	vmul.f32 $2.000000030e-01, v37;
	v36 =	vadd.f32 v40, v36;
	v40 =	vld [tilespmem:s26+$0xA0];
	s6 =	sadd.f32 s10, s6  }
0x43e: {  	v24 =	vadd.f32 $0.0e+00, v24;
	v29 =	vadd.f32 $0.0e+00, v29;
	v32 =	vmul.f32 v32, v5;
	v43 =	vld [tilespmem:s28+$0xA0]  }
0x43f: {  	v37 =	vmax.f32 v37, v38;
	v38 =	vmul.f32 $2.000000030e-01, v36;
	v35 =	vadd.f32 v41, v35;
	v41 =	vld [tilespmem:s26+$0xB0];
	s5 =	sadd.f32 s6, s5  }
0x440: {  	v27 =	vadd.f32 $0.0e+00, v27;
	v34 =	vmul.f32 v34, v6;
	v37 =	vmul.f32 v37, v5;
	v44 =	vld [tilespmem:s28+$0xB0]  }
0x441: {  	v45 =	vmul.f32 $2.000000030e-01, v35;
	v39 =	vadd.f32 v42, v39;
	v42 =	vld [tilespmem:s26+$0x120];
	v46 =	vmov s5  }
0x442: {  	v15 =	vadd.f32 v30, v15;
	v30 =	vmax.f32 v36, v38;
	v36 =	vld [tilespmem:s28+$0x120];
	v38 =	vmul.f32 $1.442695020e+00, v46  }
0x443: {  	v35 =	vmax.f32 v35, v45;
	v45 =	vmul.f32 $2.000000030e-01, v39;
	v40 =	vadd.f32 v43, v40;
	v43 =	vld [tilespmem:s26+$0x130]  }
0x444: {  	v16 =	vadd.f32 v16, v18;
	v18 =	vmul.f32 v30, v6;
	v30 =	vld [tilespmem:s28+$0x130];
	v38 =	vbroadcast v38, $0x0  }
0x445: {  	v46 =	vld [tilespmem:s26+$0xFFFFFE40];
	v39 =	vmax.f32 v39, v45;
	v45 =	vmul.f32 $2.000000030e-01, v40;
	v41 =	vadd.f32 v44, v41  }
0x446: {  	v17 =	vadd.f32 v31, v17;
	v31 =	vmul.f32 v35, v5;
	v44 =	vld [tilespmem:s28+$0xFFFFFE40];
	(erf) = vpow2.f32 v38  }
0x447: {  	v35 =	vld [tilespmem:s26+$0xFFFFFE50];
	v38 =	vmax.f32 v40, v45;
	v40 =	vmul.f32 $2.000000030e-01, v41;
	v36 =	vadd.f32 v36, v42  }
0x448: {  	v22 =	vadd.f32 v33, v22;
	v33 =	vmul.f32 v39, v6;
	v42 =	vld [tilespmem:s28+$0xFFFFFE50];
	v38 =	vmul.f32 v38, v5  }
0x449: {  	v39 =	vld [tilespmem:s26+$0xFFFFFEC0];
	v40 =	vmax.f32 v41, v40;
	v41 =	vmul.f32 $2.000000030e-01, v36;
	v30 =	vadd.f32 v30, v43  }
0x44a: {  	v19 =	vadd.f32 v32, v19;
	v21 =	vadd.f32 v34, v21;
	v43 =	vld [tilespmem:s28+$0xFFFFFEC0];
	v32 =	vmul.f32 v40, v6  }
0x44b: {  	v34 =	vadd.f32 v44, v46;
	v40 =	vld [tilespmem:s26+$0xFFFFFED0];
	v36 =	vmax.f32 v36, v41;
	v41 =	vmul.f32 $2.000000030e-01, v30  }
0x44c: {  	v37 =	vadd.f32 v37, v20;
	v18 =	vadd.f32 v18, v23;
	v44 =	vld [tilespmem:s28+$0xFFFFFED0];
	v20 =	vmul.f32 v36, v5  }
0x44d: {  	v23 =	vmul.f32 $2.000000030e-01, v34;
	v35 =	vadd.f32 v42, v35;
	v36 =	vld [tilespmem:s26+$0xFFFFFF40];
	v30 =	vmax.f32 v30, v41  }
0x44e: {  	v28 =	vadd.f32 v31, v28;
	v31 =	vadd.f32 v33, v25;
	v41 =	vld [tilespmem:s28+$0xFFFFFF40];
	v25 =	vmul.f32 v30, v6  }
0x44f: {  	s2 =	sadd.s32 $0x80, s2;
	v23 =	vmax.f32 v34, v23;
	v30 =	vmul.f32 $2.000000030e-01, v35;
	v33 =	vadd.f32 v43, v39;
	v34 =	vld [tilespmem:s26+$0xFFFFFF50];
	v39 =	vpop (erf)  }
0x450: {  	v38 =	vadd.f32 v38, v26;
	v32 =	vadd.f32 v32, v24;
	v23 =	vmul.f32 v23, v7;
	v42 =	vld [tilespmem:s28+$0xFFFFFF50];
	[tilespmem:s2+$0x30] =	vst v39  }
0x451: {  	v24 =	vmax.f32 v35, v30;
	v26 =	vmul.f32 $2.000000030e-01, v33;
	v30 =	vadd.f32 v44, v40;
	v35 =	vld [tilespmem:s26+$0xFFFFFFC0]  }
0x452: {  	v29 =	vadd.f32 v20, v29;
	v25 =	vadd.f32 v25, v27;
	v24 =	vmul.f32 v24, v8;
	v39 =	vld [tilespmem:s28+$0xFFFFFFC0]  }
0x453: {  	v20 =	vmax.f32 v33, v26;
	v33 =	vmul.f32 $2.000000030e-01, v30;
	v36 =	vadd.f32 v41, v36;
	v40 =	vld [tilespmem:s26+$0xFFFFFFD0]  }
0x454: {  	v27 =	vadd.f32 v23, v15;
	v26 =	vadd.f32 v24, v16;
	v15 =	vmul.f32 v20, v7;
	v16 =	vld [tilespmem:s28+$0xFFFFFFD0]  }
0x455: {  	v20 =	vmax.f32 v30, v33;
	v23 =	vmul.f32 $2.000000030e-01, v36;
	v30 =	vadd.f32 v42, v34;
	v33 =	vld [tilespmem:s26+$0x40]  }
0x456: {  	v24 =	vadd.f32 v15, v17;
	v15 =	vmul.f32 v20, v8;
	v17 =	vld [tilespmem:s28+$0x40];
	(v2sf) =	vpush v12, $0x2  }
0x457: {  	v20 =	vmax.f32 v36, v23;
	v23 =	vmul.f32 $2.000000030e-01, v30;
	v34 =	vadd.f32 v39, v35;
	v35 =	vld [tilespmem:s26+$0x50]  }
0x458: {  	v22 =	vadd.f32 v15, v22;
	v15 =	vmul.f32 v20, v7;
	v36 =	vld [tilespmem:s28+$0x50];
	(v2sf) =	vpush v12, $0x3  }
0x459: {  	v23 =	vmax.f32 v30, v23;
	v30 =	vmul.f32 $2.000000030e-01, v34;
	v16 =	vadd.f32 v16, v40;
	v39 =	vld [tilespmem:s26+$0xC0]  }
0x45a: {  	v20 =	vadd.f32 v15, v19;
	v15 =	vmul.f32 v23, v8;
	v23 =	vld [tilespmem:s28+$0xC0];
	(v2sf) =	vpush v12, $0x4  }
0x45b: {  	v30 =	vmax.f32 v34, v30;
	v34 =	vmul.f32 $2.000000030e-01, v16;
	v33 =	vadd.f32 v17, v33;
	v40 =	vld [tilespmem:s26+$0xD0]  }
0x45c: {  	v19 =	vadd.f32 v15, v21;
	v15 =	vmul.f32 v30, v7;
	v21 =	vld [tilespmem:s28+$0xD0];
	(v2sf) =	vpush v12, $0x5  }
0x45d: {  	v16 =	vmax.f32 v16, v34;
	v30 =	vmul.f32 $2.000000030e-01, v33;
	v34 =	vadd.f32 v36, v35;
	v35 =	vld [tilespmem:s26+$0x140]  }
0x45e: {  	v17 =	vadd.f32 v15, v37;
	v15 =	vmul.f32 v16, v8;
	v16 =	vld [tilespmem:s28+$0x140];
	(v2sf) =	vpush v12, $0x6  }
0x45f: {  	v30 =	vmax.f32 v33, v30;
	v33 =	vmul.f32 $2.000000030e-01, v34;
	v23 =	vadd.f32 v23, v39;
	v36 =	vld [tilespmem:s26+$0x150]  }
0x460: {  	v15 =	vadd.f32 v15, v18;
	v18 =	vmul.f32 v30, v7;
	v30 =	vld [tilespmem:s28+$0x150];
	(v2sf) =	vpush v12, $0x7  }
0x461: {  	v37 =	vld [tilespmem:s26+$0xFFFFFE60];
	v33 =	vmax.f32 v34, v33;
	v34 =	vmul.f32 $2.000000030e-01, v23;
	v21 =	vadd.f32 v21, v40  }
0x462: {  	v39 =	vld [tilespmem:s28+$0xFFFFFE60];
	v12 =	vadd.f32 v18, v28;
	v18 =	vmul.f32 v33, v8;
	(v2sf) =	vpush v11, $0x0  }
0x463: {  	v28 =	vld [tilespmem:s26+$0xFFFFFE70];
	v23 =	vmax.f32 v23, v34;
	v33 =	vmul.f32 $2.000000030e-01, v21;
	v34 =	vadd.f32 v16, v35  }
0x464: {  	v35 =	vld [tilespmem:s28+$0xFFFFFE70];
	v16 =	vadd.f32 v18, v31;
	v18 =	vmul.f32 v23, v7;
	(v2sf) =	vpush v11, $0x1  }
0x465: {  	v31 =	vld [tilespmem:s26+$0xFFFFFEE0];
	v21 =	vmax.f32 v21, v33;
	v23 =	vmul.f32 $2.000000030e-01, v34;
	v30 =	vadd.f32 v30, v36;
	s5 =	spop (v2sf)  }
0x466: {  	v33 =	vld [tilespmem:s28+$0xFFFFFEE0];
	v18 =	vadd.f32 v18, v38;
	v21 =	vmul.f32 v21, v8;
	(v2sf) =	vpush v11, $0x2  }
0x467: {  	v36 =	vadd.f32 v39, v37;
	v37 =	vld [tilespmem:s26+$0xFFFFFEF0];
	v23 =	vmax.f32 v34, v23;
	v34 =	vmul.f32 $2.000000030e-01, v30;
	s6 =	spop (v2sf)  }
0x468: {  	v38 =	vld [tilespmem:s28+$0xFFFFFEF0];
	v21 =	vadd.f32 v21, v32;
	v23 =	vmul.f32 v23, v7;
	s5 =	sadd.f32 s6, s5;
	(v2sf) =	vpush v11, $0x3  }
0x469: {  	v32 =	vmul.f32 $2.000000030e-01, v36;
	v28 =	vadd.f32 v35, v28;
	v35 =	vld [tilespmem:s26+$0xFFFFFF60];
	v30 =	vmax.f32 v30, v34;
	s6 =	spop (v2sf)  }
0x46a: {  	v34 =	vld [tilespmem:s28+$0xFFFFFF60];
	v23 =	vadd.f32 v23, v29;
	v29 =	vmul.f32 v30, v8;
	s8 =	sadd.f32 s5, s8;
	(v2sf) =	vpush v11, $0x4  }
0x46b: {  	v30 =	vmax.f32 v36, v32;
	v32 =	vmul.f32 $2.000000030e-01, v28;
	v31 =	vadd.f32 v33, v31;
	v33 =	vld [tilespmem:s26+$0xFFFFFF70];
	s5 =	spop (v2sf)  }
0x46c: {  	v30 =	vmul.f32 v30, v9;
	v36 =	vld [tilespmem:s28+$0xFFFFFF70];
	v25 =	vadd.f32 v29, v25;
	s5 =	sadd.f32 s5, s6;
	(v2sf) =	vpush v11, $0x5  }
0x46d: {  	v28 =	vmax.f32 v28, v32;
	v29 =	vmul.f32 $2.000000030e-01, v31;
	v32 =	vadd.f32 v38, v37;
	v37 =	vld [tilespmem:s26+$0xFFFFFFE0];
	s6 =	spop (v2sf)  }
0x46e: {  	v27 =	vadd.f32 v30, v27;
	v28 =	vmul.f32 v28, v10;
	v30 =	vld [tilespmem:s28+$0xFFFFFFE0];
	(v2sf) =	vpush v11, $0x6  }
0x46f: {  	v29 =	vmax.f32 v31, v29;
	v31 =	vmul.f32 $2.000000030e-01, v32;
	v34 =	vadd.f32 v34, v35;
	v35 =	vld [tilespmem:s26+$0xFFFFFFF0];
	s9 =	spop (v2sf)  }
0x470: {  	v26 =	vadd.f32 v28, v26;
	v28 =	vmul.f32 v29, v9;
	v29 =	vld [tilespmem:s28+$0xFFFFFFF0];
	s6 =	sadd.f32 s9, s6;
	(v2sf) =	vpush v11, $0x7  }
0x471: {  	v11 =	vmax.f32 v32, v31;
	v31 =	vmul.f32 $2.000000030e-01, v34;
	v32 =	vadd.f32 v36, v33;
	v33 =	vld [tilespmem:s26+$0x60];
	s9 =	spop (v2sf)  }
0x472: {  	v26 =	vadd.f32 v26, v27;
	v24 =	vadd.f32 v28, v24;
	v11 =	vmul.f32 v11, v10;
	v27 =	vld [tilespmem:s28+$0x60];
	s5 =	sadd.f32 s6, s5  }
0x473: {  	v28 =	vmax.f32 v34, v31;
	v31 =	vmul.f32 $2.000000030e-01, v32;
	v30 =	vadd.f32 v30, v37;
	v34 =	vld [tilespmem:s26+$0x70];
	s6 =	spop (v2sf)  }
0x474: {  	v36 =	vperm.xlane v26, v2;
	v11 =	vadd.f32 v11, v22;
	v22 =	vmul.f32 v28, v9;
	v28 =	vld [tilespmem:s28+$0x70];
	s6 =	sadd.f32 s6, s9  }
0x475: {  	s8 =	sadd.f32 s5, s8;
	v31 =	vmax.f32 v32, v31;
	v32 =	vmul.f32 $2.000000030e-01, v30;
	v29 =	vadd.f32 v29, v35;
	v35 =	vld [tilespmem:s26+$0xE0];
	s5 =	spop (v2sf)  }
0x476: {  	v11 =	vadd.f32 v11, v24;
	v20 =	vadd.f32 v22, v20;
	v22 =	vmul.f32 v31, v10;
	v24 =	vld [tilespmem:s28+$0xE0]  }
0x477: {  	v30 =	vmax.f32 v30, v32;
	v31 =	vmul.f32 $2.000000030e-01, v29;
	v27 =	vadd.f32 v27, v33;
	v32 =	vld [tilespmem:s26+$0xF0];
	s9 =	spop (v2sf)  }
0x478: {  	v33 =	vperm.xlane v11, v2;
	v19 =	vadd.f32 v22, v19;
	v22 =	vmul.f32 v30, v9;
	v30 =	vld [tilespmem:s28+$0xF0];
	s5 =	sadd.f32 s9, s5  }
0x479: {  	v29 =	vmax.f32 v29, v31;
	v31 =	vmul.f32 $2.000000030e-01, v27;
	v28 =	vadd.f32 v28, v34;
	v34 =	vld [tilespmem:s26+$0x160];
	s9 =	spop (v2sf)  }
0x47a: {  	v19 =	vadd.f32 v19, v20;
	v17 =	vadd.f32 v22, v17;
	v20 =	vmul.f32 v29, v10;
	v22 =	vld [tilespmem:s28+$0x160];
	s5 =	sadd.f32 s5, s6  }
0x47b: {  	v27 =	vmax.f32 v27, v31;
	v29 =	vmul.f32 $2.000000030e-01, v28;
	v24 =	vadd.f32 v24, v35;
	v31 =	vld [tilespmem:s26+$0x170];
	s6 =	spop (v2sf)  }
0x47c: {  	v35 =	vperm.xlane v19, v2;
	v15 =	vadd.f32 v20, v15;
	v20 =	vmul.f32 v27, v9;
	v27 =	vld [tilespmem:s28+$0x170];
	s6 =	sadd.f32 s6, s9  }
0x47d: {  	v28 =	vmax.f32 v28, v29;
	v29 =	vmul.f32 $2.000000030e-01, v24;
	v30 =	vadd.f32 v30, v32;
	s9 =	spop (v2sf)  }
0x47e: {  	v15 =	vadd.f32 v15, v17;
	v12 =	vadd.f32 v20, v12;
	v17 =	vmul.f32 v28, v10  }
0x47f: {  	v20 =	vmax.f32 v24, v29;
	v24 =	vmul.f32 $2.000000030e-01, v30;
	v22 =	vadd.f32 v22, v34;
	s10 =	spop (v2sf)  }
0x480: {  	v28 =	vperm.xlane v15, v2;
	v16 =	vadd.f32 v17, v16;
	v17 =	vmul.f32 v20, v9;
	s9 =	sadd.f32 s10, s9  }
0x481: {  	v20 =	vmax.f32 v30, v24;
	v24 =	vmul.f32 $2.000000030e-01, v22;
	v27 =	vadd.f32 v27, v31  }
0x482: {  	v12 =	vadd.f32 v16, v12;
	v16 =	vadd.f32 v17, v18;
	v17 =	vmul.f32 v20, v10;
	s6 =	sadd.f32 s9, s6  }
0x483: {  	v18 =	vadd.f32 v26, v36;
	v20 =	vmax.f32 v22, v24;
	v22 =	vmul.f32 $2.000000030e-01, v27  }
0x484: {  	v24 =	vperm.xlane v12, v2;
	v17 =	vadd.f32 v17, v21;
	v20 =	vmul.f32 v20, v9;
	s5 =	sadd.f32 s6, s5  }
0x485: {  	v19 =	vadd.f32 v19, v35;
	v21 =	vadd.f32 v11, v33;
	v11 =	vmax.f32 v27, v22  }
0x486: {  	v17 =	vadd.f32 v17, v16;
	v20 =	vadd.f32 v20, v23;
	v11 =	vmul.f32 v11, v10  }
0x487: {  	v22 =	vmov s0;
	v16 =	vadd.f32 v15, v28;
	v15 =	vadd.f32 v12, v24  }
0x488: {  	v12 =	vperm.xlane v17, v2;
	v11 =	vadd.f32 v11, v25;
	(v2sf) =	vpush v18, $0x0  }
0x489: {  	v23 =	vmov s7;
	v24 =	vmov s8;
	(v2sf) =	vpush v18, $0x1  }
0x48a: {  	v12 =	vadd.f32 v17, v12;
	v11 =	vadd.f32 v11, v20;
	v17 =	vmov s5  }
0x48b: {  	v14 =	vmul.f32 $1.442695020e+00, v14;
	v20 =	vmul.f32 $1.442695020e+00, v22;
	(v2sf) =	vpush v18, $0x2  }
0x48c: {  	v23 =	vmul.f32 $1.442695020e+00, v23;
	v22 =	vperm.xlane v11, v2;
	(v2sf) =	vpush v18, $0x3  }
0x48d: {  	v24 =	vmul.f32 $1.442695020e+00, v24;
	v17 =	vmul.f32 $1.442695020e+00, v17;
	(v2sf) =	vpush v18, $0x4  }
0x48e: {  	v14 =	vbroadcast v14, $0x0;
	v11 =	vadd.f32 v11, v22;
	(v2sf) =	vpush v18, $0x5  }
0x48f: {  	v20 =	vbroadcast v20, $0x0;
	v22 =	vbroadcast v23, $0x0;
	(v2sf) =	vpush v18, $0x6  }
0x490: {  	v17 =	vbroadcast v17, $0x0;
	(v2sf) =	vpush v18, $0x7;
	v18 =	vbroadcast v24, $0x0  }
0x491: {  	(v2sf) =	vpush v21, $0x0;
	(erf) = vpow2.f32 v13  }
0x492: {  	(v2sf) =	vpush v21, $0x1;
	(erf) = vpow2.f32 v14  }
0x493: {  	(v2sf) =	vpush v21, $0x2;
	(erf) = vpow2.f32 v20  }
0x494: {  	(v2sf) =	vpush v21, $0x3;
	(erf) = vpow2.f32 v22  }
0x495: {  	(v2sf) =	vpush v21, $0x4;
	(erf) = vpow2.f32 v18  }
0x496: {  	(v2sf) =	vpush v21, $0x5;
	(erf) = vpow2.f32 v17  }
0x497: {  	s0 =	spop (v2sf);
	(v2sf) =	vpush v21, $0x6  }
0x498: {  	s5 =	spop (v2sf);
	(v2sf) =	vpush v21, $0x7  }
0x499: {  	s0 =	sadd.f32 s5, s0;
	(v2sf) =	vpush v19, $0x0  }
0x49a: {  	s5 =	spop (v2sf);
	(v2sf) =	vpush v19, $0x1;
	v13 =	vpop (erf)  }
0x49b: {  	s6 =	spop (v2sf);
	(v2sf) =	vpush v19, $0x2;
	[tilespmem:s3+$0xFFFFFFD0] =	vst v13;
	v13 =	vpop (erf)  }
0x49c: {  	s5 =	sadd.f32 s6, s5;
	s6 =	spop (v2sf);
	(v2sf) =	vpush v19, $0x3;
	[tilespmem:s3+$0xFFFFFFE0] =	vst v13;
	v13 =	vpop (erf)  }
.Ltmp4:
0x49d: {  	s7 =	spop (v2sf);
	(v2sf) =	vpush v19, $0x4;
	[tilespmem:s3+$0xFFFFFFF0] =	vst v13;
	v13 =	vpop (erf);
	(pc) =	sbr.rel @p0 .LBB2_10-.Ltmp4, $4  }
0x49e: {  	s7 =	sadd.f32 s7, s6;
	s6 =	spop (v2sf);
	(v2sf) =	vpush v19, $0x5;
	[tilespmem:s3+$0x0] =	vst v13;
	v13 =	vpop (erf)  }
0x49f: {  	s0 =	sadd.f32 s5, s0;
	s5 =	spop (v2sf);
	(v2sf) =	vpush v19, $0x6;
	[tilespmem:s3+$0x10] =	vst v13;
	v13 =	vpop (erf)  }
0x4a0: {  	s8 =	sadd.f32 s5, s6;
	s9 =	spop (v2sf);
	(v2sf) =	vpush v19, $0x7;
	[tilespmem:s3+$0x20] =	vst v13;
	s3 =	smov.u32 s2  }
0x4a1: {  	s26 =	sadd.s32 $0x400, s26;
	s24 =	spop (v2sf);
	(v2sf) =	vpush v16, $0x0  }
0x4a2: {  	s5 =	spop (v2sf);
	(v2sf) =	vpush v16, $0x1  }
0x4a3: {  	s6 =	spop (v2sf);
	(v2sf) =	vpush v16, $0x2  }
0x4a4: {  	s10 =	spop (v2sf);
	(v2sf) =	vpush v16, $0x3  }
0x4a5: {  	s11 =	spop (v2sf);
	(v2sf) =	vpush v16, $0x4  }
0x4a6: {  	s12 =	spop (v2sf);
	(v2sf) =	vpush v16, $0x5  }
0x4a7: {  	s13 =	spop (v2sf);
	(v2sf) =	vpush v16, $0x6  }
0x4a8: {  	s26 =	spop (v2sf);
	(v2sf) =	vpush v16, $0x7  }
0x4a9: {  	s9 =	sadd.f32 s24, s9;
	s31 =	spop (v2sf);
	(v2sf) =	vpush v15, $0x0  }
0x4aa: {  	s7 =	sadd.f32 s8, s7;
	s8 =	spop (v2sf);
	(v2sf) =	vpush v15, $0x1  }
0x4ab: {  	s5 =	sadd.f32 s6, s5;
	s6 =	spop (v2sf);
	(v2sf) =	vpush v15, $0x2  }
0x4ac: {  	s0 =	sadd.f32 s7, s0;
	s28 =	spop (v2sf);
	(v2sf) =	vpush v15, $0x3  }
0x4ad: {  	s29 =	sadd.f32 s11, s10;
	s10 =	spop (v2sf);
	(v2sf) =	vpush v15, $0x4  }
0x4ae: {  	s5 =	sadd.f32 s5, s9;
	s9 =	spop (v2sf);
	(v2sf) =	vpush v15, $0x5  }
0x4af: {  	s30 =	sadd.f32 s13, s12;
	s12 =	spop (v2sf);
	(v2sf) =	vpush v15, $0x6  }
0x4b0: {  	s31 =	sadd.f32 s31, s26;
	s24 =	spop (v2sf);
	(v2sf) =	vpush v15, $0x7  }
0x4b1: {  	s7 =	sadd.f32 s30, s29;
	s29 =	spop (v2sf);
	(v2sf) =	vpush v12, $0x0  }
0x4b2: {  	s6 =	sadd.f32 s6, s8;
	s8 =	spop (v2sf);
	(v2sf) =	vpush v12, $0x1  }
0x4b3: {  	s7 =	sadd.f32 s7, s5;
	s30 =	spop (v2sf);
	(v2sf) =	vpush v12, $0x2  }
0x4b4: {  	s10 =	sadd.f32 s10, s28;
	s26 =	spop (v2sf);
	(v2sf) =	vpush v12, $0x3  }
0x4b5: {  	s6 =	sadd.f32 s6, s31;
	s31 =	spop (v2sf);
	(v2sf) =	vpush v12, $0x4  }
0x4b6: {  	s9 =	sadd.f32 s12, s9;
	s12 =	spop (v2sf);
	(v2sf) =	vpush v12, $0x5  }
0x4b7: {  	s11 =	sadd.f32 s29, s24;
	s28 =	spop (v2sf);
	(v2sf) =	vpush v12, $0x6  }
0x4b8: {  	s9 =	sadd.f32 s9, s10;
	s29 =	spop (v2sf);
	(v2sf) =	vpush v12, $0x7  }
0x4b9: {  	s5 =	sadd.f32 s30, s8;
	s30 =	spop (v2sf);
	(v2sf) =	vpush v11, $0x0  }
0x4ba: {  	s6 =	sadd.f32 s9, s6;
	s9 =	spop (v2sf);
	(v2sf) =	vpush v11, $0x1  }
0x4bb: {  	s13 =	sadd.f32 s31, s26;
	s26 =	spop (v2sf);
	(v2sf) =	vpush v11, $0x2  }
0x4bc: {  	s5 =	sadd.f32 s5, s11;
	s31 =	spop (v2sf);
	(v2sf) =	vpush v11, $0x3  }
0x4bd: {  	s12 =	sadd.f32 s28, s12;
	s28 =	spop (v2sf);
	(v2sf) =	vpush v11, $0x4  }
0x4be: {  	s8 =	sadd.f32 s30, s29;
	s29 =	spop (v2sf);
	(v2sf) =	vpush v11, $0x5  }
0x4bf: {  	s12 =	sadd.f32 s12, s13;
	s30 =	spop (v2sf);
	(v2sf) =	vpush v11, $0x6  }
0x4c0: {  	s9 =	sadd.f32 s26, s9;
	s26 =	spop (v2sf);
	(v2sf) =	vpush v11, $0x7  }
0x4c1: {  	s11 =	sadd.f32 s28, s31;
	s31 =	spop (v2sf)  }
0x4c2: {  	s8 =	sadd.f32 s9, s8;
	s13 =	spop (v2sf)  }
0x4c3: {  	s10 =	sadd.f32 s30, s29;
	s9 =	spop (v2sf)  }
0x4c4: {  	s5 =	sadd.f32 s12, s5;
	s28 =	spop (v2sf)  }
0x4c5: {  	s10 =	sadd.f32 s10, s11;
	s29 =	spop (v2sf)  }
0x4c6: {  	s24 =	sadd.f32 s31, s26;
	s30 =	spop (v2sf)  }
0x4c7: {  	s8 =	sadd.f32 s10, s8;
	s31 =	spop (v2sf)  }
0x4c8: {  	s9 =	sadd.f32 s9, s13;
	s13 =	spop (v2sf)  }
0x4c9: {  	s11 =	sadd.f32 s29, s28;
	s28 =	spop (v2sf)  }
0x4ca: {  	s10 =	sadd.f32 s31, s30;
	s29 =	spop (v2sf)  }
0x4cb: {  	v3 =	vmov s0;
	s9 =	sadd.f32 s9, s24;
	s30 =	spop (v2sf)  }
0x4cc: {  	v3 =	vmul.f32 $1.442695020e+00, v3;
	s10 =	sadd.f32 s10, s11;
	s31 =	spop (v2sf)  }
0x4cd: {  	s12 =	sadd.f32 s28, s13;
	s28 =	spop (v2sf)  }
0x4ce: {  	v3 =	vbroadcast v3, $0x0;
	v4 =	vmov s7;
	s29 =	sadd.f32 s30, s29;
	s30 =	spop (v2sf)  }
0x4cf: {  	v4 =	vmul.f32 $1.442695020e+00, v4;
	s11 =	sadd.f32 s28, s31;
	s31 =	spop (v2sf)  }
0x4d0: {  	(erf) = vpow2.f32 v3;
	v61 =	vmov s6;
	s13 =	sadd.f32 s31, s30  }
0x4d1: {  	v3 =	vbroadcast v4, $0x0;
	v4 =	vmul.f32 $1.442695020e+00, v61;
	s0 =	sadd.f32 s29, s12  }
0x4d2: {  	s7 =	sadd.f32 s13, s11  }
0x4d3: {  	v4 =	vbroadcast v4, $0x0;
	v5 =	vmov s5;
	s9 =	sadd.f32 s10, s9  }
0x4d4: {  	(erf) = vpow2.f32 v3;
	v5 =	vmul.f32 $1.442695020e+00, v5;
	v6 =	vmov s8;
	s0 =	sadd.f32 s7, s0  }
0x4d5: {  	(erf) = vpow2.f32 v4;
	v6 =	vmul.f32 $1.442695020e+00, v6;
	v7 =	vmov s9  }
0x4d6: {  	v5 =	vbroadcast v5, $0x0;
	v7 =	vmul.f32 $1.442695020e+00, v7;
	v8 =	vmov s0  }
0x4d7: {  	v3 =	vbroadcast v6, $0x0;
	v8 =	vmul.f32 $1.442695020e+00, v8  }
0x4d8: {  	(erf) = vpow2.f32 v5;
	v62 =	vbroadcast v7, $0x0  }
0x4d9: {  	(erf) = vpow2.f32 v3;
	v63 =	vbroadcast v8, $0x0  }
0x4da: {  	(erf) = vpow2.f32 v62  }
0x4db: {  	(erf) = vpow2.f32 v63;
	_ =	sdelay $0x2  }
0x4dc: {  	v3 =	vpop (erf)  }
0x4dd: {  	[tilespmem:s2+$0xFFFFFFC0] =	vst v3;
	v3 =	vpop (erf)  }
0x4de: {  	[tilespmem:s3+$0xFFFFFFD0] =	vst v3;
	v3 =	vpop (erf)  }
0x4df: {  	[tilespmem:s3+$0xFFFFFFE0] =	vst v3;
	v3 =	vpop (erf)  }
0x4e0: {  	[tilespmem:s3+$0xFFFFFFF0] =	vst v3;
	v3 =	vpop (erf)  }
0x4e1: {  	[tilespmem:s3+$0x0] =	vst v3;
	v3 =	vpop (erf)  }
0x4e2: {  	[tilespmem:s3+$0x10] =	vst v3;
	v3 =	vpop (erf)  }
0x4e3: {  	s24 =	simm.s32 $0x4DD0;
	[tilespmem:s3+$0x20] =	vst v3  }
0x4e4: {  	[spmem:s4] =	stream.indirect.scatter.add.f32 [tilespmem:s21], [sflag:$0x3], $0x10, s24, s14, $0xb8;
	[tilespmem:$0x148A0] =	vst v63  }
0x4e5: {  	_ =	swait.ge [sflag:s20], $0x500  }
0x4e6: {  	[sflag:s20] =	ssyncset.done $0x0  }
0x4e7: {  	[sflag:s20] =	ssyncadd.s32 $0xFFFFFB00  }
0x4e8: {  	_ =	swait.ge [sflag:s23], $0x500  }
0x4e9: {  	[sflag:s23] =	ssyncset.done $0x0  }
0x4ea: {  	[sflag:s23] =	ssyncadd.s32 $0xFFFFFB00  }
0x4eb: {  	s26 =	stileid.u32;
	[bflag:$0x0] =	sbarrier.arrive $0xFFFF  }
0x4ec: {  	s6 =	simm.s32 $0x5;
	s0 =	sshll.u32 s26, $0x6;
	s5 =	rddreg [dreg:$0x6]  }
0x4ed: {  	s0 =	sor.u32 $0x1C05, s0;
	s29 =	rddreg [dreg:$0xa];
	s28 =	sshrl.u32 s5, $0x3  }
0x4ee: {  	[hbm:s29], [sflag:s0] =	dma.local [spmem:s28], $0x500  }
0x4ef: {  	_ =	swait.ge [sflag:s6], $0x500  }
0x4f0: {  	s30 =	rddreg [dreg:$0x5]  }
0x4f1: {  	s31 =	rddreg [dreg:$0x9];
	s8 =	sadd.s32 $0x1, s30  }
0x4f2: {  	p0 =	sne.s32 s8, s31  }
.Ltmp5:
0x4f3: {  	_ = 	snop;
	(pc) =	sbr.rel @p0 .LBB2_1-.Ltmp5, $3  }
0x4f4: {  	_ =	sdelay $0x1  }
0x4f5: {  	[sflag:s6] =	ssyncset.done $0x0  }
0x4f6: {  	[sflag:s6] =	ssyncadd.s32 $0xFFFFFB00  }
0x4f7: {  	_ =	sfence.sel $0x180000  }
0x4f8: {  	[bflag:$0x0] =	sbarrier.arrive $0xFFFF  }
0x4f9: {  	_ =	strace $0x90000047  }
0x4fa: {  	s0 =	stileid.u32;
	[bflag:$0x2] =	sbarrier.arrive $0xFFFF  }
0x4fb: {  	p0 =	sne.s32 s0, $0x0;
	s0 =	rddreg [dreg:$0x4]  }
0x4fc: {  	s0 =	sadd.s32 @!p0 $0x100000, s0  }
0x4fd: {  	[sflag:s0] =	ssyncadd.tile.s32 @!p0 $0x1;
	_ =	shalt  }
.Lfunc_end2:
_tile_overlayer_lowered:
.L_overlay_start_2:
0x4fe: {  	(tag) =	ssettag $0x2  }
0x4ff: {  	s0 =	rddreg [dreg:$0x0];
	s2 =	stileid.u32  }
0x500: {  	s1 =	rddreg [dreg:$0x1];
	p0 =	sne.s32 s2, $0x0  }
0x501: {  	s3 =	rddreg [dreg:$0x2];
	[bflag:$0x3] =	sbarrier.arrive $0xFFFF;
	s2 =	simm.s32 @!p0 $0x1C05  }
0x502: {  	[timem:s3], [sflag:s2] =	dma.local @!p0 [hbm:s0], s1  }
0x503: {  	s0 =	simm.s32 @!p0 $0x5  }
0x504: {  	_ =	swait.ge @!p0 [sflag:s0], s1  }
0x505: {  	s1 =	ssub.s32 @!p0 $0x0, s1;
	[sflag:s0] =	ssyncset.done @!p0 $0x0  }
0x506: {  	[sflag:s0] =	ssyncadd.s32 @!p0 s1  }
0x507: {  	[bflag:$0x3] =	sbarrier.arrive $0xFFFF  }
0x508: {  	_ =	shalt  }

</sc_bundles>
